<compile_context>
chip_gen: v7x
topology: tpu7x:2x2x1
jax: 0.10.2.dev20260603
libtpu: 0.0.44.dev20260713+nightly
codegen_flags: <defaults>
</compile_context>

<pallas_src>
import functools

import jax
import jax.numpy as jnp
from jax import lax
from jax.experimental import pallas as pl
from jax.experimental.pallas import tpu as pltpu
from jax.experimental.pallas import tpu_sc as plsc

B = 16384
ZIP_V = 100000
ZIP_D = 64
NC = 2
NS = 16
NW = NC * NS
B_PER_W = B // NW
CH = 64
N_CHUNKS = B_PER_W // CH
F_PER_W = ZIP_D // NW
ZQ = 2048
NZQ = B // ZQ

BT = 4096
BN_EPS = 1e-3


@functools.lru_cache(maxsize=1)
def _make_sc_gather():
    mesh = plsc.VectorSubcoreMesh(core_axis_name="c", subcore_axis_name="s")

    @functools.partial(
        pl.kernel,
        mesh=mesh,
        compiler_params=pltpu.CompilerParams(needs_layout_passes=False),
        out_type=[
            jax.ShapeDtypeStruct((B, 128), jnp.float32),
            jax.ShapeDtypeStruct((ZIP_D, B), jnp.float32),
        ],
        scratch_types=[
            pltpu.VMEM((B_PER_W,), jnp.int32),
            pltpu.VMEM((ZQ,), jnp.int32),
            pltpu.VMEM((ZQ,), jnp.int32),
            pltpu.VMEM((ZIP_V,), jnp.float32),
            pltpu.VMEM((ZQ,), jnp.float32),
            pltpu.VMEM((ZQ,), jnp.float32),
            pltpu.VMEM((2, CH, 128), jnp.float32),
            pltpu.SemaphoreType.DMA,
            pltpu.SemaphoreType.DMA,
            pltpu.SemaphoreType.DMA,
            pltpu.SemaphoreType.DMA,
        ],
    )
    def sc_gather(uid_hbm, zid_hbm, utab_hbm, ztabt_hbm, out_u, out_zt,
                  uidx_v, zidq0, zidq1, rowbuf_v, zoutq0, zoutq1, urows_v,
                  usem, zsem, zqsem, zosem):
        wid = lax.axis_index("s") * NC + lax.axis_index("c")
        base = wid * B_PER_W
        pltpu.sync_copy(uid_hbm.at[pl.ds(base, B_PER_W)], uidx_v)
        zrow_cp = pltpu.async_copy(ztabt_hbm.at[wid * F_PER_W], rowbuf_v,
                                   zsem)

        def fire(ci):
            o = ci * CH
            b = ci % 2
            return pltpu.async_copy(utab_hbm.at[uidx_v.at[pl.ds(o, CH)]],
                                    urows_v.at[b], usem)

        zidq = [zidq0, zidq1]
        zoutq = [zoutq0, zoutq1]
        idx_cp = [
            pltpu.async_copy(zid_hbm.at[pl.ds(0, ZQ)], zidq0, zqsem),
            pltpu.async_copy(zid_hbm.at[pl.ds(ZQ, ZQ)], zidq1, zqsem),
        ]
        out_cp = [None, None]
        n_tasks = F_PER_W * NZQ

        def do_zip_feature(f):
            c = wid * F_PER_W + f
            for q in range(NZQ):
                t = f * NZQ + q
                b = t % 2
                idx_cp[b].wait()
                if out_cp[b] is not None:
                    out_cp[b].wait()
                src = zidq[b]
                dst = zoutq[b]

                @plsc.parallel_loop(0, ZQ // 16, unroll=16)
                def _gq(g, _src=src, _dst=dst):
                    o = g * 16
                    _dst[pl.ds(o, 16)] = plsc.load_gather(
                        rowbuf_v, [_src[pl.ds(o, 16)]])

                out_cp[b] = pltpu.async_copy(
                    dst, out_zt.at[c, pl.ds(q * ZQ, ZQ)], zosem)
                nt = t + 2
                if nt < n_tasks:
                    nq = nt % NZQ
                    idx_cp[b] = pltpu.async_copy(
                        zid_hbm.at[pl.ds(nq * ZQ, ZQ)], zidq[b], zqsem)

        def user_chunks(lo, hi):
            for ci in range(lo, hi):
                b = ci % 2
                inflight[b].wait()
                pltpu.sync_copy(urows_v.at[b],
                                out_u.at[pl.ds(base + ci * CH, CH)])
                if ci + 2 < N_CHUNKS:
                    inflight[b] = fire(ci + 2)

        inflight = [fire(0), fire(1)]
        user_chunks(0, N_CHUNKS // 2)
        zrow_cp.wait()
        do_zip_feature(0)
        zrow_cp2 = pltpu.async_copy(
            ztabt_hbm.at[wid * F_PER_W + 1], rowbuf_v, zsem)
        user_chunks(N_CHUNKS // 2, N_CHUNKS)
        zrow_cp2.wait()
        do_zip_feature(1)
        for cp in out_cp:
            if cp is not None:
                cp.wait()

    return sc_gather


def _mlp_body(ipack, fpack, ue, zet, w1u, w1z, wsm, ctab, w1c, wsc,
              vp1, vp2, w2, out):
    g = ipack[0, :]
    occ = ipack[1, :]
    age = ipack[2, :]
    dow = ipack[3, :]
    hod = ipack[4, :]
    tdot = lambda a, b: lax.dot_general(a, b, (((0,), (0,)), ((), ())),
                                        preferred_element_type=jnp.float32)
    rows64 = lax.broadcasted_iota(jnp.int32, (64, BT), 0)
    mt = ((rows64 == g[None, :])
          | (rows64 == occ[None, :] + 2)
          | (rows64 == age[None, :] + 24)
          | (rows64 == dow[None, :] + 31)
          | (rows64 == hod[None, :] + 38)
          | (rows64 == 62)).astype(jnp.float32)
    cross = (dow * 24 + hod) % 34 + 1
    rows40 = lax.broadcasted_iota(jnp.int32, (40, BT), 0)
    mct = (rows40 == cross[None, :]).astype(jnp.float32)
    cproj = jnp.dot(ctab[...], w1c[...], preferred_element_type=jnp.float32)
    h = (jnp.dot(ue[...], w1u[...], preferred_element_type=jnp.float32)
         + tdot(zet[...], w1z[...])
         + tdot(mt, wsm[...])
         + tdot(mct, cproj)
         + tdot(fpack[...], wsc[...]))
    h = jnp.maximum(h, 0.0)
    s1 = vp1[0, :] * lax.rsqrt(vp1[3, :] + BN_EPS)
    t1 = vp1[1, :] - vp1[2, :] * s1
    h = h * s1[None, :] + t1[None, :]
    h2 = jnp.dot(h, w2[...], preferred_element_type=jnp.float32) + vp2[0, :][None, :]
    h2 = jnp.maximum(h2, 0.0)
    s2 = vp2[1, :] * lax.rsqrt(vp2[4, :] + BN_EPS)
    t2 = vp2[2, :] - vp2[3, :] * s2
    h2 = h2 * s2[None, :] + t2[None, :]
    ss = jnp.sum(h2 * h2, axis=-1, keepdims=True)
    out[...] = (h2 * lax.rsqrt(jnp.maximum(ss, 1e-12))).T


def _mlp_call(ipack, fpack, ue, zet, w1u, w1z, wsm, ctab, w1c, wsc,
              vp1, vp2, w2):
    grid = B // BT
    full = lambda shp: pl.BlockSpec(shp, lambda i: (0, 0))
    return pl.pallas_call(
        _mlp_body,
        grid=(grid,),
        in_specs=[
            pl.BlockSpec((5, BT), lambda i: (0, i)),
            pl.BlockSpec((3, BT), lambda i: (0, i)),
            pl.BlockSpec((BT, 128), lambda i: (i, 0)),
            pl.BlockSpec((64, BT), lambda i: (0, i)),
            full((128, 128)),
            full((64, 128)),
            full((64, 128)),
            full((40, 32)),
            full((32, 128)),
            full((3, 128)),
            full((4, 128)),
            full((5, 64)),
            full((128, 64)),
        ],
        out_specs=pl.BlockSpec((64, BT), lambda i: (0, i)),
        out_shape=jax.ShapeDtypeStruct((64, B), jnp.float32),
    )(ipack, fpack, ue, zet, w1u, w1z, wsm, ctab, w1c, wsc, vp1, vp2, w2)


def kernel(user_gender, user_id, user_occupation_label, user_zip_code,
           bucketized_user_age, day_of_week, hour_of_day,
           example_age, example_age_square, example_age_sqrt,
           user_table, zip_table, cross_table,
           W1, b1, bn1_gamma, bn1_beta, bn1_mean, bn1_var,
           W2, b2, bn2_gamma, bn2_beta, bn2_mean, bn2_var):
    uid = user_id.astype(jnp.int32)
    zid = user_zip_code.astype(jnp.int32)
    ue, zet = _make_sc_gather()(uid, zid, user_table, zip_table.T)

    ipack = jnp.stack([
        user_gender.astype(jnp.int32),
        user_occupation_label.astype(jnp.int32),
        bucketized_user_age.astype(jnp.int32),
        day_of_week.astype(jnp.int32),
        hour_of_day.astype(jnp.int32),
    ])
    fpack = jnp.stack([example_age, example_age_square, example_age_sqrt])
    wsm = jnp.concatenate([
        W1[0:2], W1[130:152], W1[216:223], W1[223:230], W1[230:254],
        b1[None, :], jnp.zeros((1, 128), jnp.float32)], axis=0)
    ctab = jnp.concatenate([cross_table, jnp.zeros((5, 32), jnp.float32)], axis=0)
    vp1 = jnp.stack([bn1_gamma, bn1_beta, bn1_mean, bn1_var])
    vp2 = jnp.stack([b2, bn2_gamma, bn2_beta, bn2_mean, bn2_var])
    out_t = _mlp_call(ipack, fpack, ue, zet,
                      W1[2:130], W1[152:216], wsm, ctab, W1[254:286],
                      W1[286:289], vp1, vp2, W2)
    return out_t.T

# --- scband reference (transcript-rebuilt; emitter-appended) ---
"""Pipeline reference for scband-movie-lens-query-model-68255620268281 (READ-ONLY COPY).

The authoritative reference and input builder live on the scoring server;
editing this copy changes nothing except your own understanding.
"""

import jax, jax.numpy as jnp
import numpy as np

B = 16384
USER_V = 1000000
ZIP_V = 100000
AGE_BUCKETS = 7
CROSS_BINS = 34
CONCAT_DIM = 2 + 128 + 22 + 64 + AGE_BUCKETS + 7 + 24 + 32 + 3  # 289
BN_EPS = 1e-3


def setup_inputs(seed: int = 0) -> dict:
    key = jax.random.key(seed)
    ks = jax.random.split(key, 24)
    inp = {}
    inp["user_gender"] = jax.random.randint(ks[0], (B,), 0, 2).astype(bool)
    inp["user_id"] = jax.random.randint(ks[1], (B,), 0, USER_V)
    inp["user_occupation_label"] = jax.random.randint(ks[2], (B,), 0, 22)
    inp["user_zip_code"] = jax.random.randint(ks[3], (B,), 0, ZIP_V)
    inp["bucketized_user_age"] = jax.random.randint(ks[4], (B,), 0, AGE_BUCKETS)
    inp["day_of_week"] = jax.random.randint(ks[5], (B,), 0, 7)
    inp["hour_of_day"] = jax.random.randint(ks[6], (B,), 0, 24)
    inp["example_age"] = jax.random.uniform(ks[7], (B,), dtype=jnp.float32)
    inp["example_age_square"] = jax.random.uniform(ks[8], (B,), dtype=jnp.float32)
    inp["example_age_sqrt"] = jax.random.uniform(ks[9], (B,), dtype=jnp.float32)
    # learned parameters
    inp["user_table"] = jax.random.normal(ks[10], (USER_V, 128), dtype=jnp.float32) * 0.05
    inp["zip_table"] = jax.random.normal(ks[11], (ZIP_V, 64), dtype=jnp.float32) * 0.05
    inp["cross_table"] = jax.random.normal(ks[12], (CROSS_BINS + 1, 32), dtype=jnp.float32) * 0.05
    inp["W1"] = jax.random.normal(ks[13], (CONCAT_DIM, 128), dtype=jnp.float32) * 0.05
    inp["b1"] = jnp.zeros((128,), dtype=jnp.float32)
    inp["bn1_gamma"] = jnp.ones((128,), dtype=jnp.float32)
    inp["bn1_beta"] = jnp.zeros((128,), dtype=jnp.float32)
    inp["bn1_mean"] = jax.random.normal(ks[14], (128,), dtype=jnp.float32) * 0.01
    inp["bn1_var"] = jnp.ones((128,), dtype=jnp.float32)
    inp["W2"] = jax.random.normal(ks[15], (128, 64), dtype=jnp.float32) * 0.05
    inp["b2"] = jnp.zeros((64,), dtype=jnp.float32)
    inp["bn2_gamma"] = jnp.ones((64,), dtype=jnp.float32)
    inp["bn2_beta"] = jnp.zeros((64,), dtype=jnp.float32)
    inp["bn2_mean"] = jax.random.normal(ks[16], (64,), dtype=jnp.float32) * 0.01
    inp["bn2_var"] = jnp.ones((64,), dtype=jnp.float32)
    return inp


def reference(user_gender, user_id, user_occupation_label, user_zip_code,
              bucketized_user_age, day_of_week, hour_of_day,
              example_age, example_age_square, example_age_sqrt,
              user_table, zip_table, cross_table,
              W1, b1, bn1_gamma, bn1_beta, bn1_mean, bn1_var,
              W2, b2, bn2_gamma, bn2_beta, bn2_mean, bn2_var):
    gender_oh = jax.nn.one_hot(jnp.where(user_gender, 1, 0), 2, dtype=jnp.float32)
    user_e = jnp.take(user_table, user_id, axis=0)
    occ_oh = jax.nn.one_hot(user_occupation_label, 22, dtype=jnp.float32)
    zip_e = jnp.take(zip_table, user_zip_code, axis=0)
    age_oh = jax.nn.one_hot(bucketized_user_age, AGE_BUCKETS, dtype=jnp.float32)
    dow_oh = jax.nn.one_hot(day_of_week, 7, dtype=jnp.float32)
    hod_oh = jax.nn.one_hot(hour_of_day, 24, dtype=jnp.float32)
    # HashedCrossing(num_bins=34) -> Embedding(input_dim=35): deterministic hash of the pair
    cross_idx = (day_of_week * 24 + hour_of_day) % CROSS_BINS + 1
    cross_e = jnp.take(cross_table, cross_idx, axis=0)
    feats = jnp.concatenate([
        gender_oh, user_e, occ_oh, zip_e, age_oh, dow_oh, hod_oh, cross_e,
        example_age[:, None], example_age_square[:, None], example_age_sqrt[:, None],
    ], axis=-1)
    h = jax.nn.relu(feats @ W1 + b1)
    h = (h - bn1_mean) / jnp.sqrt(bn1_var + BN_EPS) * bn1_gamma + bn1_beta
    h = jax.nn.relu(h @ W2 + b2)
    h = (h - bn2_mean) / jnp.sqrt(bn2_var + BN_EPS) * bn2_gamma + bn2_beta
    norm = jnp.sqrt(jnp.maximum(jnp.sum(h * h, axis=-1, keepdims=True), 1e-12))
    return h / norm

if __name__ == "__main__":
    import jax
    _d = setup_inputs()
    print(jax.jit(kernel)(*tuple(_d.values())))

</pallas_src>

<mosaic_0001>
#map = affine_map<(d0, d1) -> (0)>
#map1 = affine_map<(d0, d1) -> (0, 0)>
module attributes {stable_mosaic.version = 14 : i64} {
  func.func @sc_gather(%arg0: i32, %arg1: i32, %arg2: memref<16384xi32, #tpu.memory_space<hbm>>, %arg3: memref<16384xi32, #tpu.memory_space<hbm>>, %arg4: memref<1000000x128xf32, #tpu.memory_space<hbm>>, %arg5: memref<64x100000xf32, #tpu.memory_space<hbm>>, %arg6: memref<16384x128xf32, #tpu.memory_space<hbm>>, %arg7: memref<64x16384xf32, #tpu.memory_space<hbm>>, %arg8: memref<512xi32, #tpu.memory_space<vmem>>, %arg9: memref<2048xi32, #tpu.memory_space<vmem>>, %arg10: memref<2048xi32, #tpu.memory_space<vmem>>, %arg11: memref<100000xf32, #tpu.memory_space<vmem>>, %arg12: memref<2048xf32, #tpu.memory_space<vmem>>, %arg13: memref<2048xf32, #tpu.memory_space<vmem>>, %arg14: memref<2x64x128xf32, #tpu.memory_space<vmem>>, %arg15: memref<!tpu.dma_semaphore, #tpu.memory_space<semaphore_mem>>, %arg16: memref<!tpu.dma_semaphore, #tpu.memory_space<semaphore_mem>>, %arg17: memref<!tpu.dma_semaphore, #tpu.memory_space<semaphore_mem>>, %arg18: memref<!tpu.dma_semaphore, #tpu.memory_space<semaphore_mem>>) attributes {dimension_semantics = [#tpu.dimension_semantics<core_parallel>, #tpu.dimension_semantics<subcore_parallel>], iteration_bounds = array<i64: 2, 16>, scalar_prefetch = 0 : i64, scratch_operands = 11 : i64, tpu.core_type = #tpu.core_type<sc_vector_subcore>, window_params = [{transform_indices = #map}, {transform_indices = #map}, {transform_indices = #map1}, {transform_indices = #map1}, {transform_indices = #map1}, {transform_indices = #map1}]} {
    %mul3A = arith.constant 2 : i32
    %mul3A_0 = arith.muli %arg1, %mul3A : i32
    %add3A = arith.addi %mul3A_0, %arg0 : i32
    %mul3A_1 = arith.constant 512 : i32
    %mul3A_2 = arith.muli %add3A, %mul3A_1 : i32
    "tpu.region"() ({
      %run_scoped3A_589 = tpu.sem_alloc : memref<!tpu.dma_semaphore, #tpu.memory_space<semaphore_mem>>
      %dma_start3A_590 = tpu.memref_slice %arg2[%mul3A_2] : memref<16384xi32, #tpu.memory_space<hbm>> -> memref<512xi32, #tpu.memory_space<hbm>>
      %dma_start3A_591 = tpu.memref_slice %arg2[%mul3A_2] : memref<16384xi32, #tpu.memory_space<hbm>> -> memref<512xi32, #tpu.memory_space<hbm>>
      tpu.enqueue_dma source(%dma_start3A_591 : memref<512xi32, #tpu.memory_space<hbm>>) target(%arg8 : memref<512xi32, #tpu.memory_space<vmem>>) target_semaphore(%run_scoped3A_589 : memref<!tpu.dma_semaphore, #tpu.memory_space<semaphore_mem>>)
      %dma_wait3A_592 = tpu.memref_slice %arg2[%mul3A_2] : memref<16384xi32, #tpu.memory_space<hbm>> -> memref<512xi32, #tpu.memory_space<hbm>>
      %dma_wait3A_593 = tpu.memref_slice %arg2[%mul3A_2] : memref<16384xi32, #tpu.memory_space<hbm>> -> memref<512xi32, #tpu.memory_space<hbm>>
      tpu.wait_dma2 semaphore(%run_scoped3A_589 : memref<!tpu.dma_semaphore, #tpu.memory_space<semaphore_mem>>) src(%dma_wait3A_593 : memref<512xi32, #tpu.memory_space<hbm>>) dst(%arg8 : memref<512xi32, #tpu.memory_space<vmem>>)
      tpu.yield
    }) : () -> ()
    %mul3A_3 = arith.constant 2 : i32
    %mul3A_4 = arith.muli %add3A, %mul3A_3 : i32
    %dma_start3A = arith.constant 0 : i32
    %dma_start3A_5 = tpu.memref_slice %arg5[%mul3A_4, %dma_start3A] : memref<64x100000xf32, #tpu.memory_space<hbm>> -> memref<1x100000xf32, #tpu.memory_space<hbm>>
    %dma_start3A_6 = tpu.memref_squeeze %dma_start3A_5 : memref<1x100000xf32, #tpu.memory_space<hbm>> -> memref<100000xf32, #tpu.memory_space<hbm>>
    %dma_start3A_7 = arith.constant 0 : i32
    %dma_start3A_8 = tpu.memref_slice %arg5[%mul3A_4, %dma_start3A_7] : memref<64x100000xf32, #tpu.memory_space<hbm>> -> memref<1x100000xf32, #tpu.memory_space<hbm>>
    %dma_start3A_9 = tpu.memref_squeeze %dma_start3A_8 : memref<1x100000xf32, #tpu.memory_space<hbm>> -> memref<100000xf32, #tpu.memory_space<hbm>>
    tpu.enqueue_dma source(%dma_start3A_9 : memref<100000xf32, #tpu.memory_space<hbm>>) target(%arg11 : memref<100000xf32, #tpu.memory_space<vmem>>) target_semaphore(%arg16 : memref<!tpu.dma_semaphore, #tpu.memory_space<semaphore_mem>>)
    %dma_start3A_10 = arith.constant 0 : i32
    %dma_start3A_11 = tpu.memref_slice %arg3[%dma_start3A_10] : memref<16384xi32, #tpu.memory_space<hbm>> -> memref<2048xi32, #tpu.memory_space<hbm>>
    %dma_start3A_12 = arith.constant 0 : i32
    %dma_start3A_13 = tpu.memref_slice %arg3[%dma_start3A_12] : memref<16384xi32, #tpu.memory_space<hbm>> -> memref<2048xi32, #tpu.memory_space<hbm>>
    tpu.enqueue_dma source(%dma_start3A_13 : memref<2048xi32, #tpu.memory_space<hbm>>) target(%arg9 : memref<2048xi32, #tpu.memory_space<vmem>>) target_semaphore(%arg17 : memref<!tpu.dma_semaphore, #tpu.memory_space<semaphore_mem>>)
    %dma_start3A_14 = arith.constant 2048 : i32
    %dma_start3A_15 = tpu.memref_slice %arg3[%dma_start3A_14] : memref<16384xi32, #tpu.memory_space<hbm>> -> memref<2048xi32, #tpu.memory_space<hbm>>
    %dma_start3A_16 = arith.constant 2048 : i32
    %dma_start3A_17 = tpu.memref_slice %arg3[%dma_start3A_16] : memref<16384xi32, #tpu.memory_space<hbm>> -> memref<2048xi32, #tpu.memory_space<hbm>>
    tpu.enqueue_dma source(%dma_start3A_17 : memref<2048xi32, #tpu.memory_space<hbm>>) target(%arg10 : memref<2048xi32, #tpu.memory_space<vmem>>) target_semaphore(%arg17 : memref<!tpu.dma_semaphore, #tpu.memory_space<semaphore_mem>>)
    %dma_start3A_18 = arith.constant 0 : i32
    %dma_start3A_19 = arith.constant 0 : i32
    %dma_start3A_20 = arith.constant 0 : i32
    %dma_start3A_21 = tpu.memref_slice %arg14[%dma_start3A_18, %dma_start3A_19, %dma_start3A_20] : memref<2x64x128xf32, #tpu.memory_space<vmem>> -> memref<1x64x128xf32, #tpu.memory_space<vmem>>
    %dma_start3A_22 = tpu.memref_squeeze %dma_start3A_21 : memref<1x64x128xf32, #tpu.memory_space<vmem>> -> memref<64x128xf32, #tpu.memory_space<vmem>>
    %dma_start3A_23 = arith.constant 0 : i32
    %dma_start3A_24 = tpu.memref_slice %arg8[%dma_start3A_23] : memref<512xi32, #tpu.memory_space<vmem>> -> memref<64xi32, #tpu.memory_space<vmem>>
    %dma_start3A_25 = arith.constant 0 : i32
    %dma_start3A_26 = arith.constant 0 : i32
    %dma_start3A_27 = tpu.memref_slice %arg4[%dma_start3A_25, %dma_start3A_26] : memref<1000000x128xf32, #tpu.memory_space<hbm>> -> memref<1000000x128xf32, #tpu.memory_space<hbm>>
    tpu.enqueue_indirect_dma source(%dma_start3A_27 : memref<1000000x128xf32, #tpu.memory_space<hbm>>) target(%dma_start3A_22 : memref<64x128xf32, #tpu.memory_space<vmem>>) offsets(%dma_start3A_24 : memref<64xi32, #tpu.memory_space<vmem>>) semaphore(%arg15 : memref<!tpu.dma_semaphore, #tpu.memory_space<semaphore_mem>>)
    %dma_start3A_28 = arith.constant 1 : i32
    %dma_start3A_29 = arith.constant 0 : i32
    %dma_start3A_30 = arith.constant 0 : i32
    %dma_start3A_31 = tpu.memref_slice %arg14[%dma_start3A_28, %dma_start3A_29, %dma_start3A_30] : memref<2x64x128xf32, #tpu.memory_space<vmem>> -> memref<1x64x128xf32, #tpu.memory_space<vmem>>
    %dma_start3A_32 = tpu.memref_squeeze %dma_start3A_31 : memref<1x64x128xf32, #tpu.memory_space<vmem>> -> memref<64x128xf32, #tpu.memory_space<vmem>>
    %dma_start3A_33 = arith.constant 64 : i32
    %dma_start3A_34 = tpu.memref_slice %arg8[%dma_start3A_33] : memref<512xi32, #tpu.memory_space<vmem>> -> memref<64xi32, #tpu.memory_space<vmem>>
    %dma_start3A_35 = arith.constant 0 : i32
    %dma_start3A_36 = arith.constant 0 : i32
    %dma_start3A_37 = tpu.memref_slice %arg4[%dma_start3A_35, %dma_start3A_36] : memref<1000000x128xf32, #tpu.memory_space<hbm>> -> memref<1000000x128xf32, #tpu.memory_space<hbm>>
    tpu.enqueue_indirect_dma source(%dma_start3A_37 : memref<1000000x128xf32, #tpu.memory_space<hbm>>) target(%dma_start3A_32 : memref<64x128xf32, #tpu.memory_space<vmem>>) offsets(%dma_start3A_34 : memref<64xi32, #tpu.memory_space<vmem>>) semaphore(%arg15 : memref<!tpu.dma_semaphore, #tpu.memory_space<semaphore_mem>>)
    %dma_wait3A = arith.constant 0 : i32
    %dma_wait3A_38 = arith.constant 0 : i32
    %dma_wait3A_39 = arith.constant 0 : i32
    %dma_wait3A_40 = tpu.memref_slice %arg14[%dma_wait3A, %dma_wait3A_38, %dma_wait3A_39] : memref<2x64x128xf32, #tpu.memory_space<vmem>> -> memref<1x64x128xf32, #tpu.memory_space<vmem>>
    %dma_wait3A_41 = tpu.memref_squeeze %dma_wait3A_40 : memref<1x64x128xf32, #tpu.memory_space<vmem>> -> memref<64x128xf32, #tpu.memory_space<vmem>>
    %dma_wait3A_42 = arith.constant 0 : i32
    %dma_wait3A_43 = tpu.memref_slice %arg8[%dma_wait3A_42] : memref<512xi32, #tpu.memory_space<vmem>> -> memref<64xi32, #tpu.memory_space<vmem>>
    %dma_wait3A_44 = arith.constant 0 : i32
    %dma_wait3A_45 = arith.constant 0 : i32
    %dma_wait3A_46 = tpu.memref_slice %arg4[%dma_wait3A_44, %dma_wait3A_45] : memref<1000000x128xf32, #tpu.memory_space<hbm>> -> memref<1000000x128xf32, #tpu.memory_space<hbm>>
    tpu.wait_indirect_dma semaphore(%arg15 : memref<!tpu.dma_semaphore, #tpu.memory_space<semaphore_mem>>) src(%dma_wait3A_46 : memref<1000000x128xf32, #tpu.memory_space<hbm>>) dst(%dma_wait3A_41 : memref<64x128xf32, #tpu.memory_space<vmem>>)
    %add3A_47 = arith.constant 0 : i32
    %add3A_48 = arith.addi %mul3A_2, %add3A_47 : i32
    %run_scoped3A = arith.constant 0 : i32
    "tpu.region"() ({
      %run_scoped3A_589 = tpu.sem_alloc : memref<!tpu.dma_semaphore, #tpu.memory_space<semaphore_mem>>
      %dma_start3A_590 = arith.constant 0 : i32
      %dma_start3A_591 = arith.constant 0 : i32
      %dma_start3A_592 = tpu.memref_slice %arg14[%run_scoped3A, %dma_start3A_590, %dma_start3A_591] : memref<2x64x128xf32, #tpu.memory_space<vmem>> -> memref<1x64x128xf32, #tpu.memory_space<vmem>>
      %dma_start3A_593 = tpu.memref_squeeze %dma_start3A_592 : memref<1x64x128xf32, #tpu.memory_space<vmem>> -> memref<64x128xf32, #tpu.memory_space<vmem>>
      %dma_start3A_594 = arith.constant 0 : i32
      %dma_start3A_595 = tpu.memref_slice %arg6[%add3A_48, %dma_start3A_594] : memref<16384x128xf32, #tpu.memory_space<hbm>> -> memref<64x128xf32, #tpu.memory_space<hbm>>
      %dma_start3A_596 = arith.constant 0 : i32
      %dma_start3A_597 = tpu.memref_slice %arg6[%add3A_48, %dma_start3A_596] : memref<16384x128xf32, #tpu.memory_space<hbm>> -> memref<64x128xf32, #tpu.memory_space<hbm>>
      %dma_start3A_598 = arith.constant 0 : i32
      %dma_start3A_599 = arith.constant 0 : i32
      %dma_start3A_600 = tpu.memref_slice %arg14[%run_scoped3A, %dma_start3A_598, %dma_start3A_599] : memref<2x64x128xf32, #tpu.memory_space<vmem>> -> memref<1x64x128xf32, #tpu.memory_space<vmem>>
      %dma_start3A_601 = tpu.memref_squeeze %dma_start3A_600 : memref<1x64x128xf32, #tpu.memory_space<vmem>> -> memref<64x128xf32, #tpu.memory_space<vmem>>
      tpu.enqueue_dma source(%dma_start3A_601 : memref<64x128xf32, #tpu.memory_space<vmem>>) target(%dma_start3A_597 : memref<64x128xf32, #tpu.memory_space<hbm>>) target_semaphore(%run_scoped3A_589 : memref<!tpu.dma_semaphore, #tpu.memory_space<semaphore_mem>>)
      %dma_wait3A_602 = arith.constant 0 : i32
      %dma_wait3A_603 = arith.constant 0 : i32
      %dma_wait3A_604 = tpu.memref_slice %arg14[%run_scoped3A, %dma_wait3A_602, %dma_wait3A_603] : memref<2x64x128xf32, #tpu.memory_space<vmem>> -> memref<1x64x128xf32, #tpu.memory_space<vmem>>
      %dma_wait3A_605 = tpu.memref_squeeze %dma_wait3A_604 : memref<1x64x128xf32, #tpu.memory_space<vmem>> -> memref<64x128xf32, #tpu.memory_space<vmem>>
      %dma_wait3A_606 = arith.constant 0 : i32
      %dma_wait3A_607 = tpu.memref_slice %arg6[%add3A_48, %dma_wait3A_606] : memref<16384x128xf32, #tpu.memory_space<hbm>> -> memref<64x128xf32, #tpu.memory_space<hbm>>
      %dma_wait3A_608 = arith.constant 0 : i32
      %dma_wait3A_609 = tpu.memref_slice %arg6[%add3A_48, %dma_wait3A_608] : memref<16384x128xf32, #tpu.memory_space<hbm>> -> memref<64x128xf32, #tpu.memory_space<hbm>>
      %dma_wait3A_610 = arith.constant 0 : i32
      %dma_wait3A_611 = arith.constant 0 : i32
      %dma_wait3A_612 = tpu.memref_slice %arg14[%run_scoped3A, %dma_wait3A_610, %dma_wait3A_611] : memref<2x64x128xf32, #tpu.memory_space<vmem>> -> memref<1x64x128xf32, #tpu.memory_space<vmem>>
      %dma_wait3A_613 = tpu.memref_squeeze %dma_wait3A_612 : memref<1x64x128xf32, #tpu.memory_space<vmem>> -> memref<64x128xf32, #tpu.memory_space<vmem>>
      tpu.wait_dma2 semaphore(%run_scoped3A_589 : memref<!tpu.dma_semaphore, #tpu.memory_space<semaphore_mem>>) src(%dma_wait3A_613 : memref<64x128xf32, #tpu.memory_space<vmem>>) dst(%dma_wait3A_609 : memref<64x128xf32, #tpu.memory_space<hbm>>)
      tpu.yield
    }) : () -> ()
    %dma_start3A_49 = arith.constant 0 : i32
    %dma_start3A_50 = arith.constant 0 : i32
    %dma_start3A_51 = arith.constant 0 : i32
    %dma_start3A_52 = tpu.memref_slice %arg14[%dma_start3A_49, %dma_start3A_50, %dma_start3A_51] : memref<2x64x128xf32, #tpu.memory_space<vmem>> -> memref<1x64x128xf32, #tpu.memory_space<vmem>>
    %dma_start3A_53 = tpu.memref_squeeze %dma_start3A_52 : memref<1x64x128xf32, #tpu.memory_space<vmem>> -> memref<64x128xf32, #tpu.memory_space<vmem>>
    %dma_start3A_54 = arith.constant 128 : i32
    %dma_start3A_55 = tpu.memref_slice %arg8[%dma_start3A_54] : memref<512xi32, #tpu.memory_space<vmem>> -> memref<64xi32, #tpu.memory_space<vmem>>
    %dma_start3A_56 = arith.constant 0 : i32
    %dma_start3A_57 = arith.constant 0 : i32
    %dma_start3A_58 = tpu.memref_slice %arg4[%dma_start3A_56, %dma_start3A_57] : memref<1000000x128xf32, #tpu.memory_space<hbm>> -> memref<1000000x128xf32, #tpu.memory_space<hbm>>
    tpu.enqueue_indirect_dma source(%dma_start3A_58 : memref<1000000x128xf32, #tpu.memory_space<hbm>>) target(%dma_start3A_53 : memref<64x128xf32, #tpu.memory_space<vmem>>) offsets(%dma_start3A_55 : memref<64xi32, #tpu.memory_space<vmem>>) semaphore(%arg15 : memref<!tpu.dma_semaphore, #tpu.memory_space<semaphore_mem>>)
    %dma_wait3A_59 = arith.constant 1 : i32
    %dma_wait3A_60 = arith.constant 0 : i32
    %dma_wait3A_61 = arith.constant 0 : i32
    %dma_wait3A_62 = tpu.memref_slice %arg14[%dma_wait3A_59, %dma_wait3A_60, %dma_wait3A_61] : memref<2x64x128xf32, #tpu.memory_space<vmem>> -> memref<1x64x128xf32, #tpu.memory_space<vmem>>
    %dma_wait3A_63 = tpu.memref_squeeze %dma_wait3A_62 : memref<1x64x128xf32, #tpu.memory_space<vmem>> -> memref<64x128xf32, #tpu.memory_space<vmem>>
    %dma_wait3A_64 = arith.constant 64 : i32
    %dma_wait3A_65 = tpu.memref_slice %arg8[%dma_wait3A_64] : memref<512xi32, #tpu.memory_space<vmem>> -> memref<64xi32, #tpu.memory_space<vmem>>
    %dma_wait3A_66 = arith.constant 0 : i32
    %dma_wait3A_67 = arith.constant 0 : i32
    %dma_wait3A_68 = tpu.memref_slice %arg4[%dma_wait3A_66, %dma_wait3A_67] : memref<1000000x128xf32, #tpu.memory_space<hbm>> -> memref<1000000x128xf32, #tpu.memory_space<hbm>>
    tpu.wait_indirect_dma semaphore(%arg15 : memref<!tpu.dma_semaphore, #tpu.memory_space<semaphore_mem>>) src(%dma_wait3A_68 : memref<1000000x128xf32, #tpu.memory_space<hbm>>) dst(%dma_wait3A_63 : memref<64x128xf32, #tpu.memory_space<vmem>>)
    %add3A_69 = arith.constant 64 : i32
    %add3A_70 = arith.addi %mul3A_2, %add3A_69 : i32
    %run_scoped3A_71 = arith.constant 1 : i32
    "tpu.region"() ({
      %run_scoped3A_589 = tpu.sem_alloc : memref<!tpu.dma_semaphore, #tpu.memory_space<semaphore_mem>>
      %dma_start3A_590 = arith.constant 0 : i32
      %dma_start3A_591 = arith.constant 0 : i32
      %dma_start3A_592 = tpu.memref_slice %arg14[%run_scoped3A_71, %dma_start3A_590, %dma_start3A_591] : memref<2x64x128xf32, #tpu.memory_space<vmem>> -> memref<1x64x128xf32, #tpu.memory_space<vmem>>
      %dma_start3A_593 = tpu.memref_squeeze %dma_start3A_592 : memref<1x64x128xf32, #tpu.memory_space<vmem>> -> memref<64x128xf32, #tpu.memory_space<vmem>>
      %dma_start3A_594 = arith.constant 0 : i32
      %dma_start3A_595 = tpu.memref_slice %arg6[%add3A_70, %dma_start3A_594] : memref<16384x128xf32, #tpu.memory_space<hbm>> -> memref<64x128xf32, #tpu.memory_space<hbm>>
      %dma_start3A_596 = arith.constant 0 : i32
      %dma_start3A_597 = tpu.memref_slice %arg6[%add3A_70, %dma_start3A_596] : memref<16384x128xf32, #tpu.memory_space<hbm>> -> memref<64x128xf32, #tpu.memory_space<hbm>>
      %dma_start3A_598 = arith.constant 0 : i32
      %dma_start3A_599 = arith.constant 0 : i32
      %dma_start3A_600 = tpu.memref_slice %arg14[%run_scoped3A_71, %dma_start3A_598, %dma_start3A_599] : memref<2x64x128xf32, #tpu.memory_space<vmem>> -> memref<1x64x128xf32, #tpu.memory_space<vmem>>
      %dma_start3A_601 = tpu.memref_squeeze %dma_start3A_600 : memref<1x64x128xf32, #tpu.memory_space<vmem>> -> memref<64x128xf32, #tpu.memory_space<vmem>>
      tpu.enqueue_dma source(%dma_start3A_601 : memref<64x128xf32, #tpu.memory_space<vmem>>) target(%dma_start3A_597 : memref<64x128xf32, #tpu.memory_space<hbm>>) target_semaphore(%run_scoped3A_589 : memref<!tpu.dma_semaphore, #tpu.memory_space<semaphore_mem>>)
      %dma_wait3A_602 = arith.constant 0 : i32
      %dma_wait3A_603 = arith.constant 0 : i32
      %dma_wait3A_604 = tpu.memref_slice %arg14[%run_scoped3A_71, %dma_wait3A_602, %dma_wait3A_603] : memref<2x64x128xf32, #tpu.memory_space<vmem>> -> memref<1x64x128xf32, #tpu.memory_space<vmem>>
      %dma_wait3A_605 = tpu.memref_squeeze %dma_wait3A_604 : memref<1x64x128xf32, #tpu.memory_space<vmem>> -> memref<64x128xf32, #tpu.memory_space<vmem>>
      %dma_wait3A_606 = arith.constant 0 : i32
      %dma_wait3A_607 = tpu.memref_slice %arg6[%add3A_70, %dma_wait3A_606] : memref<16384x128xf32, #tpu.memory_space<hbm>> -> memref<64x128xf32, #tpu.memory_space<hbm>>
      %dma_wait3A_608 = arith.constant 0 : i32
      %dma_wait3A_609 = tpu.memref_slice %arg6[%add3A_70, %dma_wait3A_608] : memref<16384x128xf32, #tpu.memory_space<hbm>> -> memref<64x128xf32, #tpu.memory_space<hbm>>
      %dma_wait3A_610 = arith.constant 0 : i32
      %dma_wait3A_611 = arith.constant 0 : i32
      %dma_wait3A_612 = tpu.memref_slice %arg14[%run_scoped3A_71, %dma_wait3A_610, %dma_wait3A_611] : memref<2x64x128xf32, #tpu.memory_space<vmem>> -> memref<1x64x128xf32, #tpu.memory_space<vmem>>
      %dma_wait3A_613 = tpu.memref_squeeze %dma_wait3A_612 : memref<1x64x128xf32, #tpu.memory_space<vmem>> -> memref<64x128xf32, #tpu.memory_space<vmem>>
      tpu.wait_dma2 semaphore(%run_scoped3A_589 : memref<!tpu.dma_semaphore, #tpu.memory_space<semaphore_mem>>) src(%dma_wait3A_613 : memref<64x128xf32, #tpu.memory_space<vmem>>) dst(%dma_wait3A_609 : memref<64x128xf32, #tpu.memory_space<hbm>>)
      tpu.yield
    }) : () -> ()
    %dma_start3A_72 = arith.constant 1 : i32
    %dma_start3A_73 = arith.constant 0 : i32
    %dma_start3A_74 = arith.constant 0 : i32
    %dma_start3A_75 = tpu.memref_slice %arg14[%dma_start3A_72, %dma_start3A_73, %dma_start3A_74] : memref<2x64x128xf32, #tpu.memory_space<vmem>> -> memref<1x64x128xf32, #tpu.memory_space<vmem>>
    %dma_start3A_76 = tpu.memref_squeeze %dma_start3A_75 : memref<1x64x128xf32, #tpu.memory_space<vmem>> -> memref<64x128xf32, #tpu.memory_space<vmem>>
    %dma_start3A_77 = arith.constant 192 : i32
    %dma_start3A_78 = tpu.memref_slice %arg8[%dma_start3A_77] : memref<512xi32, #tpu.memory_space<vmem>> -> memref<64xi32, #tpu.memory_space<vmem>>
    %dma_start3A_79 = arith.constant 0 : i32
    %dma_start3A_80 = arith.constant 0 : i32
    %dma_start3A_81 = tpu.memref_slice %arg4[%dma_start3A_79, %dma_start3A_80] : memref<1000000x128xf32, #tpu.memory_space<hbm>> -> memref<1000000x128xf32, #tpu.memory_space<hbm>>
    tpu.enqueue_indirect_dma source(%dma_start3A_81 : memref<1000000x128xf32, #tpu.memory_space<hbm>>) target(%dma_start3A_76 : memref<64x128xf32, #tpu.memory_space<vmem>>) offsets(%dma_start3A_78 : memref<64xi32, #tpu.memory_space<vmem>>) semaphore(%arg15 : memref<!tpu.dma_semaphore, #tpu.memory_space<semaphore_mem>>)
    %dma_wait3A_82 = arith.constant 0 : i32
    %dma_wait3A_83 = arith.constant 0 : i32
    %dma_wait3A_84 = arith.constant 0 : i32
    %dma_wait3A_85 = tpu.memref_slice %arg14[%dma_wait3A_82, %dma_wait3A_83, %dma_wait3A_84] : memref<2x64x128xf32, #tpu.memory_space<vmem>> -> memref<1x64x128xf32, #tpu.memory_space<vmem>>
    %dma_wait3A_86 = tpu.memref_squeeze %dma_wait3A_85 : memref<1x64x128xf32, #tpu.memory_space<vmem>> -> memref<64x128xf32, #tpu.memory_space<vmem>>
    %dma_wait3A_87 = arith.constant 128 : i32
    %dma_wait3A_88 = tpu.memref_slice %arg8[%dma_wait3A_87] : memref<512xi32, #tpu.memory_space<vmem>> -> memref<64xi32, #tpu.memory_space<vmem>>
    %dma_wait3A_89 = arith.constant 0 : i32
    %dma_wait3A_90 = arith.constant 0 : i32
    %dma_wait3A_91 = tpu.memref_slice %arg4[%dma_wait3A_89, %dma_wait3A_90] : memref<1000000x128xf32, #tpu.memory_space<hbm>> -> memref<1000000x128xf32, #tpu.memory_space<hbm>>
    tpu.wait_indirect_dma semaphore(%arg15 : memref<!tpu.dma_semaphore, #tpu.memory_space<semaphore_mem>>) src(%dma_wait3A_91 : memref<1000000x128xf32, #tpu.memory_space<hbm>>) dst(%dma_wait3A_86 : memref<64x128xf32, #tpu.memory_space<vmem>>)
    %add3A_92 = arith.constant 128 : i32
    %add3A_93 = arith.addi %mul3A_2, %add3A_92 : i32
    %run_scoped3A_94 = arith.constant 0 : i32
    "tpu.region"() ({
      %run_scoped3A_589 = tpu.sem_alloc : memref<!tpu.dma_semaphore, #tpu.memory_space<semaphore_mem>>
      %dma_start3A_590 = arith.constant 0 : i32
      %dma_start3A_591 = arith.constant 0 : i32
      %dma_start3A_592 = tpu.memref_slice %arg14[%run_scoped3A_94, %dma_start3A_590, %dma_start3A_591] : memref<2x64x128xf32, #tpu.memory_space<vmem>> -> memref<1x64x128xf32, #tpu.memory_space<vmem>>
      %dma_start3A_593 = tpu.memref_squeeze %dma_start3A_592 : memref<1x64x128xf32, #tpu.memory_space<vmem>> -> memref<64x128xf32, #tpu.memory_space<vmem>>
      %dma_start3A_594 = arith.constant 0 : i32
      %dma_start3A_595 = tpu.memref_slice %arg6[%add3A_93, %dma_start3A_594] : memref<16384x128xf32, #tpu.memory_space<hbm>> -> memref<64x128xf32, #tpu.memory_space<hbm>>
      %dma_start3A_596 = arith.constant 0 : i32
      %dma_start3A_597 = tpu.memref_slice %arg6[%add3A_93, %dma_start3A_596] : memref<16384x128xf32, #tpu.memory_space<hbm>> -> memref<64x128xf32, #tpu.memory_space<hbm>>
      %dma_start3A_598 = arith.constant 0 : i32
      %dma_start3A_599 = arith.constant 0 : i32
      %dma_start3A_600 = tpu.memref_slice %arg14[%run_scoped3A_94, %dma_start3A_598, %dma_start3A_599] : memref<2x64x128xf32, #tpu.memory_space<vmem>> -> memref<1x64x128xf32, #tpu.memory_space<vmem>>
      %dma_start3A_601 = tpu.memref_squeeze %dma_start3A_600 : memref<1x64x128xf32, #tpu.memory_space<vmem>> -> memref<64x128xf32, #tpu.memory_space<vmem>>
      tpu.enqueue_dma source(%dma_start3A_601 : memref<64x128xf32, #tpu.memory_space<vmem>>) target(%dma_start3A_597 : memref<64x128xf32, #tpu.memory_space<hbm>>) target_semaphore(%run_scoped3A_589 : memref<!tpu.dma_semaphore, #tpu.memory_space<semaphore_mem>>)
      %dma_wait3A_602 = arith.constant 0 : i32
      %dma_wait3A_603 = arith.constant 0 : i32
      %dma_wait3A_604 = tpu.memref_slice %arg14[%run_scoped3A_94, %dma_wait3A_602, %dma_wait3A_603] : memref<2x64x128xf32, #tpu.memory_space<vmem>> -> memref<1x64x128xf32, #tpu.memory_space<vmem>>
      %dma_wait3A_605 = tpu.memref_squeeze %dma_wait3A_604 : memref<1x64x128xf32, #tpu.memory_space<vmem>> -> memref<64x128xf32, #tpu.memory_space<vmem>>
      %dma_wait3A_606 = arith.constant 0 : i32
      %dma_wait3A_607 = tpu.memref_slice %arg6[%add3A_93, %dma_wait3A_606] : memref<16384x128xf32, #tpu.memory_space<hbm>> -> memref<64x128xf32, #tpu.memory_space<hbm>>
      %dma_wait3A_608 = arith.constant 0 : i32
      %dma_wait3A_609 = tpu.memref_slice %arg6[%add3A_93, %dma_wait3A_608] : memref<16384x128xf32, #tpu.memory_space<hbm>> -> memref<64x128xf32, #tpu.memory_space<hbm>>
      %dma_wait3A_610 = arith.constant 0 : i32
      %dma_wait3A_611 = arith.constant 0 : i32
      %dma_wait3A_612 = tpu.memref_slice %arg14[%run_scoped3A_94, %dma_wait3A_610, %dma_wait3A_611] : memref<2x64x128xf32, #tpu.memory_space<vmem>> -> memref<1x64x128xf32, #tpu.memory_space<vmem>>
      %dma_wait3A_613 = tpu.memref_squeeze %dma_wait3A_612 : memref<1x64x128xf32, #tpu.memory_space<vmem>> -> memref<64x128xf32, #tpu.memory_space<vmem>>
      tpu.wait_dma2 semaphore(%run_scoped3A_589 : memref<!tpu.dma_semaphore, #tpu.memory_space<semaphore_mem>>) src(%dma_wait3A_613 : memref<64x128xf32, #tpu.memory_space<vmem>>) dst(%dma_wait3A_609 : memref<64x128xf32, #tpu.memory_space<hbm>>)
      tpu.yield
    }) : () -> ()
    %dma_start3A_95 = arith.constant 0 : i32
    %dma_start3A_96 = arith.constant 0 : i32
    %dma_start3A_97 = arith.constant 0 : i32
    %dma_start3A_98 = tpu.memref_slice %arg14[%dma_start3A_95, %dma_start3A_96, %dma_start3A_97] : memref<2x64x128xf32, #tpu.memory_space<vmem>> -> memref<1x64x128xf32, #tpu.memory_space<vmem>>
    %dma_start3A_99 = tpu.memref_squeeze %dma_start3A_98 : memref<1x64x128xf32, #tpu.memory_space<vmem>> -> memref<64x128xf32, #tpu.memory_space<vmem>>
    %dma_start3A_100 = arith.constant 256 : i32
    %dma_start3A_101 = tpu.memref_slice %arg8[%dma_start3A_100] : memref<512xi32, #tpu.memory_space<vmem>> -> memref<64xi32, #tpu.memory_space<vmem>>
    %dma_start3A_102 = arith.constant 0 : i32
    %dma_start3A_103 = arith.constant 0 : i32
    %dma_start3A_104 = tpu.memref_slice %arg4[%dma_start3A_102, %dma_start3A_103] : memref<1000000x128xf32, #tpu.memory_space<hbm>> -> memref<1000000x128xf32, #tpu.memory_space<hbm>>
    tpu.enqueue_indirect_dma source(%dma_start3A_104 : memref<1000000x128xf32, #tpu.memory_space<hbm>>) target(%dma_start3A_99 : memref<64x128xf32, #tpu.memory_space<vmem>>) offsets(%dma_start3A_101 : memref<64xi32, #tpu.memory_space<vmem>>) semaphore(%arg15 : memref<!tpu.dma_semaphore, #tpu.memory_space<semaphore_mem>>)
    %dma_wait3A_105 = arith.constant 1 : i32
    %dma_wait3A_106 = arith.constant 0 : i32
    %dma_wait3A_107 = arith.constant 0 : i32
    %dma_wait3A_108 = tpu.memref_slice %arg14[%dma_wait3A_105, %dma_wait3A_106, %dma_wait3A_107] : memref<2x64x128xf32, #tpu.memory_space<vmem>> -> memref<1x64x128xf32, #tpu.memory_space<vmem>>
    %dma_wait3A_109 = tpu.memref_squeeze %dma_wait3A_108 : memref<1x64x128xf32, #tpu.memory_space<vmem>> -> memref<64x128xf32, #tpu.memory_space<vmem>>
    %dma_wait3A_110 = arith.constant 192 : i32
    %dma_wait3A_111 = tpu.memref_slice %arg8[%dma_wait3A_110] : memref<512xi32, #tpu.memory_space<vmem>> -> memref<64xi32, #tpu.memory_space<vmem>>
    %dma_wait3A_112 = arith.constant 0 : i32
    %dma_wait3A_113 = arith.constant 0 : i32
    %dma_wait3A_114 = tpu.memref_slice %arg4[%dma_wait3A_112, %dma_wait3A_113] : memref<1000000x128xf32, #tpu.memory_space<hbm>> -> memref<1000000x128xf32, #tpu.memory_space<hbm>>
    tpu.wait_indirect_dma semaphore(%arg15 : memref<!tpu.dma_semaphore, #tpu.memory_space<semaphore_mem>>) src(%dma_wait3A_114 : memref<1000000x128xf32, #tpu.memory_space<hbm>>) dst(%dma_wait3A_109 : memref<64x128xf32, #tpu.memory_space<vmem>>)
    %add3A_115 = arith.constant 192 : i32
    %add3A_116 = arith.addi %mul3A_2, %add3A_115 : i32
    %run_scoped3A_117 = arith.constant 1 : i32
    "tpu.region"() ({
      %run_scoped3A_589 = tpu.sem_alloc : memref<!tpu.dma_semaphore, #tpu.memory_space<semaphore_mem>>
      %dma_start3A_590 = arith.constant 0 : i32
      %dma_start3A_591 = arith.constant 0 : i32
      %dma_start3A_592 = tpu.memref_slice %arg14[%run_scoped3A_117, %dma_start3A_590, %dma_start3A_591] : memref<2x64x128xf32, #tpu.memory_space<vmem>> -> memref<1x64x128xf32, #tpu.memory_space<vmem>>
      %dma_start3A_593 = tpu.memref_squeeze %dma_start3A_592 : memref<1x64x128xf32, #tpu.memory_space<vmem>> -> memref<64x128xf32, #tpu.memory_space<vmem>>
      %dma_start3A_594 = arith.constant 0 : i32
      %dma_start3A_595 = tpu.memref_slice %arg6[%add3A_116, %dma_start3A_594] : memref<16384x128xf32, #tpu.memory_space<hbm>> -> memref<64x128xf32, #tpu.memory_space<hbm>>
      %dma_start3A_596 = arith.constant 0 : i32
      %dma_start3A_597 = tpu.memref_slice %arg6[%add3A_116, %dma_start3A_596] : memref<16384x128xf32, #tpu.memory_space<hbm>> -> memref<64x128xf32, #tpu.memory_space<hbm>>
      %dma_start3A_598 = arith.constant 0 : i32
      %dma_start3A_599 = arith.constant 0 : i32
      %dma_start3A_600 = tpu.memref_slice %arg14[%run_scoped3A_117, %dma_start3A_598, %dma_start3A_599] : memref<2x64x128xf32, #tpu.memory_space<vmem>> -> memref<1x64x128xf32, #tpu.memory_space<vmem>>
      %dma_start3A_601 = tpu.memref_squeeze %dma_start3A_600 : memref<1x64x128xf32, #tpu.memory_space<vmem>> -> memref<64x128xf32, #tpu.memory_space<vmem>>
      tpu.enqueue_dma source(%dma_start3A_601 : memref<64x128xf32, #tpu.memory_space<vmem>>) target(%dma_start3A_597 : memref<64x128xf32, #tpu.memory_space<hbm>>) target_semaphore(%run_scoped3A_589 : memref<!tpu.dma_semaphore, #tpu.memory_space<semaphore_mem>>)
      %dma_wait3A_602 = arith.constant 0 : i32
      %dma_wait3A_603 = arith.constant 0 : i32
      %dma_wait3A_604 = tpu.memref_slice %arg14[%run_scoped3A_117, %dma_wait3A_602, %dma_wait3A_603] : memref<2x64x128xf32, #tpu.memory_space<vmem>> -> memref<1x64x128xf32, #tpu.memory_space<vmem>>
      %dma_wait3A_605 = tpu.memref_squeeze %dma_wait3A_604 : memref<1x64x128xf32, #tpu.memory_space<vmem>> -> memref<64x128xf32, #tpu.memory_space<vmem>>
      %dma_wait3A_606 = arith.constant 0 : i32
      %dma_wait3A_607 = tpu.memref_slice %arg6[%add3A_116, %dma_wait3A_606] : memref<16384x128xf32, #tpu.memory_space<hbm>> -> memref<64x128xf32, #tpu.memory_space<hbm>>
      %dma_wait3A_608 = arith.constant 0 : i32
      %dma_wait3A_609 = tpu.memref_slice %arg6[%add3A_116, %dma_wait3A_608] : memref<16384x128xf32, #tpu.memory_space<hbm>> -> memref<64x128xf32, #tpu.memory_space<hbm>>
      %dma_wait3A_610 = arith.constant 0 : i32
      %dma_wait3A_611 = arith.constant 0 : i32
      %dma_wait3A_612 = tpu.memref_slice %arg14[%run_scoped3A_117, %dma_wait3A_610, %dma_wait3A_611] : memref<2x64x128xf32, #tpu.memory_space<vmem>> -> memref<1x64x128xf32, #tpu.memory_space<vmem>>
      %dma_wait3A_613 = tpu.memref_squeeze %dma_wait3A_612 : memref<1x64x128xf32, #tpu.memory_space<vmem>> -> memref<64x128xf32, #tpu.memory_space<vmem>>
      tpu.wait_dma2 semaphore(%run_scoped3A_589 : memref<!tpu.dma_semaphore, #tpu.memory_space<semaphore_mem>>) src(%dma_wait3A_613 : memref<64x128xf32, #tpu.memory_space<vmem>>) dst(%dma_wait3A_609 : memref<64x128xf32, #tpu.memory_space<hbm>>)
      tpu.yield
    }) : () -> ()
    %dma_start3A_118 = arith.constant 1 : i32
    %dma_start3A_119 = arith.constant 0 : i32
    %dma_start3A_120 = arith.constant 0 : i32
    %dma_start3A_121 = tpu.memref_slice %arg14[%dma_start3A_118, %dma_start3A_119, %dma_start3A_120] : memref<2x64x128xf32, #tpu.memory_space<vmem>> -> memref<1x64x128xf32, #tpu.memory_space<vmem>>
    %dma_start3A_122 = tpu.memref_squeeze %dma_start3A_121 : memref<1x64x128xf32, #tpu.memory_space<vmem>> -> memref<64x128xf32, #tpu.memory_space<vmem>>
    %dma_start3A_123 = arith.constant 320 : i32
    %dma_start3A_124 = tpu.memref_slice %arg8[%dma_start3A_123] : memref<512xi32, #tpu.memory_space<vmem>> -> memref<64xi32, #tpu.memory_space<vmem>>
    %dma_start3A_125 = arith.constant 0 : i32
    %dma_start3A_126 = arith.constant 0 : i32
    %dma_start3A_127 = tpu.memref_slice %arg4[%dma_start3A_125, %dma_start3A_126] : memref<1000000x128xf32, #tpu.memory_space<hbm>> -> memref<1000000x128xf32, #tpu.memory_space<hbm>>
    tpu.enqueue_indirect_dma source(%dma_start3A_127 : memref<1000000x128xf32, #tpu.memory_space<hbm>>) target(%dma_start3A_122 : memref<64x128xf32, #tpu.memory_space<vmem>>) offsets(%dma_start3A_124 : memref<64xi32, #tpu.memory_space<vmem>>) semaphore(%arg15 : memref<!tpu.dma_semaphore, #tpu.memory_space<semaphore_mem>>)
    %dma_wait3A_128 = arith.constant 0 : i32
    %dma_wait3A_129 = tpu.memref_slice %arg5[%mul3A_4, %dma_wait3A_128] : memref<64x100000xf32, #tpu.memory_space<hbm>> -> memref<1x100000xf32, #tpu.memory_space<hbm>>
    %dma_wait3A_130 = tpu.memref_squeeze %dma_wait3A_129 : memref<1x100000xf32, #tpu.memory_space<hbm>> -> memref<100000xf32, #tpu.memory_space<hbm>>
    %dma_wait3A_131 = arith.constant 0 : i32
    %dma_wait3A_132 = tpu.memref_slice %arg5[%mul3A_4, %dma_wait3A_131] : memref<64x100000xf32, #tpu.memory_space<hbm>> -> memref<1x100000xf32, #tpu.memory_space<hbm>>
    %dma_wait3A_133 = tpu.memref_squeeze %dma_wait3A_132 : memref<1x100000xf32, #tpu.memory_space<hbm>> -> memref<100000xf32, #tpu.memory_space<hbm>>
    tpu.wait_dma2 semaphore(%arg16 : memref<!tpu.dma_semaphore, #tpu.memory_space<semaphore_mem>>) src(%dma_wait3A_133 : memref<100000xf32, #tpu.memory_space<hbm>>) dst(%arg11 : memref<100000xf32, #tpu.memory_space<vmem>>)
    %mul3A_134 = arith.constant 2 : i32
    %mul3A_135 = arith.muli %add3A, %mul3A_134 : i32
    %add3A_136 = arith.constant 0 : i32
    %add3A_137 = arith.addi %mul3A_135, %add3A_136 : i32
    %dma_wait3A_138 = arith.constant 0 : i32
    %dma_wait3A_139 = tpu.memref_slice %arg3[%dma_wait3A_138] : memref<16384xi32, #tpu.memory_space<hbm>> -> memref<2048xi32, #tpu.memory_space<hbm>>
    %dma_wait3A_140 = arith.constant 0 : i32
    %dma_wait3A_141 = tpu.memref_slice %arg3[%dma_wait3A_140] : memref<16384xi32, #tpu.memory_space<hbm>> -> memref<2048xi32, #tpu.memory_space<hbm>>
    tpu.wait_dma2 semaphore(%arg17 : memref<!tpu.dma_semaphore, #tpu.memory_space<semaphore_mem>>) src(%dma_wait3A_141 : memref<2048xi32, #tpu.memory_space<hbm>>) dst(%arg9 : memref<2048xi32, #tpu.memory_space<vmem>>)
    %parallel_loop3A = arith.constant 0 : i32
    %parallel_loop3A_142 = arith.constant 128 : i32
    %parallel_loop3A_143 = arith.constant 1 : i32
    scf.for %parallel_loop3A_589 = %parallel_loop3A to %parallel_loop3A_142 step %parallel_loop3A_143  : i32 {
      %parallel_loop3A_590 = arith.constant 16 : i32
      %parallel_loop3A_591 = arith.muli %parallel_loop3A_589, %parallel_loop3A_590 : i32
      %parallel_loop3A_592 = arith.index_cast %parallel_loop3A_591 : i32 to index
      %parallel_loop3A_593 = tpu.vector_load %arg9[%parallel_loop3A_592] {strides = array<i32>} : memref<2048xi32, #tpu.memory_space<vmem>>, vector<16xi32>,
      %parallel_loop3A_594 = tpu.vector_load_idx %arg11[%parallel_loop3A_593] : memref<100000xf32, #tpu.memory_space<vmem>>[vector<16xi32>], vector<16xf32>,
      %parallel_loop3A_595 = arith.index_cast %parallel_loop3A_591 : i32 to index
      %parallel_loop3A_596 = tpu.vector_load %arg12[%parallel_loop3A_595] {strides = array<i32>} : memref<2048xf32, #tpu.memory_space<vmem>>, vector<16xf32>,
      tpu.vector_store %arg12[%parallel_loop3A_595], %parallel_loop3A_594 {strides = array<i32>} : memref<2048xf32, #tpu.memory_space<vmem>>, vector<16xf32>,
    } {sc.loop_unroll_factor = 16 : i64, sc.parallel_access}
    %dma_start3A_144 = arith.constant 0 : i32
    %dma_start3A_145 = tpu.memref_slice %arg7[%add3A_137, %dma_start3A_144] : memref<64x16384xf32, #tpu.memory_space<hbm>> -> memref<1x2048xf32, #tpu.memory_space<hbm>>
    %dma_start3A_146 = tpu.memref_squeeze %dma_start3A_145 : memref<1x2048xf32, #tpu.memory_space<hbm>> -> memref<2048xf32, #tpu.memory_space<hbm>>
    %dma_start3A_147 = arith.constant 0 : i32
    %dma_start3A_148 = tpu.memref_slice %arg7[%add3A_137, %dma_start3A_147] : memref<64x16384xf32, #tpu.memory_space<hbm>> -> memref<1x2048xf32, #tpu.memory_space<hbm>>
    %dma_start3A_149 = tpu.memref_squeeze %dma_start3A_148 : memref<1x2048xf32, #tpu.memory_space<hbm>> -> memref<2048xf32, #tpu.memory_space<hbm>>
    tpu.enqueue_dma source(%arg12 : memref<2048xf32, #tpu.memory_space<vmem>>) target(%dma_start3A_149 : memref<2048xf32, #tpu.memory_space<hbm>>) target_semaphore(%arg18 : memref<!tpu.dma_semaphore, #tpu.memory_space<semaphore_mem>>)
    %dma_start3A_150 = arith.constant 4096 : i32
    %dma_start3A_151 = tpu.memref_slice %arg3[%dma_start3A_150] : memref<16384xi32, #tpu.memory_space<hbm>> -> memref<2048xi32, #tpu.memory_space<hbm>>
    %dma_start3A_152 = arith.constant 4096 : i32
    %dma_start3A_153 = tpu.memref_slice %arg3[%dma_start3A_152] : memref<16384xi32, #tpu.memory_space<hbm>> -> memref<2048xi32, #tpu.memory_space<hbm>>
    tpu.enqueue_dma source(%dma_start3A_153 : memref<2048xi32, #tpu.memory_space<hbm>>) target(%arg9 : memref<2048xi32, #tpu.memory_space<vmem>>) target_semaphore(%arg17 : memref<!tpu.dma_semaphore, #tpu.memory_space<semaphore_mem>>)
    %dma_wait3A_154 = arith.constant 2048 : i32
    %dma_wait3A_155 = tpu.memref_slice %arg3[%dma_wait3A_154] : memref<16384xi32, #tpu.memory_space<hbm>> -> memref<2048xi32, #tpu.memory_space<hbm>>
    %dma_wait3A_156 = arith.constant 2048 : i32
    %dma_wait3A_157 = tpu.memref_slice %arg3[%dma_wait3A_156] : memref<16384xi32, #tpu.memory_space<hbm>> -> memref<2048xi32, #tpu.memory_space<hbm>>
    tpu.wait_dma2 semaphore(%arg17 : memref<!tpu.dma_semaphore, #tpu.memory_space<semaphore_mem>>) src(%dma_wait3A_157 : memref<2048xi32, #tpu.memory_space<hbm>>) dst(%arg10 : memref<2048xi32, #tpu.memory_space<vmem>>)
    %parallel_loop3A_158 = arith.constant 0 : i32
    %parallel_loop3A_159 = arith.constant 128 : i32
    %parallel_loop3A_160 = arith.constant 1 : i32
    scf.for %parallel_loop3A_589 = %parallel_loop3A_158 to %parallel_loop3A_159 step %parallel_loop3A_160  : i32 {
      %parallel_loop3A_590 = arith.constant 16 : i32
      %parallel_loop3A_591 = arith.muli %parallel_loop3A_589, %parallel_loop3A_590 : i32
      %parallel_loop3A_592 = arith.index_cast %parallel_loop3A_591 : i32 to index
      %parallel_loop3A_593 = tpu.vector_load %arg10[%parallel_loop3A_592] {strides = array<i32>} : memref<2048xi32, #tpu.memory_space<vmem>>, vector<16xi32>,
      %parallel_loop3A_594 = tpu.vector_load_idx %arg11[%parallel_loop3A_593] : memref<100000xf32, #tpu.memory_space<vmem>>[vector<16xi32>], vector<16xf32>,
      %parallel_loop3A_595 = arith.index_cast %parallel_loop3A_591 : i32 to index
      %parallel_loop3A_596 = tpu.vector_load %arg13[%parallel_loop3A_595] {strides = array<i32>} : memref<2048xf32, #tpu.memory_space<vmem>>, vector<16xf32>,
      tpu.vector_store %arg13[%parallel_loop3A_595], %parallel_loop3A_594 {strides = array<i32>} : memref<2048xf32, #tpu.memory_space<vmem>>, vector<16xf32>,
    } {sc.loop_unroll_factor = 16 : i64, sc.parallel_access}
    %dma_start3A_161 = arith.constant 2048 : i32
    %dma_start3A_162 = tpu.memref_slice %arg7[%add3A_137, %dma_start3A_161] : memref<64x16384xf32, #tpu.memory_space<hbm>> -> memref<1x2048xf32, #tpu.memory_space<hbm>>
    %dma_start3A_163 = tpu.memref_squeeze %dma_start3A_162 : memref<1x2048xf32, #tpu.memory_space<hbm>> -> memref<2048xf32, #tpu.memory_space<hbm>>
    %dma_start3A_164 = arith.constant 2048 : i32
    %dma_start3A_165 = tpu.memref_slice %arg7[%add3A_137, %dma_start3A_164] : memref<64x16384xf32, #tpu.memory_space<hbm>> -> memref<1x2048xf32, #tpu.memory_space<hbm>>
    %dma_start3A_166 = tpu.memref_squeeze %dma_start3A_165 : memref<1x2048xf32, #tpu.memory_space<hbm>> -> memref<2048xf32, #tpu.memory_space<hbm>>
    tpu.enqueue_dma source(%arg13 : memref<2048xf32, #tpu.memory_space<vmem>>) target(%dma_start3A_166 : memref<2048xf32, #tpu.memory_space<hbm>>) target_semaphore(%arg18 : memref<!tpu.dma_semaphore, #tpu.memory_space<semaphore_mem>>)
    %dma_start3A_167 = arith.constant 6144 : i32
    %dma_start3A_168 = tpu.memref_slice %arg3[%dma_start3A_167] : memref<16384xi32, #tpu.memory_space<hbm>> -> memref<2048xi32, #tpu.memory_space<hbm>>
    %dma_start3A_169 = arith.constant 6144 : i32
    %dma_start3A_170 = tpu.memref_slice %arg3[%dma_start3A_169] : memref<16384xi32, #tpu.memory_space<hbm>> -> memref<2048xi32, #tpu.memory_space<hbm>>
    tpu.enqueue_dma source(%dma_start3A_170 : memref<2048xi32, #tpu.memory_space<hbm>>) target(%arg10 : memref<2048xi32, #tpu.memory_space<vmem>>) target_semaphore(%arg17 : memref<!tpu.dma_semaphore, #tpu.memory_space<semaphore_mem>>)
    %dma_wait3A_171 = arith.constant 4096 : i32
    %dma_wait3A_172 = tpu.memref_slice %arg3[%dma_wait3A_171] : memref<16384xi32, #tpu.memory_space<hbm>> -> memref<2048xi32, #tpu.memory_space<hbm>>
    %dma_wait3A_173 = arith.constant 4096 : i32
    %dma_wait3A_174 = tpu.memref_slice %arg3[%dma_wait3A_173] : memref<16384xi32, #tpu.memory_space<hbm>> -> memref<2048xi32, #tpu.memory_space<hbm>>
    tpu.wait_dma2 semaphore(%arg17 : memref<!tpu.dma_semaphore, #tpu.memory_space<semaphore_mem>>) src(%dma_wait3A_174 : memref<2048xi32, #tpu.memory_space<hbm>>) dst(%arg9 : memref<2048xi32, #tpu.memory_space<vmem>>)
    %dma_wait3A_175 = arith.constant 0 : i32
    %dma_wait3A_176 = tpu.memref_slice %arg7[%add3A_137, %dma_wait3A_175] : memref<64x16384xf32, #tpu.memory_space<hbm>> -> memref<1x2048xf32, #tpu.memory_space<hbm>>
    %dma_wait3A_177 = tpu.memref_squeeze %dma_wait3A_176 : memref<1x2048xf32, #tpu.memory_space<hbm>> -> memref<2048xf32, #tpu.memory_space<hbm>>
    %dma_wait3A_178 = arith.constant 0 : i32
    %dma_wait3A_179 = tpu.memref_slice %arg7[%add3A_137, %dma_wait3A_178] : memref<64x16384xf32, #tpu.memory_space<hbm>> -> memref<1x2048xf32, #tpu.memory_space<hbm>>
    %dma_wait3A_180 = tpu.memref_squeeze %dma_wait3A_179 : memref<1x2048xf32, #tpu.memory_space<hbm>> -> memref<2048xf32, #tpu.memory_space<hbm>>
    tpu.wait_dma2 semaphore(%arg18 : memref<!tpu.dma_semaphore, #tpu.memory_space<semaphore_mem>>) src(%arg12 : memref<2048xf32, #tpu.memory_space<vmem>>) dst(%dma_wait3A_180 : memref<2048xf32, #tpu.memory_space<hbm>>)
    %parallel_loop3A_181 = arith.constant 0 : i32
    %parallel_loop3A_182 = arith.constant 128 : i32
    %parallel_loop3A_183 = arith.constant 1 : i32
    scf.for %parallel_loop3A_589 = %parallel_loop3A_181 to %parallel_loop3A_182 step %parallel_loop3A_183  : i32 {
      %parallel_loop3A_590 = arith.constant 16 : i32
      %parallel_loop3A_591 = arith.muli %parallel_loop3A_589, %parallel_loop3A_590 : i32
      %parallel_loop3A_592 = arith.index_cast %parallel_loop3A_591 : i32 to index
      %parallel_loop3A_593 = tpu.vector_load %arg9[%parallel_loop3A_592] {strides = array<i32>} : memref<2048xi32, #tpu.memory_space<vmem>>, vector<16xi32>,
      %parallel_loop3A_594 = tpu.vector_load_idx %arg11[%parallel_loop3A_593] : memref<100000xf32, #tpu.memory_space<vmem>>[vector<16xi32>], vector<16xf32>,
      %parallel_loop3A_595 = arith.index_cast %parallel_loop3A_591 : i32 to index
      %parallel_loop3A_596 = tpu.vector_load %arg12[%parallel_loop3A_595] {strides = array<i32>} : memref<2048xf32, #tpu.memory_space<vmem>>, vector<16xf32>,
      tpu.vector_store %arg12[%parallel_loop3A_595], %parallel_loop3A_594 {strides = array<i32>} : memref<2048xf32, #tpu.memory_space<vmem>>, vector<16xf32>,
    } {sc.loop_unroll_factor = 16 : i64, sc.parallel_access}
    %dma_start3A_184 = arith.constant 4096 : i32
    %dma_start3A_185 = tpu.memref_slice %arg7[%add3A_137, %dma_start3A_184] : memref<64x16384xf32, #tpu.memory_space<hbm>> -> memref<1x2048xf32, #tpu.memory_space<hbm>>
    %dma_start3A_186 = tpu.memref_squeeze %dma_start3A_185 : memref<1x2048xf32, #tpu.memory_space<hbm>> -> memref<2048xf32, #tpu.memory_space<hbm>>
    %dma_start3A_187 = arith.constant 4096 : i32
    %dma_start3A_188 = tpu.memref_slice %arg7[%add3A_137, %dma_start3A_187] : memref<64x16384xf32, #tpu.memory_space<hbm>> -> memref<1x2048xf32, #tpu.memory_space<hbm>>
    %dma_start3A_189 = tpu.memref_squeeze %dma_start3A_188 : memref<1x2048xf32, #tpu.memory_space<hbm>> -> memref<2048xf32, #tpu.memory_space<hbm>>
    tpu.enqueue_dma source(%arg12 : memref<2048xf32, #tpu.memory_space<vmem>>) target(%dma_start3A_189 : memref<2048xf32, #tpu.memory_space<hbm>>) target_semaphore(%arg18 : memref<!tpu.dma_semaphore, #tpu.memory_space<semaphore_mem>>)
    %dma_start3A_190 = arith.constant 8192 : i32
    %dma_start3A_191 = tpu.memref_slice %arg3[%dma_start3A_190] : memref<16384xi32, #tpu.memory_space<hbm>> -> memref<2048xi32, #tpu.memory_space<hbm>>
    %dma_start3A_192 = arith.constant 8192 : i32
    %dma_start3A_193 = tpu.memref_slice %arg3[%dma_start3A_192] : memref<16384xi32, #tpu.memory_space<hbm>> -> memref<2048xi32, #tpu.memory_space<hbm>>
    tpu.enqueue_dma source(%dma_start3A_193 : memref<2048xi32, #tpu.memory_space<hbm>>) target(%arg9 : memref<2048xi32, #tpu.memory_space<vmem>>) target_semaphore(%arg17 : memref<!tpu.dma_semaphore, #tpu.memory_space<semaphore_mem>>)
    %dma_wait3A_194 = arith.constant 6144 : i32
    %dma_wait3A_195 = tpu.memref_slice %arg3[%dma_wait3A_194] : memref<16384xi32, #tpu.memory_space<hbm>> -> memref<2048xi32, #tpu.memory_space<hbm>>
    %dma_wait3A_196 = arith.constant 6144 : i32
    %dma_wait3A_197 = tpu.memref_slice %arg3[%dma_wait3A_196] : memref<16384xi32, #tpu.memory_space<hbm>> -> memref<2048xi32, #tpu.memory_space<hbm>>
    tpu.wait_dma2 semaphore(%arg17 : memref<!tpu.dma_semaphore, #tpu.memory_space<semaphore_mem>>) src(%dma_wait3A_197 : memref<2048xi32, #tpu.memory_space<hbm>>) dst(%arg10 : memref<2048xi32, #tpu.memory_space<vmem>>)
    %dma_wait3A_198 = arith.constant 2048 : i32
    %dma_wait3A_199 = tpu.memref_slice %arg7[%add3A_137, %dma_wait3A_198] : memref<64x16384xf32, #tpu.memory_space<hbm>> -> memref<1x2048xf32, #tpu.memory_space<hbm>>
    %dma_wait3A_200 = tpu.memref_squeeze %dma_wait3A_199 : memref<1x2048xf32, #tpu.memory_space<hbm>> -> memref<2048xf32, #tpu.memory_space<hbm>>
    %dma_wait3A_201 = arith.constant 2048 : i32
    %dma_wait3A_202 = tpu.memref_slice %arg7[%add3A_137, %dma_wait3A_201] : memref<64x16384xf32, #tpu.memory_space<hbm>> -> memref<1x2048xf32, #tpu.memory_space<hbm>>
    %dma_wait3A_203 = tpu.memref_squeeze %dma_wait3A_202 : memref<1x2048xf32, #tpu.memory_space<hbm>> -> memref<2048xf32, #tpu.memory_space<hbm>>
    tpu.wait_dma2 semaphore(%arg18 : memref<!tpu.dma_semaphore, #tpu.memory_space<semaphore_mem>>) src(%arg13 : memref<2048xf32, #tpu.memory_space<vmem>>) dst(%dma_wait3A_203 : memref<2048xf32, #tpu.memory_space<hbm>>)
    %parallel_loop3A_204 = arith.constant 0 : i32
    %parallel_loop3A_205 = arith.constant 128 : i32
    %parallel_loop3A_206 = arith.constant 1 : i32
    scf.for %parallel_loop3A_589 = %parallel_loop3A_204 to %parallel_loop3A_205 step %parallel_loop3A_206  : i32 {
      %parallel_loop3A_590 = arith.constant 16 : i32
      %parallel_loop3A_591 = arith.muli %parallel_loop3A_589, %parallel_loop3A_590 : i32
      %parallel_loop3A_592 = arith.index_cast %parallel_loop3A_591 : i32 to index
      %parallel_loop3A_593 = tpu.vector_load %arg10[%parallel_loop3A_592] {strides = array<i32>} : memref<2048xi32, #tpu.memory_space<vmem>>, vector<16xi32>,
      %parallel_loop3A_594 = tpu.vector_load_idx %arg11[%parallel_loop3A_593] : memref<100000xf32, #tpu.memory_space<vmem>>[vector<16xi32>], vector<16xf32>,
      %parallel_loop3A_595 = arith.index_cast %parallel_loop3A_591 : i32 to index
      %parallel_loop3A_596 = tpu.vector_load %arg13[%parallel_loop3A_595] {strides = array<i32>} : memref<2048xf32, #tpu.memory_space<vmem>>, vector<16xf32>,
      tpu.vector_store %arg13[%parallel_loop3A_595], %parallel_loop3A_594 {strides = array<i32>} : memref<2048xf32, #tpu.memory_space<vmem>>, vector<16xf32>,
    } {sc.loop_unroll_factor = 16 : i64, sc.parallel_access}
    %dma_start3A_207 = arith.constant 6144 : i32
    %dma_start3A_208 = tpu.memref_slice %arg7[%add3A_137, %dma_start3A_207] : memref<64x16384xf32, #tpu.memory_space<hbm>> -> memref<1x2048xf32, #tpu.memory_space<hbm>>
    %dma_start3A_209 = tpu.memref_squeeze %dma_start3A_208 : memref<1x2048xf32, #tpu.memory_space<hbm>> -> memref<2048xf32, #tpu.memory_space<hbm>>
    %dma_start3A_210 = arith.constant 6144 : i32
    %dma_start3A_211 = tpu.memref_slice %arg7[%add3A_137, %dma_start3A_210] : memref<64x16384xf32, #tpu.memory_space<hbm>> -> memref<1x2048xf32, #tpu.memory_space<hbm>>
    %dma_start3A_212 = tpu.memref_squeeze %dma_start3A_211 : memref<1x2048xf32, #tpu.memory_space<hbm>> -> memref<2048xf32, #tpu.memory_space<hbm>>
    tpu.enqueue_dma source(%arg13 : memref<2048xf32, #tpu.memory_space<vmem>>) target(%dma_start3A_212 : memref<2048xf32, #tpu.memory_space<hbm>>) target_semaphore(%arg18 : memref<!tpu.dma_semaphore, #tpu.memory_space<semaphore_mem>>)
    %dma_start3A_213 = arith.constant 10240 : i32
    %dma_start3A_214 = tpu.memref_slice %arg3[%dma_start3A_213] : memref<16384xi32, #tpu.memory_space<hbm>> -> memref<2048xi32, #tpu.memory_space<hbm>>
    %dma_start3A_215 = arith.constant 10240 : i32
    %dma_start3A_216 = tpu.memref_slice %arg3[%dma_start3A_215] : memref<16384xi32, #tpu.memory_space<hbm>> -> memref<2048xi32, #tpu.memory_space<hbm>>
    tpu.enqueue_dma source(%dma_start3A_216 : memref<2048xi32, #tpu.memory_space<hbm>>) target(%arg10 : memref<2048xi32, #tpu.memory_space<vmem>>) target_semaphore(%arg17 : memref<!tpu.dma_semaphore, #tpu.memory_space<semaphore_mem>>)
    %dma_wait3A_217 = arith.constant 8192 : i32
    %dma_wait3A_218 = tpu.memref_slice %arg3[%dma_wait3A_217] : memref<16384xi32, #tpu.memory_space<hbm>> -> memref<2048xi32, #tpu.memory_space<hbm>>
    %dma_wait3A_219 = arith.constant 8192 : i32
    %dma_wait3A_220 = tpu.memref_slice %arg3[%dma_wait3A_219] : memref<16384xi32, #tpu.memory_space<hbm>> -> memref<2048xi32, #tpu.memory_space<hbm>>
    tpu.wait_dma2 semaphore(%arg17 : memref<!tpu.dma_semaphore, #tpu.memory_space<semaphore_mem>>) src(%dma_wait3A_220 : memref<2048xi32, #tpu.memory_space<hbm>>) dst(%arg9 : memref<2048xi32, #tpu.memory_space<vmem>>)
    %dma_wait3A_221 = arith.constant 4096 : i32
    %dma_wait3A_222 = tpu.memref_slice %arg7[%add3A_137, %dma_wait3A_221] : memref<64x16384xf32, #tpu.memory_space<hbm>> -> memref<1x2048xf32, #tpu.memory_space<hbm>>
    %dma_wait3A_223 = tpu.memref_squeeze %dma_wait3A_222 : memref<1x2048xf32, #tpu.memory_space<hbm>> -> memref<2048xf32, #tpu.memory_space<hbm>>
    %dma_wait3A_224 = arith.constant 4096 : i32
    %dma_wait3A_225 = tpu.memref_slice %arg7[%add3A_137, %dma_wait3A_224] : memref<64x16384xf32, #tpu.memory_space<hbm>> -> memref<1x2048xf32, #tpu.memory_space<hbm>>
    %dma_wait3A_226 = tpu.memref_squeeze %dma_wait3A_225 : memref<1x2048xf32, #tpu.memory_space<hbm>> -> memref<2048xf32, #tpu.memory_space<hbm>>
    tpu.wait_dma2 semaphore(%arg18 : memref<!tpu.dma_semaphore, #tpu.memory_space<semaphore_mem>>) src(%arg12 : memref<2048xf32, #tpu.memory_space<vmem>>) dst(%dma_wait3A_226 : memref<2048xf32, #tpu.memory_space<hbm>>)
    %parallel_loop3A_227 = arith.constant 0 : i32
    %parallel_loop3A_228 = arith.constant 128 : i32
    %parallel_loop3A_229 = arith.constant 1 : i32
    scf.for %parallel_loop3A_589 = %parallel_loop3A_227 to %parallel_loop3A_228 step %parallel_loop3A_229  : i32 {
      %parallel_loop3A_590 = arith.constant 16 : i32
      %parallel_loop3A_591 = arith.muli %parallel_loop3A_589, %parallel_loop3A_590 : i32
      %parallel_loop3A_592 = arith.index_cast %parallel_loop3A_591 : i32 to index
      %parallel_loop3A_593 = tpu.vector_load %arg9[%parallel_loop3A_592] {strides = array<i32>} : memref<2048xi32, #tpu.memory_space<vmem>>, vector<16xi32>,
      %parallel_loop3A_594 = tpu.vector_load_idx %arg11[%parallel_loop3A_593] : memref<100000xf32, #tpu.memory_space<vmem>>[vector<16xi32>], vector<16xf32>,
      %parallel_loop3A_595 = arith.index_cast %parallel_loop3A_591 : i32 to index
      %parallel_loop3A_596 = tpu.vector_load %arg12[%parallel_loop3A_595] {strides = array<i32>} : memref<2048xf32, #tpu.memory_space<vmem>>, vector<16xf32>,
      tpu.vector_store %arg12[%parallel_loop3A_595], %parallel_loop3A_594 {strides = array<i32>} : memref<2048xf32, #tpu.memory_space<vmem>>, vector<16xf32>,
    } {sc.loop_unroll_factor = 16 : i64, sc.parallel_access}
    %dma_start3A_230 = arith.constant 8192 : i32
    %dma_start3A_231 = tpu.memref_slice %arg7[%add3A_137, %dma_start3A_230] : memref<64x16384xf32, #tpu.memory_space<hbm>> -> memref<1x2048xf32, #tpu.memory_space<hbm>>
    %dma_start3A_232 = tpu.memref_squeeze %dma_start3A_231 : memref<1x2048xf32, #tpu.memory_space<hbm>> -> memref<2048xf32, #tpu.memory_space<hbm>>
    %dma_start3A_233 = arith.constant 8192 : i32
    %dma_start3A_234 = tpu.memref_slice %arg7[%add3A_137, %dma_start3A_233] : memref<64x16384xf32, #tpu.memory_space<hbm>> -> memref<1x2048xf32, #tpu.memory_space<hbm>>
    %dma_start3A_235 = tpu.memref_squeeze %dma_start3A_234 : memref<1x2048xf32, #tpu.memory_space<hbm>> -> memref<2048xf32, #tpu.memory_space<hbm>>
    tpu.enqueue_dma source(%arg12 : memref<2048xf32, #tpu.memory_space<vmem>>) target(%dma_start3A_235 : memref<2048xf32, #tpu.memory_space<hbm>>) target_semaphore(%arg18 : memref<!tpu.dma_semaphore, #tpu.memory_space<semaphore_mem>>)
    %dma_start3A_236 = arith.constant 12288 : i32
    %dma_start3A_237 = tpu.memref_slice %arg3[%dma_start3A_236] : memref<16384xi32, #tpu.memory_space<hbm>> -> memref<2048xi32, #tpu.memory_space<hbm>>
    %dma_start3A_238 = arith.constant 12288 : i32
    %dma_start3A_239 = tpu.memref_slice %arg3[%dma_start3A_238] : memref<16384xi32, #tpu.memory_space<hbm>> -> memref<2048xi32, #tpu.memory_space<hbm>>
    tpu.enqueue_dma source(%dma_start3A_239 : memref<2048xi32, #tpu.memory_space<hbm>>) target(%arg9 : memref<2048xi32, #tpu.memory_space<vmem>>) target_semaphore(%arg17 : memref<!tpu.dma_semaphore, #tpu.memory_space<semaphore_mem>>)
    %dma_wait3A_240 = arith.constant 10240 : i32
    %dma_wait3A_241 = tpu.memref_slice %arg3[%dma_wait3A_240] : memref<16384xi32, #tpu.memory_space<hbm>> -> memref<2048xi32, #tpu.memory_space<hbm>>
    %dma_wait3A_242 = arith.constant 10240 : i32
    %dma_wait3A_243 = tpu.memref_slice %arg3[%dma_wait3A_242] : memref<16384xi32, #tpu.memory_space<hbm>> -> memref<2048xi32, #tpu.memory_space<hbm>>
    tpu.wait_dma2 semaphore(%arg17 : memref<!tpu.dma_semaphore, #tpu.memory_space<semaphore_mem>>) src(%dma_wait3A_243 : memref<2048xi32, #tpu.memory_space<hbm>>) dst(%arg10 : memref<2048xi32, #tpu.memory_space<vmem>>)
    %dma_wait3A_244 = arith.constant 6144 : i32
    %dma_wait3A_245 = tpu.memref_slice %arg7[%add3A_137, %dma_wait3A_244] : memref<64x16384xf32, #tpu.memory_space<hbm>> -> memref<1x2048xf32, #tpu.memory_space<hbm>>
    %dma_wait3A_246 = tpu.memref_squeeze %dma_wait3A_245 : memref<1x2048xf32, #tpu.memory_space<hbm>> -> memref<2048xf32, #tpu.memory_space<hbm>>
    %dma_wait3A_247 = arith.constant 6144 : i32
    %dma_wait3A_248 = tpu.memref_slice %arg7[%add3A_137, %dma_wait3A_247] : memref<64x16384xf32, #tpu.memory_space<hbm>> -> memref<1x2048xf32, #tpu.memory_space<hbm>>
    %dma_wait3A_249 = tpu.memref_squeeze %dma_wait3A_248 : memref<1x2048xf32, #tpu.memory_space<hbm>> -> memref<2048xf32, #tpu.memory_space<hbm>>
    tpu.wait_dma2 semaphore(%arg18 : memref<!tpu.dma_semaphore, #tpu.memory_space<semaphore_mem>>) src(%arg13 : memref<2048xf32, #tpu.memory_space<vmem>>) dst(%dma_wait3A_249 : memref<2048xf32, #tpu.memory_space<hbm>>)
    %parallel_loop3A_250 = arith.constant 0 : i32
    %parallel_loop3A_251 = arith.constant 128 : i32
    %parallel_loop3A_252 = arith.constant 1 : i32
    scf.for %parallel_loop3A_589 = %parallel_loop3A_250 to %parallel_loop3A_251 step %parallel_loop3A_252  : i32 {
      %parallel_loop3A_590 = arith.constant 16 : i32
      %parallel_loop3A_591 = arith.muli %parallel_loop3A_589, %parallel_loop3A_590 : i32
      %parallel_loop3A_592 = arith.index_cast %parallel_loop3A_591 : i32 to index
      %parallel_loop3A_593 = tpu.vector_load %arg10[%parallel_loop3A_592] {strides = array<i32>} : memref<2048xi32, #tpu.memory_space<vmem>>, vector<16xi32>,
      %parallel_loop3A_594 = tpu.vector_load_idx %arg11[%parallel_loop3A_593] : memref<100000xf32, #tpu.memory_space<vmem>>[vector<16xi32>], vector<16xf32>,
      %parallel_loop3A_595 = arith.index_cast %parallel_loop3A_591 : i32 to index
      %parallel_loop3A_596 = tpu.vector_load %arg13[%parallel_loop3A_595] {strides = array<i32>} : memref<2048xf32, #tpu.memory_space<vmem>>, vector<16xf32>,
      tpu.vector_store %arg13[%parallel_loop3A_595], %parallel_loop3A_594 {strides = array<i32>} : memref<2048xf32, #tpu.memory_space<vmem>>, vector<16xf32>,
    } {sc.loop_unroll_factor = 16 : i64, sc.parallel_access}
    %dma_start3A_253 = arith.constant 10240 : i32
    %dma_start3A_254 = tpu.memref_slice %arg7[%add3A_137, %dma_start3A_253] : memref<64x16384xf32, #tpu.memory_space<hbm>> -> memref<1x2048xf32, #tpu.memory_space<hbm>>
    %dma_start3A_255 = tpu.memref_squeeze %dma_start3A_254 : memref<1x2048xf32, #tpu.memory_space<hbm>> -> memref<2048xf32, #tpu.memory_space<hbm>>
    %dma_start3A_256 = arith.constant 10240 : i32
    %dma_start3A_257 = tpu.memref_slice %arg7[%add3A_137, %dma_start3A_256] : memref<64x16384xf32, #tpu.memory_space<hbm>> -> memref<1x2048xf32, #tpu.memory_space<hbm>>
    %dma_start3A_258 = tpu.memref_squeeze %dma_start3A_257 : memref<1x2048xf32, #tpu.memory_space<hbm>> -> memref<2048xf32, #tpu.memory_space<hbm>>
    tpu.enqueue_dma source(%arg13 : memref<2048xf32, #tpu.memory_space<vmem>>) target(%dma_start3A_258 : memref<2048xf32, #tpu.memory_space<hbm>>) target_semaphore(%arg18 : memref<!tpu.dma_semaphore, #tpu.memory_space<semaphore_mem>>)
    %dma_start3A_259 = arith.constant 14336 : i32
    %dma_start3A_260 = tpu.memref_slice %arg3[%dma_start3A_259] : memref<16384xi32, #tpu.memory_space<hbm>> -> memref<2048xi32, #tpu.memory_space<hbm>>
    %dma_start3A_261 = arith.constant 14336 : i32
    %dma_start3A_262 = tpu.memref_slice %arg3[%dma_start3A_261] : memref<16384xi32, #tpu.memory_space<hbm>> -> memref<2048xi32, #tpu.memory_space<hbm>>
    tpu.enqueue_dma source(%dma_start3A_262 : memref<2048xi32, #tpu.memory_space<hbm>>) target(%arg10 : memref<2048xi32, #tpu.memory_space<vmem>>) target_semaphore(%arg17 : memref<!tpu.dma_semaphore, #tpu.memory_space<semaphore_mem>>)
    %dma_wait3A_263 = arith.constant 12288 : i32
    %dma_wait3A_264 = tpu.memref_slice %arg3[%dma_wait3A_263] : memref<16384xi32, #tpu.memory_space<hbm>> -> memref<2048xi32, #tpu.memory_space<hbm>>
    %dma_wait3A_265 = arith.constant 12288 : i32
    %dma_wait3A_266 = tpu.memref_slice %arg3[%dma_wait3A_265] : memref<16384xi32, #tpu.memory_space<hbm>> -> memref<2048xi32, #tpu.memory_space<hbm>>
    tpu.wait_dma2 semaphore(%arg17 : memref<!tpu.dma_semaphore, #tpu.memory_space<semaphore_mem>>) src(%dma_wait3A_266 : memref<2048xi32, #tpu.memory_space<hbm>>) dst(%arg9 : memref<2048xi32, #tpu.memory_space<vmem>>)
    %dma_wait3A_267 = arith.constant 8192 : i32
    %dma_wait3A_268 = tpu.memref_slice %arg7[%add3A_137, %dma_wait3A_267] : memref<64x16384xf32, #tpu.memory_space<hbm>> -> memref<1x2048xf32, #tpu.memory_space<hbm>>
    %dma_wait3A_269 = tpu.memref_squeeze %dma_wait3A_268 : memref<1x2048xf32, #tpu.memory_space<hbm>> -> memref<2048xf32, #tpu.memory_space<hbm>>
    %dma_wait3A_270 = arith.constant 8192 : i32
    %dma_wait3A_271 = tpu.memref_slice %arg7[%add3A_137, %dma_wait3A_270] : memref<64x16384xf32, #tpu.memory_space<hbm>> -> memref<1x2048xf32, #tpu.memory_space<hbm>>
    %dma_wait3A_272 = tpu.memref_squeeze %dma_wait3A_271 : memref<1x2048xf32, #tpu.memory_space<hbm>> -> memref<2048xf32, #tpu.memory_space<hbm>>
    tpu.wait_dma2 semaphore(%arg18 : memref<!tpu.dma_semaphore, #tpu.memory_space<semaphore_mem>>) src(%arg12 : memref<2048xf32, #tpu.memory_space<vmem>>) dst(%dma_wait3A_272 : memref<2048xf32, #tpu.memory_space<hbm>>)
    %parallel_loop3A_273 = arith.constant 0 : i32
    %parallel_loop3A_274 = arith.constant 128 : i32
    %parallel_loop3A_275 = arith.constant 1 : i32
    scf.for %parallel_loop3A_589 = %parallel_loop3A_273 to %parallel_loop3A_274 step %parallel_loop3A_275  : i32 {
      %parallel_loop3A_590 = arith.constant 16 : i32
      %parallel_loop3A_591 = arith.muli %parallel_loop3A_589, %parallel_loop3A_590 : i32
      %parallel_loop3A_592 = arith.index_cast %parallel_loop3A_591 : i32 to index
      %parallel_loop3A_593 = tpu.vector_load %arg9[%parallel_loop3A_592] {strides = array<i32>} : memref<2048xi32, #tpu.memory_space<vmem>>, vector<16xi32>,
      %parallel_loop3A_594 = tpu.vector_load_idx %arg11[%parallel_loop3A_593] : memref<100000xf32, #tpu.memory_space<vmem>>[vector<16xi32>], vector<16xf32>,
      %parallel_loop3A_595 = arith.index_cast %parallel_loop3A_591 : i32 to index
      %parallel_loop3A_596 = tpu.vector_load %arg12[%parallel_loop3A_595] {strides = array<i32>} : memref<2048xf32, #tpu.memory_space<vmem>>, vector<16xf32>,
      tpu.vector_store %arg12[%parallel_loop3A_595], %parallel_loop3A_594 {strides = array<i32>} : memref<2048xf32, #tpu.memory_space<vmem>>, vector<16xf32>,
    } {sc.loop_unroll_factor = 16 : i64, sc.parallel_access}
    %dma_start3A_276 = arith.constant 12288 : i32
    %dma_start3A_277 = tpu.memref_slice %arg7[%add3A_137, %dma_start3A_276] : memref<64x16384xf32, #tpu.memory_space<hbm>> -> memref<1x2048xf32, #tpu.memory_space<hbm>>
    %dma_start3A_278 = tpu.memref_squeeze %dma_start3A_277 : memref<1x2048xf32, #tpu.memory_space<hbm>> -> memref<2048xf32, #tpu.memory_space<hbm>>
    %dma_start3A_279 = arith.constant 12288 : i32
    %dma_start3A_280 = tpu.memref_slice %arg7[%add3A_137, %dma_start3A_279] : memref<64x16384xf32, #tpu.memory_space<hbm>> -> memref<1x2048xf32, #tpu.memory_space<hbm>>
    %dma_start3A_281 = tpu.memref_squeeze %dma_start3A_280 : memref<1x2048xf32, #tpu.memory_space<hbm>> -> memref<2048xf32, #tpu.memory_space<hbm>>
    tpu.enqueue_dma source(%arg12 : memref<2048xf32, #tpu.memory_space<vmem>>) target(%dma_start3A_281 : memref<2048xf32, #tpu.memory_space<hbm>>) target_semaphore(%arg18 : memref<!tpu.dma_semaphore, #tpu.memory_space<semaphore_mem>>)
    %dma_start3A_282 = arith.constant 0 : i32
    %dma_start3A_283 = tpu.memref_slice %arg3[%dma_start3A_282] : memref<16384xi32, #tpu.memory_space<hbm>> -> memref<2048xi32, #tpu.memory_space<hbm>>
    %dma_start3A_284 = arith.constant 0 : i32
    %dma_start3A_285 = tpu.memref_slice %arg3[%dma_start3A_284] : memref<16384xi32, #tpu.memory_space<hbm>> -> memref<2048xi32, #tpu.memory_space<hbm>>
    tpu.enqueue_dma source(%dma_start3A_285 : memref<2048xi32, #tpu.memory_space<hbm>>) target(%arg9 : memref<2048xi32, #tpu.memory_space<vmem>>) target_semaphore(%arg17 : memref<!tpu.dma_semaphore, #tpu.memory_space<semaphore_mem>>)
    %dma_wait3A_286 = arith.constant 14336 : i32
    %dma_wait3A_287 = tpu.memref_slice %arg3[%dma_wait3A_286] : memref<16384xi32, #tpu.memory_space<hbm>> -> memref<2048xi32, #tpu.memory_space<hbm>>
    %dma_wait3A_288 = arith.constant 14336 : i32
    %dma_wait3A_289 = tpu.memref_slice %arg3[%dma_wait3A_288] : memref<16384xi32, #tpu.memory_space<hbm>> -> memref<2048xi32, #tpu.memory_space<hbm>>
    tpu.wait_dma2 semaphore(%arg17 : memref<!tpu.dma_semaphore, #tpu.memory_space<semaphore_mem>>) src(%dma_wait3A_289 : memref<2048xi32, #tpu.memory_space<hbm>>) dst(%arg10 : memref<2048xi32, #tpu.memory_space<vmem>>)
    %dma_wait3A_290 = arith.constant 10240 : i32
    %dma_wait3A_291 = tpu.memref_slice %arg7[%add3A_137, %dma_wait3A_290] : memref<64x16384xf32, #tpu.memory_space<hbm>> -> memref<1x2048xf32, #tpu.memory_space<hbm>>
    %dma_wait3A_292 = tpu.memref_squeeze %dma_wait3A_291 : memref<1x2048xf32, #tpu.memory_space<hbm>> -> memref<2048xf32, #tpu.memory_space<hbm>>
    %dma_wait3A_293 = arith.constant 10240 : i32
    %dma_wait3A_294 = tpu.memref_slice %arg7[%add3A_137, %dma_wait3A_293] : memref<64x16384xf32, #tpu.memory_space<hbm>> -> memref<1x2048xf32, #tpu.memory_space<hbm>>
    %dma_wait3A_295 = tpu.memref_squeeze %dma_wait3A_294 : memref<1x2048xf32, #tpu.memory_space<hbm>> -> memref<2048xf32, #tpu.memory_space<hbm>>
    tpu.wait_dma2 semaphore(%arg18 : memref<!tpu.dma_semaphore, #tpu.memory_space<semaphore_mem>>) src(%arg13 : memref<2048xf32, #tpu.memory_space<vmem>>) dst(%dma_wait3A_295 : memref<2048xf32, #tpu.memory_space<hbm>>)
    %parallel_loop3A_296 = arith.constant 0 : i32
    %parallel_loop3A_297 = arith.constant 128 : i32
    %parallel_loop3A_298 = arith.constant 1 : i32
    scf.for %parallel_loop3A_589 = %parallel_loop3A_296 to %parallel_loop3A_297 step %parallel_loop3A_298  : i32 {
      %parallel_loop3A_590 = arith.constant 16 : i32
      %parallel_loop3A_591 = arith.muli %parallel_loop3A_589, %parallel_loop3A_590 : i32
      %parallel_loop3A_592 = arith.index_cast %parallel_loop3A_591 : i32 to index
      %parallel_loop3A_593 = tpu.vector_load %arg10[%parallel_loop3A_592] {strides = array<i32>} : memref<2048xi32, #tpu.memory_space<vmem>>, vector<16xi32>,
      %parallel_loop3A_594 = tpu.vector_load_idx %arg11[%parallel_loop3A_593] : memref<100000xf32, #tpu.memory_space<vmem>>[vector<16xi32>], vector<16xf32>,
      %parallel_loop3A_595 = arith.index_cast %parallel_loop3A_591 : i32 to index
      %parallel_loop3A_596 = tpu.vector_load %arg13[%parallel_loop3A_595] {strides = array<i32>} : memref<2048xf32, #tpu.memory_space<vmem>>, vector<16xf32>,
      tpu.vector_store %arg13[%parallel_loop3A_595], %parallel_loop3A_594 {strides = array<i32>} : memref<2048xf32, #tpu.memory_space<vmem>>, vector<16xf32>,
    } {sc.loop_unroll_factor = 16 : i64, sc.parallel_access}
    %dma_start3A_299 = arith.constant 14336 : i32
    %dma_start3A_300 = tpu.memref_slice %arg7[%add3A_137, %dma_start3A_299] : memref<64x16384xf32, #tpu.memory_space<hbm>> -> memref<1x2048xf32, #tpu.memory_space<hbm>>
    %dma_start3A_301 = tpu.memref_squeeze %dma_start3A_300 : memref<1x2048xf32, #tpu.memory_space<hbm>> -> memref<2048xf32, #tpu.memory_space<hbm>>
    %dma_start3A_302 = arith.constant 14336 : i32
    %dma_start3A_303 = tpu.memref_slice %arg7[%add3A_137, %dma_start3A_302] : memref<64x16384xf32, #tpu.memory_space<hbm>> -> memref<1x2048xf32, #tpu.memory_space<hbm>>
    %dma_start3A_304 = tpu.memref_squeeze %dma_start3A_303 : memref<1x2048xf32, #tpu.memory_space<hbm>> -> memref<2048xf32, #tpu.memory_space<hbm>>
    tpu.enqueue_dma source(%arg13 : memref<2048xf32, #tpu.memory_space<vmem>>) target(%dma_start3A_304 : memref<2048xf32, #tpu.memory_space<hbm>>) target_semaphore(%arg18 : memref<!tpu.dma_semaphore, #tpu.memory_space<semaphore_mem>>)
    %dma_start3A_305 = arith.constant 2048 : i32
    %dma_start3A_306 = tpu.memref_slice %arg3[%dma_start3A_305] : memref<16384xi32, #tpu.memory_space<hbm>> -> memref<2048xi32, #tpu.memory_space<hbm>>
    %dma_start3A_307 = arith.constant 2048 : i32
    %dma_start3A_308 = tpu.memref_slice %arg3[%dma_start3A_307] : memref<16384xi32, #tpu.memory_space<hbm>> -> memref<2048xi32, #tpu.memory_space<hbm>>
    tpu.enqueue_dma source(%dma_start3A_308 : memref<2048xi32, #tpu.memory_space<hbm>>) target(%arg10 : memref<2048xi32, #tpu.memory_space<vmem>>) target_semaphore(%arg17 : memref<!tpu.dma_semaphore, #tpu.memory_space<semaphore_mem>>)
    %mul3A_309 = arith.constant 2 : i32
    %mul3A_310 = arith.muli %add3A, %mul3A_309 : i32
    %add3A_311 = arith.constant 1 : i32
    %add3A_312 = arith.addi %mul3A_310, %add3A_311 : i32
    %dma_start3A_313 = arith.constant 0 : i32
    %dma_start3A_314 = tpu.memref_slice %arg5[%add3A_312, %dma_start3A_313] : memref<64x100000xf32, #tpu.memory_space<hbm>> -> memref<1x100000xf32, #tpu.memory_space<hbm>>
    %dma_start3A_315 = tpu.memref_squeeze %dma_start3A_314 : memref<1x100000xf32, #tpu.memory_space<hbm>> -> memref<100000xf32, #tpu.memory_space<hbm>>
    %dma_start3A_316 = arith.constant 0 : i32
    %dma_start3A_317 = tpu.memref_slice %arg5[%add3A_312, %dma_start3A_316] : memref<64x100000xf32, #tpu.memory_space<hbm>> -> memref<1x100000xf32, #tpu.memory_space<hbm>>
    %dma_start3A_318 = tpu.memref_squeeze %dma_start3A_317 : memref<1x100000xf32, #tpu.memory_space<hbm>> -> memref<100000xf32, #tpu.memory_space<hbm>>
    tpu.enqueue_dma source(%dma_start3A_318 : memref<100000xf32, #tpu.memory_space<hbm>>) target(%arg11 : memref<100000xf32, #tpu.memory_space<vmem>>) target_semaphore(%arg16 : memref<!tpu.dma_semaphore, #tpu.memory_space<semaphore_mem>>)
    %dma_wait3A_319 = arith.constant 0 : i32
    %dma_wait3A_320 = arith.constant 0 : i32
    %dma_wait3A_321 = arith.constant 0 : i32
    %dma_wait3A_322 = tpu.memref_slice %arg14[%dma_wait3A_319, %dma_wait3A_320, %dma_wait3A_321] : memref<2x64x128xf32, #tpu.memory_space<vmem>> -> memref<1x64x128xf32, #tpu.memory_space<vmem>>
    %dma_wait3A_323 = tpu.memref_squeeze %dma_wait3A_322 : memref<1x64x128xf32, #tpu.memory_space<vmem>> -> memref<64x128xf32, #tpu.memory_space<vmem>>
    %dma_wait3A_324 = arith.constant 256 : i32
    %dma_wait3A_325 = tpu.memref_slice %arg8[%dma_wait3A_324] : memref<512xi32, #tpu.memory_space<vmem>> -> memref<64xi32, #tpu.memory_space<vmem>>
    %dma_wait3A_326 = arith.constant 0 : i32
    %dma_wait3A_327 = arith.constant 0 : i32
    %dma_wait3A_328 = tpu.memref_slice %arg4[%dma_wait3A_326, %dma_wait3A_327] : memref<1000000x128xf32, #tpu.memory_space<hbm>> -> memref<1000000x128xf32, #tpu.memory_space<hbm>>
    tpu.wait_indirect_dma semaphore(%arg15 : memref<!tpu.dma_semaphore, #tpu.memory_space<semaphore_mem>>) src(%dma_wait3A_328 : memref<1000000x128xf32, #tpu.memory_space<hbm>>) dst(%dma_wait3A_323 : memref<64x128xf32, #tpu.memory_space<vmem>>)
    %add3A_329 = arith.constant 256 : i32
    %add3A_330 = arith.addi %mul3A_2, %add3A_329 : i32
    %run_scoped3A_331 = arith.constant 0 : i32
    "tpu.region"() ({
      %run_scoped3A_589 = tpu.sem_alloc : memref<!tpu.dma_semaphore, #tpu.memory_space<semaphore_mem>>
      %dma_start3A_590 = arith.constant 0 : i32
      %dma_start3A_591 = arith.constant 0 : i32
      %dma_start3A_592 = tpu.memref_slice %arg14[%run_scoped3A_331, %dma_start3A_590, %dma_start3A_591] : memref<2x64x128xf32, #tpu.memory_space<vmem>> -> memref<1x64x128xf32, #tpu.memory_space<vmem>>
      %dma_start3A_593 = tpu.memref_squeeze %dma_start3A_592 : memref<1x64x128xf32, #tpu.memory_space<vmem>> -> memref<64x128xf32, #tpu.memory_space<vmem>>
      %dma_start3A_594 = arith.constant 0 : i32
      %dma_start3A_595 = tpu.memref_slice %arg6[%add3A_330, %dma_start3A_594] : memref<16384x128xf32, #tpu.memory_space<hbm>> -> memref<64x128xf32, #tpu.memory_space<hbm>>
      %dma_start3A_596 = arith.constant 0 : i32
      %dma_start3A_597 = tpu.memref_slice %arg6[%add3A_330, %dma_start3A_596] : memref<16384x128xf32, #tpu.memory_space<hbm>> -> memref<64x128xf32, #tpu.memory_space<hbm>>
      %dma_start3A_598 = arith.constant 0 : i32
      %dma_start3A_599 = arith.constant 0 : i32
      %dma_start3A_600 = tpu.memref_slice %arg14[%run_scoped3A_331, %dma_start3A_598, %dma_start3A_599] : memref<2x64x128xf32, #tpu.memory_space<vmem>> -> memref<1x64x128xf32, #tpu.memory_space<vmem>>
      %dma_start3A_601 = tpu.memref_squeeze %dma_start3A_600 : memref<1x64x128xf32, #tpu.memory_space<vmem>> -> memref<64x128xf32, #tpu.memory_space<vmem>>
      tpu.enqueue_dma source(%dma_start3A_601 : memref<64x128xf32, #tpu.memory_space<vmem>>) target(%dma_start3A_597 : memref<64x128xf32, #tpu.memory_space<hbm>>) target_semaphore(%run_scoped3A_589 : memref<!tpu.dma_semaphore, #tpu.memory_space<semaphore_mem>>)
      %dma_wait3A_602 = arith.constant 0 : i32
      %dma_wait3A_603 = arith.constant 0 : i32
      %dma_wait3A_604 = tpu.memref_slice %arg14[%run_scoped3A_331, %dma_wait3A_602, %dma_wait3A_603] : memref<2x64x128xf32, #tpu.memory_space<vmem>> -> memref<1x64x128xf32, #tpu.memory_space<vmem>>
      %dma_wait3A_605 = tpu.memref_squeeze %dma_wait3A_604 : memref<1x64x128xf32, #tpu.memory_space<vmem>> -> memref<64x128xf32, #tpu.memory_space<vmem>>
      %dma_wait3A_606 = arith.constant 0 : i32
      %dma_wait3A_607 = tpu.memref_slice %arg6[%add3A_330, %dma_wait3A_606] : memref<16384x128xf32, #tpu.memory_space<hbm>> -> memref<64x128xf32, #tpu.memory_space<hbm>>
      %dma_wait3A_608 = arith.constant 0 : i32
      %dma_wait3A_609 = tpu.memref_slice %arg6[%add3A_330, %dma_wait3A_608] : memref<16384x128xf32, #tpu.memory_space<hbm>> -> memref<64x128xf32, #tpu.memory_space<hbm>>
      %dma_wait3A_610 = arith.constant 0 : i32
      %dma_wait3A_611 = arith.constant 0 : i32
      %dma_wait3A_612 = tpu.memref_slice %arg14[%run_scoped3A_331, %dma_wait3A_610, %dma_wait3A_611] : memref<2x64x128xf32, #tpu.memory_space<vmem>> -> memref<1x64x128xf32, #tpu.memory_space<vmem>>
      %dma_wait3A_613 = tpu.memref_squeeze %dma_wait3A_612 : memref<1x64x128xf32, #tpu.memory_space<vmem>> -> memref<64x128xf32, #tpu.memory_space<vmem>>
      tpu.wait_dma2 semaphore(%run_scoped3A_589 : memref<!tpu.dma_semaphore, #tpu.memory_space<semaphore_mem>>) src(%dma_wait3A_613 : memref<64x128xf32, #tpu.memory_space<vmem>>) dst(%dma_wait3A_609 : memref<64x128xf32, #tpu.memory_space<hbm>>)
      tpu.yield
    }) : () -> ()
    %dma_start3A_332 = arith.constant 0 : i32
    %dma_start3A_333 = arith.constant 0 : i32
    %dma_start3A_334 = arith.constant 0 : i32
    %dma_start3A_335 = tpu.memref_slice %arg14[%dma_start3A_332, %dma_start3A_333, %dma_start3A_334] : memref<2x64x128xf32, #tpu.memory_space<vmem>> -> memref<1x64x128xf32, #tpu.memory_space<vmem>>
    %dma_start3A_336 = tpu.memref_squeeze %dma_start3A_335 : memref<1x64x128xf32, #tpu.memory_space<vmem>> -> memref<64x128xf32, #tpu.memory_space<vmem>>
    %dma_start3A_337 = arith.constant 384 : i32
    %dma_start3A_338 = tpu.memref_slice %arg8[%dma_start3A_337] : memref<512xi32, #tpu.memory_space<vmem>> -> memref<64xi32, #tpu.memory_space<vmem>>
    %dma_start3A_339 = arith.constant 0 : i32
    %dma_start3A_340 = arith.constant 0 : i32
    %dma_start3A_341 = tpu.memref_slice %arg4[%dma_start3A_339, %dma_start3A_340] : memref<1000000x128xf32, #tpu.memory_space<hbm>> -> memref<1000000x128xf32, #tpu.memory_space<hbm>>
    tpu.enqueue_indirect_dma source(%dma_start3A_341 : memref<1000000x128xf32, #tpu.memory_space<hbm>>) target(%dma_start3A_336 : memref<64x128xf32, #tpu.memory_space<vmem>>) offsets(%dma_start3A_338 : memref<64xi32, #tpu.memory_space<vmem>>) semaphore(%arg15 : memref<!tpu.dma_semaphore, #tpu.memory_space<semaphore_mem>>)
    %dma_wait3A_342 = arith.constant 1 : i32
    %dma_wait3A_343 = arith.constant 0 : i32
    %dma_wait3A_344 = arith.constant 0 : i32
    %dma_wait3A_345 = tpu.memref_slice %arg14[%dma_wait3A_342, %dma_wait3A_343, %dma_wait3A_344] : memref<2x64x128xf32, #tpu.memory_space<vmem>> -> memref<1x64x128xf32, #tpu.memory_space<vmem>>
    %dma_wait3A_346 = tpu.memref_squeeze %dma_wait3A_345 : memref<1x64x128xf32, #tpu.memory_space<vmem>> -> memref<64x128xf32, #tpu.memory_space<vmem>>
    %dma_wait3A_347 = arith.constant 320 : i32
    %dma_wait3A_348 = tpu.memref_slice %arg8[%dma_wait3A_347] : memref<512xi32, #tpu.memory_space<vmem>> -> memref<64xi32, #tpu.memory_space<vmem>>
    %dma_wait3A_349 = arith.constant 0 : i32
    %dma_wait3A_350 = arith.constant 0 : i32
    %dma_wait3A_351 = tpu.memref_slice %arg4[%dma_wait3A_349, %dma_wait3A_350] : memref<1000000x128xf32, #tpu.memory_space<hbm>> -> memref<1000000x128xf32, #tpu.memory_space<hbm>>
    tpu.wait_indirect_dma semaphore(%arg15 : memref<!tpu.dma_semaphore, #tpu.memory_space<semaphore_mem>>) src(%dma_wait3A_351 : memref<1000000x128xf32, #tpu.memory_space<hbm>>) dst(%dma_wait3A_346 : memref<64x128xf32, #tpu.memory_space<vmem>>)
    %add3A_352 = arith.constant 320 : i32
    %add3A_353 = arith.addi %mul3A_2, %add3A_352 : i32
    %run_scoped3A_354 = arith.constant 1 : i32
    "tpu.region"() ({
      %run_scoped3A_589 = tpu.sem_alloc : memref<!tpu.dma_semaphore, #tpu.memory_space<semaphore_mem>>
      %dma_start3A_590 = arith.constant 0 : i32
      %dma_start3A_591 = arith.constant 0 : i32
      %dma_start3A_592 = tpu.memref_slice %arg14[%run_scoped3A_354, %dma_start3A_590, %dma_start3A_591] : memref<2x64x128xf32, #tpu.memory_space<vmem>> -> memref<1x64x128xf32, #tpu.memory_space<vmem>>
      %dma_start3A_593 = tpu.memref_squeeze %dma_start3A_592 : memref<1x64x128xf32, #tpu.memory_space<vmem>> -> memref<64x128xf32, #tpu.memory_space<vmem>>
      %dma_start3A_594 = arith.constant 0 : i32
      %dma_start3A_595 = tpu.memref_slice %arg6[%add3A_353, %dma_start3A_594] : memref<16384x128xf32, #tpu.memory_space<hbm>> -> memref<64x128xf32, #tpu.memory_space<hbm>>
      %dma_start3A_596 = arith.constant 0 : i32
      %dma_start3A_597 = tpu.memref_slice %arg6[%add3A_353, %dma_start3A_596] : memref<16384x128xf32, #tpu.memory_space<hbm>> -> memref<64x128xf32, #tpu.memory_space<hbm>>
      %dma_start3A_598 = arith.constant 0 : i32
      %dma_start3A_599 = arith.constant 0 : i32
      %dma_start3A_600 = tpu.memref_slice %arg14[%run_scoped3A_354, %dma_start3A_598, %dma_start3A_599] : memref<2x64x128xf32, #tpu.memory_space<vmem>> -> memref<1x64x128xf32, #tpu.memory_space<vmem>>
      %dma_start3A_601 = tpu.memref_squeeze %dma_start3A_600 : memref<1x64x128xf32, #tpu.memory_space<vmem>> -> memref<64x128xf32, #tpu.memory_space<vmem>>
      tpu.enqueue_dma source(%dma_start3A_601 : memref<64x128xf32, #tpu.memory_space<vmem>>) target(%dma_start3A_597 : memref<64x128xf32, #tpu.memory_space<hbm>>) target_semaphore(%run_scoped3A_589 : memref<!tpu.dma_semaphore, #tpu.memory_space<semaphore_mem>>)
      %dma_wait3A_602 = arith.constant 0 : i32
      %dma_wait3A_603 = arith.constant 0 : i32
      %dma_wait3A_604 = tpu.memref_slice %arg14[%run_scoped3A_354, %dma_wait3A_602, %dma_wait3A_603] : memref<2x64x128xf32, #tpu.memory_space<vmem>> -> memref<1x64x128xf32, #tpu.memory_space<vmem>>
      %dma_wait3A_605 = tpu.memref_squeeze %dma_wait3A_604 : memref<1x64x128xf32, #tpu.memory_space<vmem>> -> memref<64x128xf32, #tpu.memory_space<vmem>>
      %dma_wait3A_606 = arith.constant 0 : i32
      %dma_wait3A_607 = tpu.memref_slice %arg6[%add3A_353, %dma_wait3A_606] : memref<16384x128xf32, #tpu.memory_space<hbm>> -> memref<64x128xf32, #tpu.memory_space<hbm>>
      %dma_wait3A_608 = arith.constant 0 : i32
      %dma_wait3A_609 = tpu.memref_slice %arg6[%add3A_353, %dma_wait3A_608] : memref<16384x128xf32, #tpu.memory_space<hbm>> -> memref<64x128xf32, #tpu.memory_space<hbm>>
      %dma_wait3A_610 = arith.constant 0 : i32
      %dma_wait3A_611 = arith.constant 0 : i32
      %dma_wait3A_612 = tpu.memref_slice %arg14[%run_scoped3A_354, %dma_wait3A_610, %dma_wait3A_611] : memref<2x64x128xf32, #tpu.memory_space<vmem>> -> memref<1x64x128xf32, #tpu.memory_space<vmem>>
      %dma_wait3A_613 = tpu.memref_squeeze %dma_wait3A_612 : memref<1x64x128xf32, #tpu.memory_space<vmem>> -> memref<64x128xf32, #tpu.memory_space<vmem>>
      tpu.wait_dma2 semaphore(%run_scoped3A_589 : memref<!tpu.dma_semaphore, #tpu.memory_space<semaphore_mem>>) src(%dma_wait3A_613 : memref<64x128xf32, #tpu.memory_space<vmem>>) dst(%dma_wait3A_609 : memref<64x128xf32, #tpu.memory_space<hbm>>)
      tpu.yield
    }) : () -> ()
    %dma_start3A_355 = arith.constant 1 : i32
    %dma_start3A_356 = arith.constant 0 : i32
    %dma_start3A_357 = arith.constant 0 : i32
    %dma_start3A_358 = tpu.memref_slice %arg14[%dma_start3A_355, %dma_start3A_356, %dma_start3A_357] : memref<2x64x128xf32, #tpu.memory_space<vmem>> -> memref<1x64x128xf32, #tpu.memory_space<vmem>>
    %dma_start3A_359 = tpu.memref_squeeze %dma_start3A_358 : memref<1x64x128xf32, #tpu.memory_space<vmem>> -> memref<64x128xf32, #tpu.memory_space<vmem>>
    %dma_start3A_360 = arith.constant 448 : i32
    %dma_start3A_361 = tpu.memref_slice %arg8[%dma_start3A_360] : memref<512xi32, #tpu.memory_space<vmem>> -> memref<64xi32, #tpu.memory_space<vmem>>
    %dma_start3A_362 = arith.constant 0 : i32
    %dma_start3A_363 = arith.constant 0 : i32
    %dma_start3A_364 = tpu.memref_slice %arg4[%dma_start3A_362, %dma_start3A_363] : memref<1000000x128xf32, #tpu.memory_space<hbm>> -> memref<1000000x128xf32, #tpu.memory_space<hbm>>
    tpu.enqueue_indirect_dma source(%dma_start3A_364 : memref<1000000x128xf32, #tpu.memory_space<hbm>>) target(%dma_start3A_359 : memref<64x128xf32, #tpu.memory_space<vmem>>) offsets(%dma_start3A_361 : memref<64xi32, #tpu.memory_space<vmem>>) semaphore(%arg15 : memref<!tpu.dma_semaphore, #tpu.memory_space<semaphore_mem>>)
    %dma_wait3A_365 = arith.constant 0 : i32
    %dma_wait3A_366 = arith.constant 0 : i32
    %dma_wait3A_367 = arith.constant 0 : i32
    %dma_wait3A_368 = tpu.memref_slice %arg14[%dma_wait3A_365, %dma_wait3A_366, %dma_wait3A_367] : memref<2x64x128xf32, #tpu.memory_space<vmem>> -> memref<1x64x128xf32, #tpu.memory_space<vmem>>
    %dma_wait3A_369 = tpu.memref_squeeze %dma_wait3A_368 : memref<1x64x128xf32, #tpu.memory_space<vmem>> -> memref<64x128xf32, #tpu.memory_space<vmem>>
    %dma_wait3A_370 = arith.constant 384 : i32
    %dma_wait3A_371 = tpu.memref_slice %arg8[%dma_wait3A_370] : memref<512xi32, #tpu.memory_space<vmem>> -> memref<64xi32, #tpu.memory_space<vmem>>
    %dma_wait3A_372 = arith.constant 0 : i32
    %dma_wait3A_373 = arith.constant 0 : i32
    %dma_wait3A_374 = tpu.memref_slice %arg4[%dma_wait3A_372, %dma_wait3A_373] : memref<1000000x128xf32, #tpu.memory_space<hbm>> -> memref<1000000x128xf32, #tpu.memory_space<hbm>>
    tpu.wait_indirect_dma semaphore(%arg15 : memref<!tpu.dma_semaphore, #tpu.memory_space<semaphore_mem>>) src(%dma_wait3A_374 : memref<1000000x128xf32, #tpu.memory_space<hbm>>) dst(%dma_wait3A_369 : memref<64x128xf32, #tpu.memory_space<vmem>>)
    %add3A_375 = arith.constant 384 : i32
    %add3A_376 = arith.addi %mul3A_2, %add3A_375 : i32
    %run_scoped3A_377 = arith.constant 0 : i32
    "tpu.region"() ({
      %run_scoped3A_589 = tpu.sem_alloc : memref<!tpu.dma_semaphore, #tpu.memory_space<semaphore_mem>>
      %dma_start3A_590 = arith.constant 0 : i32
      %dma_start3A_591 = arith.constant 0 : i32
      %dma_start3A_592 = tpu.memref_slice %arg14[%run_scoped3A_377, %dma_start3A_590, %dma_start3A_591] : memref<2x64x128xf32, #tpu.memory_space<vmem>> -> memref<1x64x128xf32, #tpu.memory_space<vmem>>
      %dma_start3A_593 = tpu.memref_squeeze %dma_start3A_592 : memref<1x64x128xf32, #tpu.memory_space<vmem>> -> memref<64x128xf32, #tpu.memory_space<vmem>>
      %dma_start3A_594 = arith.constant 0 : i32
      %dma_start3A_595 = tpu.memref_slice %arg6[%add3A_376, %dma_start3A_594] : memref<16384x128xf32, #tpu.memory_space<hbm>> -> memref<64x128xf32, #tpu.memory_space<hbm>>
      %dma_start3A_596 = arith.constant 0 : i32
      %dma_start3A_597 = tpu.memref_slice %arg6[%add3A_376, %dma_start3A_596] : memref<16384x128xf32, #tpu.memory_space<hbm>> -> memref<64x128xf32, #tpu.memory_space<hbm>>
      %dma_start3A_598 = arith.constant 0 : i32
      %dma_start3A_599 = arith.constant 0 : i32
      %dma_start3A_600 = tpu.memref_slice %arg14[%run_scoped3A_377, %dma_start3A_598, %dma_start3A_599] : memref<2x64x128xf32, #tpu.memory_space<vmem>> -> memref<1x64x128xf32, #tpu.memory_space<vmem>>
      %dma_start3A_601 = tpu.memref_squeeze %dma_start3A_600 : memref<1x64x128xf32, #tpu.memory_space<vmem>> -> memref<64x128xf32, #tpu.memory_space<vmem>>
      tpu.enqueue_dma source(%dma_start3A_601 : memref<64x128xf32, #tpu.memory_space<vmem>>) target(%dma_start3A_597 : memref<64x128xf32, #tpu.memory_space<hbm>>) target_semaphore(%run_scoped3A_589 : memref<!tpu.dma_semaphore, #tpu.memory_space<semaphore_mem>>)
      %dma_wait3A_602 = arith.constant 0 : i32
      %dma_wait3A_603 = arith.constant 0 : i32
      %dma_wait3A_604 = tpu.memref_slice %arg14[%run_scoped3A_377, %dma_wait3A_602, %dma_wait3A_603] : memref<2x64x128xf32, #tpu.memory_space<vmem>> -> memref<1x64x128xf32, #tpu.memory_space<vmem>>
      %dma_wait3A_605 = tpu.memref_squeeze %dma_wait3A_604 : memref<1x64x128xf32, #tpu.memory_space<vmem>> -> memref<64x128xf32, #tpu.memory_space<vmem>>
      %dma_wait3A_606 = arith.constant 0 : i32
      %dma_wait3A_607 = tpu.memref_slice %arg6[%add3A_376, %dma_wait3A_606] : memref<16384x128xf32, #tpu.memory_space<hbm>> -> memref<64x128xf32, #tpu.memory_space<hbm>>
      %dma_wait3A_608 = arith.constant 0 : i32
      %dma_wait3A_609 = tpu.memref_slice %arg6[%add3A_376, %dma_wait3A_608] : memref<16384x128xf32, #tpu.memory_space<hbm>> -> memref<64x128xf32, #tpu.memory_space<hbm>>
      %dma_wait3A_610 = arith.constant 0 : i32
      %dma_wait3A_611 = arith.constant 0 : i32
      %dma_wait3A_612 = tpu.memref_slice %arg14[%run_scoped3A_377, %dma_wait3A_610, %dma_wait3A_611] : memref<2x64x128xf32, #tpu.memory_space<vmem>> -> memref<1x64x128xf32, #tpu.memory_space<vmem>>
      %dma_wait3A_613 = tpu.memref_squeeze %dma_wait3A_612 : memref<1x64x128xf32, #tpu.memory_space<vmem>> -> memref<64x128xf32, #tpu.memory_space<vmem>>
      tpu.wait_dma2 semaphore(%run_scoped3A_589 : memref<!tpu.dma_semaphore, #tpu.memory_space<semaphore_mem>>) src(%dma_wait3A_613 : memref<64x128xf32, #tpu.memory_space<vmem>>) dst(%dma_wait3A_609 : memref<64x128xf32, #tpu.memory_space<hbm>>)
      tpu.yield
    }) : () -> ()
    %dma_wait3A_378 = arith.constant 1 : i32
    %dma_wait3A_379 = arith.constant 0 : i32
    %dma_wait3A_380 = arith.constant 0 : i32
    %dma_wait3A_381 = tpu.memref_slice %arg14[%dma_wait3A_378, %dma_wait3A_379, %dma_wait3A_380] : memref<2x64x128xf32, #tpu.memory_space<vmem>> -> memref<1x64x128xf32, #tpu.memory_space<vmem>>
    %dma_wait3A_382 = tpu.memref_squeeze %dma_wait3A_381 : memref<1x64x128xf32, #tpu.memory_space<vmem>> -> memref<64x128xf32, #tpu.memory_space<vmem>>
    %dma_wait3A_383 = arith.constant 448 : i32
    %dma_wait3A_384 = tpu.memref_slice %arg8[%dma_wait3A_383] : memref<512xi32, #tpu.memory_space<vmem>> -> memref<64xi32, #tpu.memory_space<vmem>>
    %dma_wait3A_385 = arith.constant 0 : i32
    %dma_wait3A_386 = arith.constant 0 : i32
    %dma_wait3A_387 = tpu.memref_slice %arg4[%dma_wait3A_385, %dma_wait3A_386] : memref<1000000x128xf32, #tpu.memory_space<hbm>> -> memref<1000000x128xf32, #tpu.memory_space<hbm>>
    tpu.wait_indirect_dma semaphore(%arg15 : memref<!tpu.dma_semaphore, #tpu.memory_space<semaphore_mem>>) src(%dma_wait3A_387 : memref<1000000x128xf32, #tpu.memory_space<hbm>>) dst(%dma_wait3A_382 : memref<64x128xf32, #tpu.memory_space<vmem>>)
    %add3A_388 = arith.constant 448 : i32
    %add3A_389 = arith.addi %mul3A_2, %add3A_388 : i32
    %run_scoped3A_390 = arith.constant 1 : i32
    "tpu.region"() ({
      %run_scoped3A_589 = tpu.sem_alloc : memref<!tpu.dma_semaphore, #tpu.memory_space<semaphore_mem>>
      %dma_start3A_590 = arith.constant 0 : i32
      %dma_start3A_591 = arith.constant 0 : i32
      %dma_start3A_592 = tpu.memref_slice %arg14[%run_scoped3A_390, %dma_start3A_590, %dma_start3A_591] : memref<2x64x128xf32, #tpu.memory_space<vmem>> -> memref<1x64x128xf32, #tpu.memory_space<vmem>>
      %dma_start3A_593 = tpu.memref_squeeze %dma_start3A_592 : memref<1x64x128xf32, #tpu.memory_space<vmem>> -> memref<64x128xf32, #tpu.memory_space<vmem>>
      %dma_start3A_594 = arith.constant 0 : i32
      %dma_start3A_595 = tpu.memref_slice %arg6[%add3A_389, %dma_start3A_594] : memref<16384x128xf32, #tpu.memory_space<hbm>> -> memref<64x128xf32, #tpu.memory_space<hbm>>
      %dma_start3A_596 = arith.constant 0 : i32
      %dma_start3A_597 = tpu.memref_slice %arg6[%add3A_389, %dma_start3A_596] : memref<16384x128xf32, #tpu.memory_space<hbm>> -> memref<64x128xf32, #tpu.memory_space<hbm>>
      %dma_start3A_598 = arith.constant 0 : i32
      %dma_start3A_599 = arith.constant 0 : i32
      %dma_start3A_600 = tpu.memref_slice %arg14[%run_scoped3A_390, %dma_start3A_598, %dma_start3A_599] : memref<2x64x128xf32, #tpu.memory_space<vmem>> -> memref<1x64x128xf32, #tpu.memory_space<vmem>>
      %dma_start3A_601 = tpu.memref_squeeze %dma_start3A_600 : memref<1x64x128xf32, #tpu.memory_space<vmem>> -> memref<64x128xf32, #tpu.memory_space<vmem>>
      tpu.enqueue_dma source(%dma_start3A_601 : memref<64x128xf32, #tpu.memory_space<vmem>>) target(%dma_start3A_597 : memref<64x128xf32, #tpu.memory_space<hbm>>) target_semaphore(%run_scoped3A_589 : memref<!tpu.dma_semaphore, #tpu.memory_space<semaphore_mem>>)
      %dma_wait3A_602 = arith.constant 0 : i32
      %dma_wait3A_603 = arith.constant 0 : i32
      %dma_wait3A_604 = tpu.memref_slice %arg14[%run_scoped3A_390, %dma_wait3A_602, %dma_wait3A_603] : memref<2x64x128xf32, #tpu.memory_space<vmem>> -> memref<1x64x128xf32, #tpu.memory_space<vmem>>
      %dma_wait3A_605 = tpu.memref_squeeze %dma_wait3A_604 : memref<1x64x128xf32, #tpu.memory_space<vmem>> -> memref<64x128xf32, #tpu.memory_space<vmem>>
      %dma_wait3A_606 = arith.constant 0 : i32
      %dma_wait3A_607 = tpu.memref_slice %arg6[%add3A_389, %dma_wait3A_606] : memref<16384x128xf32, #tpu.memory_space<hbm>> -> memref<64x128xf32, #tpu.memory_space<hbm>>
      %dma_wait3A_608 = arith.constant 0 : i32
      %dma_wait3A_609 = tpu.memref_slice %arg6[%add3A_389, %dma_wait3A_608] : memref<16384x128xf32, #tpu.memory_space<hbm>> -> memref<64x128xf32, #tpu.memory_space<hbm>>
      %dma_wait3A_610 = arith.constant 0 : i32
      %dma_wait3A_611 = arith.constant 0 : i32
      %dma_wait3A_612 = tpu.memref_slice %arg14[%run_scoped3A_390, %dma_wait3A_610, %dma_wait3A_611] : memref<2x64x128xf32, #tpu.memory_space<vmem>> -> memref<1x64x128xf32, #tpu.memory_space<vmem>>
      %dma_wait3A_613 = tpu.memref_squeeze %dma_wait3A_612 : memref<1x64x128xf32, #tpu.memory_space<vmem>> -> memref<64x128xf32, #tpu.memory_space<vmem>>
      tpu.wait_dma2 semaphore(%run_scoped3A_589 : memref<!tpu.dma_semaphore, #tpu.memory_space<semaphore_mem>>) src(%dma_wait3A_613 : memref<64x128xf32, #tpu.memory_space<vmem>>) dst(%dma_wait3A_609 : memref<64x128xf32, #tpu.memory_space<hbm>>)
      tpu.yield
    }) : () -> ()
    %dma_wait3A_391 = arith.constant 0 : i32
    %dma_wait3A_392 = tpu.memref_slice %arg5[%add3A_312, %dma_wait3A_391] : memref<64x100000xf32, #tpu.memory_space<hbm>> -> memref<1x100000xf32, #tpu.memory_space<hbm>>
    %dma_wait3A_393 = tpu.memref_squeeze %dma_wait3A_392 : memref<1x100000xf32, #tpu.memory_space<hbm>> -> memref<100000xf32, #tpu.memory_space<hbm>>
    %dma_wait3A_394 = arith.constant 0 : i32
    %dma_wait3A_395 = tpu.memref_slice %arg5[%add3A_312, %dma_wait3A_394] : memref<64x100000xf32, #tpu.memory_space<hbm>> -> memref<1x100000xf32, #tpu.memory_space<hbm>>
    %dma_wait3A_396 = tpu.memref_squeeze %dma_wait3A_395 : memref<1x100000xf32, #tpu.memory_space<hbm>> -> memref<100000xf32, #tpu.memory_space<hbm>>
    tpu.wait_dma2 semaphore(%arg16 : memref<!tpu.dma_semaphore, #tpu.memory_space<semaphore_mem>>) src(%dma_wait3A_396 : memref<100000xf32, #tpu.memory_space<hbm>>) dst(%arg11 : memref<100000xf32, #tpu.memory_space<vmem>>)
    %mul3A_397 = arith.constant 2 : i32
    %mul3A_398 = arith.muli %add3A, %mul3A_397 : i32
    %add3A_399 = arith.constant 1 : i32
    %add3A_400 = arith.addi %mul3A_398, %add3A_399 : i32
    %dma_wait3A_401 = arith.constant 0 : i32
    %dma_wait3A_402 = tpu.memref_slice %arg3[%dma_wait3A_401] : memref<16384xi32, #tpu.memory_space<hbm>> -> memref<2048xi32, #tpu.memory_space<hbm>>
    %dma_wait3A_403 = arith.constant 0 : i32
    %dma_wait3A_404 = tpu.memref_slice %arg3[%dma_wait3A_403] : memref<16384xi32, #tpu.memory_space<hbm>> -> memref<2048xi32, #tpu.memory_space<hbm>>
    tpu.wait_dma2 semaphore(%arg17 : memref<!tpu.dma_semaphore, #tpu.memory_space<semaphore_mem>>) src(%dma_wait3A_404 : memref<2048xi32, #tpu.memory_space<hbm>>) dst(%arg9 : memref<2048xi32, #tpu.memory_space<vmem>>)
    %dma_wait3A_405 = arith.constant 12288 : i32
    %dma_wait3A_406 = tpu.memref_slice %arg7[%add3A_137, %dma_wait3A_405] : memref<64x16384xf32, #tpu.memory_space<hbm>> -> memref<1x2048xf32, #tpu.memory_space<hbm>>
    %dma_wait3A_407 = tpu.memref_squeeze %dma_wait3A_406 : memref<1x2048xf32, #tpu.memory_space<hbm>> -> memref<2048xf32, #tpu.memory_space<hbm>>
    %dma_wait3A_408 = arith.constant 12288 : i32
    %dma_wait3A_409 = tpu.memref_slice %arg7[%add3A_137, %dma_wait3A_408] : memref<64x16384xf32, #tpu.memory_space<hbm>> -> memref<1x2048xf32, #tpu.memory_space<hbm>>
    %dma_wait3A_410 = tpu.memref_squeeze %dma_wait3A_409 : memref<1x2048xf32, #tpu.memory_space<hbm>> -> memref<2048xf32, #tpu.memory_space<hbm>>
    tpu.wait_dma2 semaphore(%arg18 : memref<!tpu.dma_semaphore, #tpu.memory_space<semaphore_mem>>) src(%arg12 : memref<2048xf32, #tpu.memory_space<vmem>>) dst(%dma_wait3A_410 : memref<2048xf32, #tpu.memory_space<hbm>>)
    %parallel_loop3A_411 = arith.constant 0 : i32
    %parallel_loop3A_412 = arith.constant 128 : i32
    %parallel_loop3A_413 = arith.constant 1 : i32
    scf.for %parallel_loop3A_589 = %parallel_loop3A_411 to %parallel_loop3A_412 step %parallel_loop3A_413  : i32 {
      %parallel_loop3A_590 = arith.constant 16 : i32
      %parallel_loop3A_591 = arith.muli %parallel_loop3A_589, %parallel_loop3A_590 : i32
      %parallel_loop3A_592 = arith.index_cast %parallel_loop3A_591 : i32 to index
      %parallel_loop3A_593 = tpu.vector_load %arg9[%parallel_loop3A_592] {strides = array<i32>} : memref<2048xi32, #tpu.memory_space<vmem>>, vector<16xi32>,
      %parallel_loop3A_594 = tpu.vector_load_idx %arg11[%parallel_loop3A_593] : memref<100000xf32, #tpu.memory_space<vmem>>[vector<16xi32>], vector<16xf32>,
      %parallel_loop3A_595 = arith.index_cast %parallel_loop3A_591 : i32 to index
      %parallel_loop3A_596 = tpu.vector_load %arg12[%parallel_loop3A_595] {strides = array<i32>} : memref<2048xf32, #tpu.memory_space<vmem>>, vector<16xf32>,
      tpu.vector_store %arg12[%parallel_loop3A_595], %parallel_loop3A_594 {strides = array<i32>} : memref<2048xf32, #tpu.memory_space<vmem>>, vector<16xf32>,
    } {sc.loop_unroll_factor = 16 : i64, sc.parallel_access}
    %dma_start3A_414 = arith.constant 0 : i32
    %dma_start3A_415 = tpu.memref_slice %arg7[%add3A_400, %dma_start3A_414] : memref<64x16384xf32, #tpu.memory_space<hbm>> -> memref<1x2048xf32, #tpu.memory_space<hbm>>
    %dma_start3A_416 = tpu.memref_squeeze %dma_start3A_415 : memref<1x2048xf32, #tpu.memory_space<hbm>> -> memref<2048xf32, #tpu.memory_space<hbm>>
    %dma_start3A_417 = arith.constant 0 : i32
    %dma_start3A_418 = tpu.memref_slice %arg7[%add3A_400, %dma_start3A_417] : memref<64x16384xf32, #tpu.memory_space<hbm>> -> memref<1x2048xf32, #tpu.memory_space<hbm>>
    %dma_start3A_419 = tpu.memref_squeeze %dma_start3A_418 : memref<1x2048xf32, #tpu.memory_space<hbm>> -> memref<2048xf32, #tpu.memory_space<hbm>>
    tpu.enqueue_dma source(%arg12 : memref<2048xf32, #tpu.memory_space<vmem>>) target(%dma_start3A_419 : memref<2048xf32, #tpu.memory_space<hbm>>) target_semaphore(%arg18 : memref<!tpu.dma_semaphore, #tpu.memory_space<semaphore_mem>>)
    %dma_start3A_420 = arith.constant 4096 : i32
    %dma_start3A_421 = tpu.memref_slice %arg3[%dma_start3A_420] : memref<16384xi32, #tpu.memory_space<hbm>> -> memref<2048xi32, #tpu.memory_space<hbm>>
    %dma_start3A_422 = arith.constant 4096 : i32
    %dma_start3A_423 = tpu.memref_slice %arg3[%dma_start3A_422] : memref<16384xi32, #tpu.memory_space<hbm>> -> memref<2048xi32, #tpu.memory_space<hbm>>
    tpu.enqueue_dma source(%dma_start3A_423 : memref<2048xi32, #tpu.memory_space<hbm>>) target(%arg9 : memref<2048xi32, #tpu.memory_space<vmem>>) target_semaphore(%arg17 : memref<!tpu.dma_semaphore, #tpu.memory_space<semaphore_mem>>)
    %dma_wait3A_424 = arith.constant 2048 : i32
    %dma_wait3A_425 = tpu.memref_slice %arg3[%dma_wait3A_424] : memref<16384xi32, #tpu.memory_space<hbm>> -> memref<2048xi32, #tpu.memory_space<hbm>>
    %dma_wait3A_426 = arith.constant 2048 : i32
    %dma_wait3A_427 = tpu.memref_slice %arg3[%dma_wait3A_426] : memref<16384xi32, #tpu.memory_space<hbm>> -> memref<2048xi32, #tpu.memory_space<hbm>>
    tpu.wait_dma2 semaphore(%arg17 : memref<!tpu.dma_semaphore, #tpu.memory_space<semaphore_mem>>) src(%dma_wait3A_427 : memref<2048xi32, #tpu.memory_space<hbm>>) dst(%arg10 : memref<2048xi32, #tpu.memory_space<vmem>>)
    %dma_wait3A_428 = arith.constant 14336 : i32
    %dma_wait3A_429 = tpu.memref_slice %arg7[%add3A_137, %dma_wait3A_428] : memref<64x16384xf32, #tpu.memory_space<hbm>> -> memref<1x2048xf32, #tpu.memory_space<hbm>>
    %dma_wait3A_430 = tpu.memref_squeeze %dma_wait3A_429 : memref<1x2048xf32, #tpu.memory_space<hbm>> -> memref<2048xf32, #tpu.memory_space<hbm>>
    %dma_wait3A_431 = arith.constant 14336 : i32
    %dma_wait3A_432 = tpu.memref_slice %arg7[%add3A_137, %dma_wait3A_431] : memref<64x16384xf32, #tpu.memory_space<hbm>> -> memref<1x2048xf32, #tpu.memory_space<hbm>>
    %dma_wait3A_433 = tpu.memref_squeeze %dma_wait3A_432 : memref<1x2048xf32, #tpu.memory_space<hbm>> -> memref<2048xf32, #tpu.memory_space<hbm>>
    tpu.wait_dma2 semaphore(%arg18 : memref<!tpu.dma_semaphore, #tpu.memory_space<semaphore_mem>>) src(%arg13 : memref<2048xf32, #tpu.memory_space<vmem>>) dst(%dma_wait3A_433 : memref<2048xf32, #tpu.memory_space<hbm>>)
    %parallel_loop3A_434 = arith.constant 0 : i32
    %parallel_loop3A_435 = arith.constant 128 : i32
    %parallel_loop3A_436 = arith.constant 1 : i32
    scf.for %parallel_loop3A_589 = %parallel_loop3A_434 to %parallel_loop3A_435 step %parallel_loop3A_436  : i32 {
      %parallel_loop3A_590 = arith.constant 16 : i32
      %parallel_loop3A_591 = arith.muli %parallel_loop3A_589, %parallel_loop3A_590 : i32
      %parallel_loop3A_592 = arith.index_cast %parallel_loop3A_591 : i32 to index
      %parallel_loop3A_593 = tpu.vector_load %arg10[%parallel_loop3A_592] {strides = array<i32>} : memref<2048xi32, #tpu.memory_space<vmem>>, vector<16xi32>,
      %parallel_loop3A_594 = tpu.vector_load_idx %arg11[%parallel_loop3A_593] : memref<100000xf32, #tpu.memory_space<vmem>>[vector<16xi32>], vector<16xf32>,
      %parallel_loop3A_595 = arith.index_cast %parallel_loop3A_591 : i32 to index
      %parallel_loop3A_596 = tpu.vector_load %arg13[%parallel_loop3A_595] {strides = array<i32>} : memref<2048xf32, #tpu.memory_space<vmem>>, vector<16xf32>,
      tpu.vector_store %arg13[%parallel_loop3A_595], %parallel_loop3A_594 {strides = array<i32>} : memref<2048xf32, #tpu.memory_space<vmem>>, vector<16xf32>,
    } {sc.loop_unroll_factor = 16 : i64, sc.parallel_access}
    %dma_start3A_437 = arith.constant 2048 : i32
    %dma_start3A_438 = tpu.memref_slice %arg7[%add3A_400, %dma_start3A_437] : memref<64x16384xf32, #tpu.memory_space<hbm>> -> memref<1x2048xf32, #tpu.memory_space<hbm>>
    %dma_start3A_439 = tpu.memref_squeeze %dma_start3A_438 : memref<1x2048xf32, #tpu.memory_space<hbm>> -> memref<2048xf32, #tpu.memory_space<hbm>>
    %dma_start3A_440 = arith.constant 2048 : i32
    %dma_start3A_441 = tpu.memref_slice %arg7[%add3A_400, %dma_start3A_440] : memref<64x16384xf32, #tpu.memory_space<hbm>> -> memref<1x2048xf32, #tpu.memory_space<hbm>>
    %dma_start3A_442 = tpu.memref_squeeze %dma_start3A_441 : memref<1x2048xf32, #tpu.memory_space<hbm>> -> memref<2048xf32, #tpu.memory_space<hbm>>
    tpu.enqueue_dma source(%arg13 : memref<2048xf32, #tpu.memory_space<vmem>>) target(%dma_start3A_442 : memref<2048xf32, #tpu.memory_space<hbm>>) target_semaphore(%arg18 : memref<!tpu.dma_semaphore, #tpu.memory_space<semaphore_mem>>)
    %dma_start3A_443 = arith.constant 6144 : i32
    %dma_start3A_444 = tpu.memref_slice %arg3[%dma_start3A_443] : memref<16384xi32, #tpu.memory_space<hbm>> -> memref<2048xi32, #tpu.memory_space<hbm>>
    %dma_start3A_445 = arith.constant 6144 : i32
    %dma_start3A_446 = tpu.memref_slice %arg3[%dma_start3A_445] : memref<16384xi32, #tpu.memory_space<hbm>> -> memref<2048xi32, #tpu.memory_space<hbm>>
    tpu.enqueue_dma source(%dma_start3A_446 : memref<2048xi32, #tpu.memory_space<hbm>>) target(%arg10 : memref<2048xi32, #tpu.memory_space<vmem>>) target_semaphore(%arg17 : memref<!tpu.dma_semaphore, #tpu.memory_space<semaphore_mem>>)
    %dma_wait3A_447 = arith.constant 4096 : i32
    %dma_wait3A_448 = tpu.memref_slice %arg3[%dma_wait3A_447] : memref<16384xi32, #tpu.memory_space<hbm>> -> memref<2048xi32, #tpu.memory_space<hbm>>
    %dma_wait3A_449 = arith.constant 4096 : i32
    %dma_wait3A_450 = tpu.memref_slice %arg3[%dma_wait3A_449] : memref<16384xi32, #tpu.memory_space<hbm>> -> memref<2048xi32, #tpu.memory_space<hbm>>
    tpu.wait_dma2 semaphore(%arg17 : memref<!tpu.dma_semaphore, #tpu.memory_space<semaphore_mem>>) src(%dma_wait3A_450 : memref<2048xi32, #tpu.memory_space<hbm>>) dst(%arg9 : memref<2048xi32, #tpu.memory_space<vmem>>)
    %dma_wait3A_451 = arith.constant 0 : i32
    %dma_wait3A_452 = tpu.memref_slice %arg7[%add3A_400, %dma_wait3A_451] : memref<64x16384xf32, #tpu.memory_space<hbm>> -> memref<1x2048xf32, #tpu.memory_space<hbm>>
    %dma_wait3A_453 = tpu.memref_squeeze %dma_wait3A_452 : memref<1x2048xf32, #tpu.memory_space<hbm>> -> memref<2048xf32, #tpu.memory_space<hbm>>
    %dma_wait3A_454 = arith.constant 0 : i32
    %dma_wait3A_455 = tpu.memref_slice %arg7[%add3A_400, %dma_wait3A_454] : memref<64x16384xf32, #tpu.memory_space<hbm>> -> memref<1x2048xf32, #tpu.memory_space<hbm>>
    %dma_wait3A_456 = tpu.memref_squeeze %dma_wait3A_455 : memref<1x2048xf32, #tpu.memory_space<hbm>> -> memref<2048xf32, #tpu.memory_space<hbm>>
    tpu.wait_dma2 semaphore(%arg18 : memref<!tpu.dma_semaphore, #tpu.memory_space<semaphore_mem>>) src(%arg12 : memref<2048xf32, #tpu.memory_space<vmem>>) dst(%dma_wait3A_456 : memref<2048xf32, #tpu.memory_space<hbm>>)
    %parallel_loop3A_457 = arith.constant 0 : i32
    %parallel_loop3A_458 = arith.constant 128 : i32
    %parallel_loop3A_459 = arith.constant 1 : i32
    scf.for %parallel_loop3A_589 = %parallel_loop3A_457 to %parallel_loop3A_458 step %parallel_loop3A_459  : i32 {
      %parallel_loop3A_590 = arith.constant 16 : i32
      %parallel_loop3A_591 = arith.muli %parallel_loop3A_589, %parallel_loop3A_590 : i32
      %parallel_loop3A_592 = arith.index_cast %parallel_loop3A_591 : i32 to index
      %parallel_loop3A_593 = tpu.vector_load %arg9[%parallel_loop3A_592] {strides = array<i32>} : memref<2048xi32, #tpu.memory_space<vmem>>, vector<16xi32>,
      %parallel_loop3A_594 = tpu.vector_load_idx %arg11[%parallel_loop3A_593] : memref<100000xf32, #tpu.memory_space<vmem>>[vector<16xi32>], vector<16xf32>,
      %parallel_loop3A_595 = arith.index_cast %parallel_loop3A_591 : i32 to index
      %parallel_loop3A_596 = tpu.vector_load %arg12[%parallel_loop3A_595] {strides = array<i32>} : memref<2048xf32, #tpu.memory_space<vmem>>, vector<16xf32>,
      tpu.vector_store %arg12[%parallel_loop3A_595], %parallel_loop3A_594 {strides = array<i32>} : memref<2048xf32, #tpu.memory_space<vmem>>, vector<16xf32>,
    } {sc.loop_unroll_factor = 16 : i64, sc.parallel_access}
    %dma_start3A_460 = arith.constant 4096 : i32
    %dma_start3A_461 = tpu.memref_slice %arg7[%add3A_400, %dma_start3A_460] : memref<64x16384xf32, #tpu.memory_space<hbm>> -> memref<1x2048xf32, #tpu.memory_space<hbm>>
    %dma_start3A_462 = tpu.memref_squeeze %dma_start3A_461 : memref<1x2048xf32, #tpu.memory_space<hbm>> -> memref<2048xf32, #tpu.memory_space<hbm>>
    %dma_start3A_463 = arith.constant 4096 : i32
    %dma_start3A_464 = tpu.memref_slice %arg7[%add3A_400, %dma_start3A_463] : memref<64x16384xf32, #tpu.memory_space<hbm>> -> memref<1x2048xf32, #tpu.memory_space<hbm>>
    %dma_start3A_465 = tpu.memref_squeeze %dma_start3A_464 : memref<1x2048xf32, #tpu.memory_space<hbm>> -> memref<2048xf32, #tpu.memory_space<hbm>>
    tpu.enqueue_dma source(%arg12 : memref<2048xf32, #tpu.memory_space<vmem>>) target(%dma_start3A_465 : memref<2048xf32, #tpu.memory_space<hbm>>) target_semaphore(%arg18 : memref<!tpu.dma_semaphore, #tpu.memory_space<semaphore_mem>>)
    %dma_start3A_466 = arith.constant 8192 : i32
    %dma_start3A_467 = tpu.memref_slice %arg3[%dma_start3A_466] : memref<16384xi32, #tpu.memory_space<hbm>> -> memref<2048xi32, #tpu.memory_space<hbm>>
    %dma_start3A_468 = arith.constant 8192 : i32
    %dma_start3A_469 = tpu.memref_slice %arg3[%dma_start3A_468] : memref<16384xi32, #tpu.memory_space<hbm>> -> memref<2048xi32, #tpu.memory_space<hbm>>
    tpu.enqueue_dma source(%dma_start3A_469 : memref<2048xi32, #tpu.memory_space<hbm>>) target(%arg9 : memref<2048xi32, #tpu.memory_space<vmem>>) target_semaphore(%arg17 : memref<!tpu.dma_semaphore, #tpu.memory_space<semaphore_mem>>)
    %dma_wait3A_470 = arith.constant 6144 : i32
    %dma_wait3A_471 = tpu.memref_slice %arg3[%dma_wait3A_470] : memref<16384xi32, #tpu.memory_space<hbm>> -> memref<2048xi32, #tpu.memory_space<hbm>>
    %dma_wait3A_472 = arith.constant 6144 : i32
    %dma_wait3A_473 = tpu.memref_slice %arg3[%dma_wait3A_472] : memref<16384xi32, #tpu.memory_space<hbm>> -> memref<2048xi32, #tpu.memory_space<hbm>>
    tpu.wait_dma2 semaphore(%arg17 : memref<!tpu.dma_semaphore, #tpu.memory_space<semaphore_mem>>) src(%dma_wait3A_473 : memref<2048xi32, #tpu.memory_space<hbm>>) dst(%arg10 : memref<2048xi32, #tpu.memory_space<vmem>>)
    %dma_wait3A_474 = arith.constant 2048 : i32
    %dma_wait3A_475 = tpu.memref_slice %arg7[%add3A_400, %dma_wait3A_474] : memref<64x16384xf32, #tpu.memory_space<hbm>> -> memref<1x2048xf32, #tpu.memory_space<hbm>>
    %dma_wait3A_476 = tpu.memref_squeeze %dma_wait3A_475 : memref<1x2048xf32, #tpu.memory_space<hbm>> -> memref<2048xf32, #tpu.memory_space<hbm>>
    %dma_wait3A_477 = arith.constant 2048 : i32
    %dma_wait3A_478 = tpu.memref_slice %arg7[%add3A_400, %dma_wait3A_477] : memref<64x16384xf32, #tpu.memory_space<hbm>> -> memref<1x2048xf32, #tpu.memory_space<hbm>>
    %dma_wait3A_479 = tpu.memref_squeeze %dma_wait3A_478 : memref<1x2048xf32, #tpu.memory_space<hbm>> -> memref<2048xf32, #tpu.memory_space<hbm>>
    tpu.wait_dma2 semaphore(%arg18 : memref<!tpu.dma_semaphore, #tpu.memory_space<semaphore_mem>>) src(%arg13 : memref<2048xf32, #tpu.memory_space<vmem>>) dst(%dma_wait3A_479 : memref<2048xf32, #tpu.memory_space<hbm>>)
    %parallel_loop3A_480 = arith.constant 0 : i32
    %parallel_loop3A_481 = arith.constant 128 : i32
    %parallel_loop3A_482 = arith.constant 1 : i32
    scf.for %parallel_loop3A_589 = %parallel_loop3A_480 to %parallel_loop3A_481 step %parallel_loop3A_482  : i32 {
      %parallel_loop3A_590 = arith.constant 16 : i32
      %parallel_loop3A_591 = arith.muli %parallel_loop3A_589, %parallel_loop3A_590 : i32
      %parallel_loop3A_592 = arith.index_cast %parallel_loop3A_591 : i32 to index
      %parallel_loop3A_593 = tpu.vector_load %arg10[%parallel_loop3A_592] {strides = array<i32>} : memref<2048xi32, #tpu.memory_space<vmem>>, vector<16xi32>,
      %parallel_loop3A_594 = tpu.vector_load_idx %arg11[%parallel_loop3A_593] : memref<100000xf32, #tpu.memory_space<vmem>>[vector<16xi32>], vector<16xf32>,
      %parallel_loop3A_595 = arith.index_cast %parallel_loop3A_591 : i32 to index
      %parallel_loop3A_596 = tpu.vector_load %arg13[%parallel_loop3A_595] {strides = array<i32>} : memref<2048xf32, #tpu.memory_space<vmem>>, vector<16xf32>,
      tpu.vector_store %arg13[%parallel_loop3A_595], %parallel_loop3A_594 {strides = array<i32>} : memref<2048xf32, #tpu.memory_space<vmem>>, vector<16xf32>,
    } {sc.loop_unroll_factor = 16 : i64, sc.parallel_access}
    %dma_start3A_483 = arith.constant 6144 : i32
    %dma_start3A_484 = tpu.memref_slice %arg7[%add3A_400, %dma_start3A_483] : memref<64x16384xf32, #tpu.memory_space<hbm>> -> memref<1x2048xf32, #tpu.memory_space<hbm>>
    %dma_start3A_485 = tpu.memref_squeeze %dma_start3A_484 : memref<1x2048xf32, #tpu.memory_space<hbm>> -> memref<2048xf32, #tpu.memory_space<hbm>>
    %dma_start3A_486 = arith.constant 6144 : i32
    %dma_start3A_487 = tpu.memref_slice %arg7[%add3A_400, %dma_start3A_486] : memref<64x16384xf32, #tpu.memory_space<hbm>> -> memref<1x2048xf32, #tpu.memory_space<hbm>>
    %dma_start3A_488 = tpu.memref_squeeze %dma_start3A_487 : memref<1x2048xf32, #tpu.memory_space<hbm>> -> memref<2048xf32, #tpu.memory_space<hbm>>
    tpu.enqueue_dma source(%arg13 : memref<2048xf32, #tpu.memory_space<vmem>>) target(%dma_start3A_488 : memref<2048xf32, #tpu.memory_space<hbm>>) target_semaphore(%arg18 : memref<!tpu.dma_semaphore, #tpu.memory_space<semaphore_mem>>)
    %dma_start3A_489 = arith.constant 10240 : i32
    %dma_start3A_490 = tpu.memref_slice %arg3[%dma_start3A_489] : memref<16384xi32, #tpu.memory_space<hbm>> -> memref<2048xi32, #tpu.memory_space<hbm>>
    %dma_start3A_491 = arith.constant 10240 : i32
    %dma_start3A_492 = tpu.memref_slice %arg3[%dma_start3A_491] : memref<16384xi32, #tpu.memory_space<hbm>> -> memref<2048xi32, #tpu.memory_space<hbm>>
    tpu.enqueue_dma source(%dma_start3A_492 : memref<2048xi32, #tpu.memory_space<hbm>>) target(%arg10 : memref<2048xi32, #tpu.memory_space<vmem>>) target_semaphore(%arg17 : memref<!tpu.dma_semaphore, #tpu.memory_space<semaphore_mem>>)
    %dma_wait3A_493 = arith.constant 8192 : i32
    %dma_wait3A_494 = tpu.memref_slice %arg3[%dma_wait3A_493] : memref<16384xi32, #tpu.memory_space<hbm>> -> memref<2048xi32, #tpu.memory_space<hbm>>
    %dma_wait3A_495 = arith.constant 8192 : i32
    %dma_wait3A_496 = tpu.memref_slice %arg3[%dma_wait3A_495] : memref<16384xi32, #tpu.memory_space<hbm>> -> memref<2048xi32, #tpu.memory_space<hbm>>
    tpu.wait_dma2 semaphore(%arg17 : memref<!tpu.dma_semaphore, #tpu.memory_space<semaphore_mem>>) src(%dma_wait3A_496 : memref<2048xi32, #tpu.memory_space<hbm>>) dst(%arg9 : memref<2048xi32, #tpu.memory_space<vmem>>)
    %dma_wait3A_497 = arith.constant 4096 : i32
    %dma_wait3A_498 = tpu.memref_slice %arg7[%add3A_400, %dma_wait3A_497] : memref<64x16384xf32, #tpu.memory_space<hbm>> -> memref<1x2048xf32, #tpu.memory_space<hbm>>
    %dma_wait3A_499 = tpu.memref_squeeze %dma_wait3A_498 : memref<1x2048xf32, #tpu.memory_space<hbm>> -> memref<2048xf32, #tpu.memory_space<hbm>>
    %dma_wait3A_500 = arith.constant 4096 : i32
    %dma_wait3A_501 = tpu.memref_slice %arg7[%add3A_400, %dma_wait3A_500] : memref<64x16384xf32, #tpu.memory_space<hbm>> -> memref<1x2048xf32, #tpu.memory_space<hbm>>
    %dma_wait3A_502 = tpu.memref_squeeze %dma_wait3A_501 : memref<1x2048xf32, #tpu.memory_space<hbm>> -> memref<2048xf32, #tpu.memory_space<hbm>>
    tpu.wait_dma2 semaphore(%arg18 : memref<!tpu.dma_semaphore, #tpu.memory_space<semaphore_mem>>) src(%arg12 : memref<2048xf32, #tpu.memory_space<vmem>>) dst(%dma_wait3A_502 : memref<2048xf32, #tpu.memory_space<hbm>>)
    %parallel_loop3A_503 = arith.constant 0 : i32
    %parallel_loop3A_504 = arith.constant 128 : i32
    %parallel_loop3A_505 = arith.constant 1 : i32
    scf.for %parallel_loop3A_589 = %parallel_loop3A_503 to %parallel_loop3A_504 step %parallel_loop3A_505  : i32 {
      %parallel_loop3A_590 = arith.constant 16 : i32
      %parallel_loop3A_591 = arith.muli %parallel_loop3A_589, %parallel_loop3A_590 : i32
      %parallel_loop3A_592 = arith.index_cast %parallel_loop3A_591 : i32 to index
      %parallel_loop3A_593 = tpu.vector_load %arg9[%parallel_loop3A_592] {strides = array<i32>} : memref<2048xi32, #tpu.memory_space<vmem>>, vector<16xi32>,
      %parallel_loop3A_594 = tpu.vector_load_idx %arg11[%parallel_loop3A_593] : memref<100000xf32, #tpu.memory_space<vmem>>[vector<16xi32>], vector<16xf32>,
      %parallel_loop3A_595 = arith.index_cast %parallel_loop3A_591 : i32 to index
      %parallel_loop3A_596 = tpu.vector_load %arg12[%parallel_loop3A_595] {strides = array<i32>} : memref<2048xf32, #tpu.memory_space<vmem>>, vector<16xf32>,
      tpu.vector_store %arg12[%parallel_loop3A_595], %parallel_loop3A_594 {strides = array<i32>} : memref<2048xf32, #tpu.memory_space<vmem>>, vector<16xf32>,
    } {sc.loop_unroll_factor = 16 : i64, sc.parallel_access}
    %dma_start3A_506 = arith.constant 8192 : i32
    %dma_start3A_507 = tpu.memref_slice %arg7[%add3A_400, %dma_start3A_506] : memref<64x16384xf32, #tpu.memory_space<hbm>> -> memref<1x2048xf32, #tpu.memory_space<hbm>>
    %dma_start3A_508 = tpu.memref_squeeze %dma_start3A_507 : memref<1x2048xf32, #tpu.memory_space<hbm>> -> memref<2048xf32, #tpu.memory_space<hbm>>
    %dma_start3A_509 = arith.constant 8192 : i32
    %dma_start3A_510 = tpu.memref_slice %arg7[%add3A_400, %dma_start3A_509] : memref<64x16384xf32, #tpu.memory_space<hbm>> -> memref<1x2048xf32, #tpu.memory_space<hbm>>
    %dma_start3A_511 = tpu.memref_squeeze %dma_start3A_510 : memref<1x2048xf32, #tpu.memory_space<hbm>> -> memref<2048xf32, #tpu.memory_space<hbm>>
    tpu.enqueue_dma source(%arg12 : memref<2048xf32, #tpu.memory_space<vmem>>) target(%dma_start3A_511 : memref<2048xf32, #tpu.memory_space<hbm>>) target_semaphore(%arg18 : memref<!tpu.dma_semaphore, #tpu.memory_space<semaphore_mem>>)
    %dma_start3A_512 = arith.constant 12288 : i32
    %dma_start3A_513 = tpu.memref_slice %arg3[%dma_start3A_512] : memref<16384xi32, #tpu.memory_space<hbm>> -> memref<2048xi32, #tpu.memory_space<hbm>>
    %dma_start3A_514 = arith.constant 12288 : i32
    %dma_start3A_515 = tpu.memref_slice %arg3[%dma_start3A_514] : memref<16384xi32, #tpu.memory_space<hbm>> -> memref<2048xi32, #tpu.memory_space<hbm>>
    tpu.enqueue_dma source(%dma_start3A_515 : memref<2048xi32, #tpu.memory_space<hbm>>) target(%arg9 : memref<2048xi32, #tpu.memory_space<vmem>>) target_semaphore(%arg17 : memref<!tpu.dma_semaphore, #tpu.memory_space<semaphore_mem>>)
    %dma_wait3A_516 = arith.constant 10240 : i32
    %dma_wait3A_517 = tpu.memref_slice %arg3[%dma_wait3A_516] : memref<16384xi32, #tpu.memory_space<hbm>> -> memref<2048xi32, #tpu.memory_space<hbm>>
    %dma_wait3A_518 = arith.constant 10240 : i32
    %dma_wait3A_519 = tpu.memref_slice %arg3[%dma_wait3A_518] : memref<16384xi32, #tpu.memory_space<hbm>> -> memref<2048xi32, #tpu.memory_space<hbm>>
    tpu.wait_dma2 semaphore(%arg17 : memref<!tpu.dma_semaphore, #tpu.memory_space<semaphore_mem>>) src(%dma_wait3A_519 : memref<2048xi32, #tpu.memory_space<hbm>>) dst(%arg10 : memref<2048xi32, #tpu.memory_space<vmem>>)
    %dma_wait3A_520 = arith.constant 6144 : i32
    %dma_wait3A_521 = tpu.memref_slice %arg7[%add3A_400, %dma_wait3A_520] : memref<64x16384xf32, #tpu.memory_space<hbm>> -> memref<1x2048xf32, #tpu.memory_space<hbm>>
    %dma_wait3A_522 = tpu.memref_squeeze %dma_wait3A_521 : memref<1x2048xf32, #tpu.memory_space<hbm>> -> memref<2048xf32, #tpu.memory_space<hbm>>
    %dma_wait3A_523 = arith.constant 6144 : i32
    %dma_wait3A_524 = tpu.memref_slice %arg7[%add3A_400, %dma_wait3A_523] : memref<64x16384xf32, #tpu.memory_space<hbm>> -> memref<1x2048xf32, #tpu.memory_space<hbm>>
    %dma_wait3A_525 = tpu.memref_squeeze %dma_wait3A_524 : memref<1x2048xf32, #tpu.memory_space<hbm>> -> memref<2048xf32, #tpu.memory_space<hbm>>
    tpu.wait_dma2 semaphore(%arg18 : memref<!tpu.dma_semaphore, #tpu.memory_space<semaphore_mem>>) src(%arg13 : memref<2048xf32, #tpu.memory_space<vmem>>) dst(%dma_wait3A_525 : memref<2048xf32, #tpu.memory_space<hbm>>)
    %parallel_loop3A_526 = arith.constant 0 : i32
    %parallel_loop3A_527 = arith.constant 128 : i32
    %parallel_loop3A_528 = arith.constant 1 : i32
    scf.for %parallel_loop3A_589 = %parallel_loop3A_526 to %parallel_loop3A_527 step %parallel_loop3A_528  : i32 {
      %parallel_loop3A_590 = arith.constant 16 : i32
      %parallel_loop3A_591 = arith.muli %parallel_loop3A_589, %parallel_loop3A_590 : i32
      %parallel_loop3A_592 = arith.index_cast %parallel_loop3A_591 : i32 to index
      %parallel_loop3A_593 = tpu.vector_load %arg10[%parallel_loop3A_592] {strides = array<i32>} : memref<2048xi32, #tpu.memory_space<vmem>>, vector<16xi32>,
      %parallel_loop3A_594 = tpu.vector_load_idx %arg11[%parallel_loop3A_593] : memref<100000xf32, #tpu.memory_space<vmem>>[vector<16xi32>], vector<16xf32>,
      %parallel_loop3A_595 = arith.index_cast %parallel_loop3A_591 : i32 to index
      %parallel_loop3A_596 = tpu.vector_load %arg13[%parallel_loop3A_595] {strides = array<i32>} : memref<2048xf32, #tpu.memory_space<vmem>>, vector<16xf32>,
      tpu.vector_store %arg13[%parallel_loop3A_595], %parallel_loop3A_594 {strides = array<i32>} : memref<2048xf32, #tpu.memory_space<vmem>>, vector<16xf32>,
    } {sc.loop_unroll_factor = 16 : i64, sc.parallel_access}
    %dma_start3A_529 = arith.constant 10240 : i32
    %dma_start3A_530 = tpu.memref_slice %arg7[%add3A_400, %dma_start3A_529] : memref<64x16384xf32, #tpu.memory_space<hbm>> -> memref<1x2048xf32, #tpu.memory_space<hbm>>
    %dma_start3A_531 = tpu.memref_squeeze %dma_start3A_530 : memref<1x2048xf32, #tpu.memory_space<hbm>> -> memref<2048xf32, #tpu.memory_space<hbm>>
    %dma_start3A_532 = arith.constant 10240 : i32
    %dma_start3A_533 = tpu.memref_slice %arg7[%add3A_400, %dma_start3A_532] : memref<64x16384xf32, #tpu.memory_space<hbm>> -> memref<1x2048xf32, #tpu.memory_space<hbm>>
    %dma_start3A_534 = tpu.memref_squeeze %dma_start3A_533 : memref<1x2048xf32, #tpu.memory_space<hbm>> -> memref<2048xf32, #tpu.memory_space<hbm>>
    tpu.enqueue_dma source(%arg13 : memref<2048xf32, #tpu.memory_space<vmem>>) target(%dma_start3A_534 : memref<2048xf32, #tpu.memory_space<hbm>>) target_semaphore(%arg18 : memref<!tpu.dma_semaphore, #tpu.memory_space<semaphore_mem>>)
    %dma_start3A_535 = arith.constant 14336 : i32
    %dma_start3A_536 = tpu.memref_slice %arg3[%dma_start3A_535] : memref<16384xi32, #tpu.memory_space<hbm>> -> memref<2048xi32, #tpu.memory_space<hbm>>
    %dma_start3A_537 = arith.constant 14336 : i32
    %dma_start3A_538 = tpu.memref_slice %arg3[%dma_start3A_537] : memref<16384xi32, #tpu.memory_space<hbm>> -> memref<2048xi32, #tpu.memory_space<hbm>>
    tpu.enqueue_dma source(%dma_start3A_538 : memref<2048xi32, #tpu.memory_space<hbm>>) target(%arg10 : memref<2048xi32, #tpu.memory_space<vmem>>) target_semaphore(%arg17 : memref<!tpu.dma_semaphore, #tpu.memory_space<semaphore_mem>>)
    %dma_wait3A_539 = arith.constant 12288 : i32
    %dma_wait3A_540 = tpu.memref_slice %arg3[%dma_wait3A_539] : memref<16384xi32, #tpu.memory_space<hbm>> -> memref<2048xi32, #tpu.memory_space<hbm>>
    %dma_wait3A_541 = arith.constant 12288 : i32
    %dma_wait3A_542 = tpu.memref_slice %arg3[%dma_wait3A_541] : memref<16384xi32, #tpu.memory_space<hbm>> -> memref<2048xi32, #tpu.memory_space<hbm>>
    tpu.wait_dma2 semaphore(%arg17 : memref<!tpu.dma_semaphore, #tpu.memory_space<semaphore_mem>>) src(%dma_wait3A_542 : memref<2048xi32, #tpu.memory_space<hbm>>) dst(%arg9 : memref<2048xi32, #tpu.memory_space<vmem>>)
    %dma_wait3A_543 = arith.constant 8192 : i32
    %dma_wait3A_544 = tpu.memref_slice %arg7[%add3A_400, %dma_wait3A_543] : memref<64x16384xf32, #tpu.memory_space<hbm>> -> memref<1x2048xf32, #tpu.memory_space<hbm>>
    %dma_wait3A_545 = tpu.memref_squeeze %dma_wait3A_544 : memref<1x2048xf32, #tpu.memory_space<hbm>> -> memref<2048xf32, #tpu.memory_space<hbm>>
    %dma_wait3A_546 = arith.constant 8192 : i32
    %dma_wait3A_547 = tpu.memref_slice %arg7[%add3A_400, %dma_wait3A_546] : memref<64x16384xf32, #tpu.memory_space<hbm>> -> memref<1x2048xf32, #tpu.memory_space<hbm>>
    %dma_wait3A_548 = tpu.memref_squeeze %dma_wait3A_547 : memref<1x2048xf32, #tpu.memory_space<hbm>> -> memref<2048xf32, #tpu.memory_space<hbm>>
    tpu.wait_dma2 semaphore(%arg18 : memref<!tpu.dma_semaphore, #tpu.memory_space<semaphore_mem>>) src(%arg12 : memref<2048xf32, #tpu.memory_space<vmem>>) dst(%dma_wait3A_548 : memref<2048xf32, #tpu.memory_space<hbm>>)
    %parallel_loop3A_549 = arith.constant 0 : i32
    %parallel_loop3A_550 = arith.constant 128 : i32
    %parallel_loop3A_551 = arith.constant 1 : i32
    scf.for %parallel_loop3A_589 = %parallel_loop3A_549 to %parallel_loop3A_550 step %parallel_loop3A_551  : i32 {
      %parallel_loop3A_590 = arith.constant 16 : i32
      %parallel_loop3A_591 = arith.muli %parallel_loop3A_589, %parallel_loop3A_590 : i32
      %parallel_loop3A_592 = arith.index_cast %parallel_loop3A_591 : i32 to index
      %parallel_loop3A_593 = tpu.vector_load %arg9[%parallel_loop3A_592] {strides = array<i32>} : memref<2048xi32, #tpu.memory_space<vmem>>, vector<16xi32>,
      %parallel_loop3A_594 = tpu.vector_load_idx %arg11[%parallel_loop3A_593] : memref<100000xf32, #tpu.memory_space<vmem>>[vector<16xi32>], vector<16xf32>,
      %parallel_loop3A_595 = arith.index_cast %parallel_loop3A_591 : i32 to index
      %parallel_loop3A_596 = tpu.vector_load %arg12[%parallel_loop3A_595] {strides = array<i32>} : memref<2048xf32, #tpu.memory_space<vmem>>, vector<16xf32>,
      tpu.vector_store %arg12[%parallel_loop3A_595], %parallel_loop3A_594 {strides = array<i32>} : memref<2048xf32, #tpu.memory_space<vmem>>, vector<16xf32>,
    } {sc.loop_unroll_factor = 16 : i64, sc.parallel_access}
    %dma_start3A_552 = arith.constant 12288 : i32
    %dma_start3A_553 = tpu.memref_slice %arg7[%add3A_400, %dma_start3A_552] : memref<64x16384xf32, #tpu.memory_space<hbm>> -> memref<1x2048xf32, #tpu.memory_space<hbm>>
    %dma_start3A_554 = tpu.memref_squeeze %dma_start3A_553 : memref<1x2048xf32, #tpu.memory_space<hbm>> -> memref<2048xf32, #tpu.memory_space<hbm>>
    %dma_start3A_555 = arith.constant 12288 : i32
    %dma_start3A_556 = tpu.memref_slice %arg7[%add3A_400, %dma_start3A_555] : memref<64x16384xf32, #tpu.memory_space<hbm>> -> memref<1x2048xf32, #tpu.memory_space<hbm>>
    %dma_start3A_557 = tpu.memref_squeeze %dma_start3A_556 : memref<1x2048xf32, #tpu.memory_space<hbm>> -> memref<2048xf32, #tpu.memory_space<hbm>>
    tpu.enqueue_dma source(%arg12 : memref<2048xf32, #tpu.memory_space<vmem>>) target(%dma_start3A_557 : memref<2048xf32, #tpu.memory_space<hbm>>) target_semaphore(%arg18 : memref<!tpu.dma_semaphore, #tpu.memory_space<semaphore_mem>>)
    %dma_wait3A_558 = arith.constant 14336 : i32
    %dma_wait3A_559 = tpu.memref_slice %arg3[%dma_wait3A_558] : memref<16384xi32, #tpu.memory_space<hbm>> -> memref<2048xi32, #tpu.memory_space<hbm>>
    %dma_wait3A_560 = arith.constant 14336 : i32
    %dma_wait3A_561 = tpu.memref_slice %arg3[%dma_wait3A_560] : memref<16384xi32, #tpu.memory_space<hbm>> -> memref<2048xi32, #tpu.memory_space<hbm>>
    tpu.wait_dma2 semaphore(%arg17 : memref<!tpu.dma_semaphore, #tpu.memory_space<semaphore_mem>>) src(%dma_wait3A_561 : memref<2048xi32, #tpu.memory_space<hbm>>) dst(%arg10 : memref<2048xi32, #tpu.memory_space<vmem>>)
    %dma_wait3A_562 = arith.constant 10240 : i32
    %dma_wait3A_563 = tpu.memref_slice %arg7[%add3A_400, %dma_wait3A_562] : memref<64x16384xf32, #tpu.memory_space<hbm>> -> memref<1x2048xf32, #tpu.memory_space<hbm>>
    %dma_wait3A_564 = tpu.memref_squeeze %dma_wait3A_563 : memref<1x2048xf32, #tpu.memory_space<hbm>> -> memref<2048xf32, #tpu.memory_space<hbm>>
    %dma_wait3A_565 = arith.constant 10240 : i32
    %dma_wait3A_566 = tpu.memref_slice %arg7[%add3A_400, %dma_wait3A_565] : memref<64x16384xf32, #tpu.memory_space<hbm>> -> memref<1x2048xf32, #tpu.memory_space<hbm>>
    %dma_wait3A_567 = tpu.memref_squeeze %dma_wait3A_566 : memref<1x2048xf32, #tpu.memory_space<hbm>> -> memref<2048xf32, #tpu.memory_space<hbm>>
    tpu.wait_dma2 semaphore(%arg18 : memref<!tpu.dma_semaphore, #tpu.memory_space<semaphore_mem>>) src(%arg13 : memref<2048xf32, #tpu.memory_space<vmem>>) dst(%dma_wait3A_567 : memref<2048xf32, #tpu.memory_space<hbm>>)
    %parallel_loop3A_568 = arith.constant 0 : i32
    %parallel_loop3A_569 = arith.constant 128 : i32
    %parallel_loop3A_570 = arith.constant 1 : i32
    scf.for %parallel_loop3A_589 = %parallel_loop3A_568 to %parallel_loop3A_569 step %parallel_loop3A_570  : i32 {
      %parallel_loop3A_590 = arith.constant 16 : i32
      %parallel_loop3A_591 = arith.muli %parallel_loop3A_589, %parallel_loop3A_590 : i32
      %parallel_loop3A_592 = arith.index_cast %parallel_loop3A_591 : i32 to index
      %parallel_loop3A_593 = tpu.vector_load %arg10[%parallel_loop3A_592] {strides = array<i32>} : memref<2048xi32, #tpu.memory_space<vmem>>, vector<16xi32>,
      %parallel_loop3A_594 = tpu.vector_load_idx %arg11[%parallel_loop3A_593] : memref<100000xf32, #tpu.memory_space<vmem>>[vector<16xi32>], vector<16xf32>,
      %parallel_loop3A_595 = arith.index_cast %parallel_loop3A_591 : i32 to index
      %parallel_loop3A_596 = tpu.vector_load %arg13[%parallel_loop3A_595] {strides = array<i32>} : memref<2048xf32, #tpu.memory_space<vmem>>, vector<16xf32>,
      tpu.vector_store %arg13[%parallel_loop3A_595], %parallel_loop3A_594 {strides = array<i32>} : memref<2048xf32, #tpu.memory_space<vmem>>, vector<16xf32>,
    } {sc.loop_unroll_factor = 16 : i64, sc.parallel_access}
    %dma_start3A_571 = arith.constant 14336 : i32
    %dma_start3A_572 = tpu.memref_slice %arg7[%add3A_400, %dma_start3A_571] : memref<64x16384xf32, #tpu.memory_space<hbm>> -> memref<1x2048xf32, #tpu.memory_space<hbm>>
    %dma_start3A_573 = tpu.memref_squeeze %dma_start3A_572 : memref<1x2048xf32, #tpu.memory_space<hbm>> -> memref<2048xf32, #tpu.memory_space<hbm>>
    %dma_start3A_574 = arith.constant 14336 : i32
    %dma_start3A_575 = tpu.memref_slice %arg7[%add3A_400, %dma_start3A_574] : memref<64x16384xf32, #tpu.memory_space<hbm>> -> memref<1x2048xf32, #tpu.memory_space<hbm>>
    %dma_start3A_576 = tpu.memref_squeeze %dma_start3A_575 : memref<1x2048xf32, #tpu.memory_space<hbm>> -> memref<2048xf32, #tpu.memory_space<hbm>>
    tpu.enqueue_dma source(%arg13 : memref<2048xf32, #tpu.memory_space<vmem>>) target(%dma_start3A_576 : memref<2048xf32, #tpu.memory_space<hbm>>) target_semaphore(%arg18 : memref<!tpu.dma_semaphore, #tpu.memory_space<semaphore_mem>>)
    %dma_wait3A_577 = arith.constant 12288 : i32
    %dma_wait3A_578 = tpu.memref_slice %arg7[%add3A_400, %dma_wait3A_577] : memref<64x16384xf32, #tpu.memory_space<hbm>> -> memref<1x2048xf32, #tpu.memory_space<hbm>>
    %dma_wait3A_579 = tpu.memref_squeeze %dma_wait3A_578 : memref<1x2048xf32, #tpu.memory_space<hbm>> -> memref<2048xf32, #tpu.memory_space<hbm>>
    %dma_wait3A_580 = arith.constant 12288 : i32
    %dma_wait3A_581 = tpu.memref_slice %arg7[%add3A_400, %dma_wait3A_580] : memref<64x16384xf32, #tpu.memory_space<hbm>> -> memref<1x2048xf32, #tpu.memory_space<hbm>>
    %dma_wait3A_582 = tpu.memref_squeeze %dma_wait3A_581 : memref<1x2048xf32, #tpu.memory_space<hbm>> -> memref<2048xf32, #tpu.memory_space<hbm>>
    tpu.wait_dma2 semaphore(%arg18 : memref<!tpu.dma_semaphore, #tpu.memory_space<semaphore_mem>>) src(%arg12 : memref<2048xf32, #tpu.memory_space<vmem>>) dst(%dma_wait3A_582 : memref<2048xf32, #tpu.memory_space<hbm>>)
    %dma_wait3A_583 = arith.constant 14336 : i32
    %dma_wait3A_584 = tpu.memref_slice %arg7[%add3A_400, %dma_wait3A_583] : memref<64x16384xf32, #tpu.memory_space<hbm>> -> memref<1x2048xf32, #tpu.memory_space<hbm>>
    %dma_wait3A_585 = tpu.memref_squeeze %dma_wait3A_584 : memref<1x2048xf32, #tpu.memory_space<hbm>> -> memref<2048xf32, #tpu.memory_space<hbm>>
    %dma_wait3A_586 = arith.constant 14336 : i32
    %dma_wait3A_587 = tpu.memref_slice %arg7[%add3A_400, %dma_wait3A_586] : memref<64x16384xf32, #tpu.memory_space<hbm>> -> memref<1x2048xf32, #tpu.memory_space<hbm>>
    %dma_wait3A_588 = tpu.memref_squeeze %dma_wait3A_587 : memref<1x2048xf32, #tpu.memory_space<hbm>> -> memref<2048xf32, #tpu.memory_space<hbm>>
    tpu.wait_dma2 semaphore(%arg18 : memref<!tpu.dma_semaphore, #tpu.memory_space<semaphore_mem>>) src(%arg13 : memref<2048xf32, #tpu.memory_space<vmem>>) dst(%dma_wait3A_588 : memref<2048xf32, #tpu.memory_space<hbm>>)
    return
  }
}

module attributes {stable_mosaic.version = 14 : i64} {
  func.func @_mlp_body(%arg0: i32, %arg1: memref<5x4096xi32, #tpu.memory_space<vmem>>, %arg2: memref<3x4096xf32, #tpu.memory_space<vmem>>, %arg3: memref<4096x128xf32, #tpu.memory_space<vmem>>, %arg4: memref<64x4096xf32, #tpu.memory_space<vmem>>, %arg5: memref<128x128xf32, #tpu.memory_space<vmem>>, %arg6: memref<64x128xf32, #tpu.memory_space<vmem>>, %arg7: memref<64x128xf32, #tpu.memory_space<vmem>>, %arg8: memref<40x32xf32, #tpu.memory_space<vmem>>, %arg9: memref<32x128xf32, #tpu.memory_space<vmem>>, %arg10: memref<3x128xf32, #tpu.memory_space<vmem>>, %arg11: memref<4x128xf32, #tpu.memory_space<vmem>>, %arg12: memref<5x64xf32, #tpu.memory_space<vmem>>, %arg13: memref<128x64xf32, #tpu.memory_space<vmem>>, %arg14: memref<64x4096xf32, #tpu.memory_space<vmem>>) attributes {dimension_semantics = [#tpu.dimension_semantics<arbitrary>], iteration_bounds = array<i64: 4>, scalar_prefetch = 0 : i64, scratch_operands = 0 : i64, tpu.core_type = #tpu.core_type<tc>, window_params = [{transform_indices = @transform_0, window_bounds = array<i64: 5, 4096>}, {transform_indices = @transform_1, window_bounds = array<i64: 3, 4096>}, {transform_indices = @transform_2, window_bounds = array<i64: 4096, 128>}, {transform_indices = @transform_3, window_bounds = array<i64: 64, 4096>}, {pipeline_mode = #tpu.pipeline_mode<synchronous>, transform_indices = @transform_4, window_bounds = array<i64: 128, 128>}, {pipeline_mode = #tpu.pipeline_mode<synchronous>, transform_indices = @transform_5, window_bounds = array<i64: 64, 128>}, {pipeline_mode = #tpu.pipeline_mode<synchronous>, transform_indices = @transform_6, window_bounds = array<i64: 64, 128>}, {pipeline_mode = #tpu.pipeline_mode<synchronous>, transform_indices = @transform_7, window_bounds = array<i64: 40, 32>}, {pipeline_mode = #tpu.pipeline_mode<synchronous>, transform_indices = @transform_8, window_bounds = array<i64: 32, 128>}, {pipeline_mode = #tpu.pipeline_mode<synchronous>, transform_indices = @transform_9, window_bounds = array<i64: 3, 128>}, {pipeline_mode = #tpu.pipeline_mode<synchronous>, transform_indices = @transform_10, window_bounds = array<i64: 4, 128>}, {pipeline_mode = #tpu.pipeline_mode<synchronous>, transform_indices = @transform_11, window_bounds = array<i64: 5, 64>}, {pipeline_mode = #tpu.pipeline_mode<synchronous>, transform_indices = @transform_12, window_bounds = array<i64: 128, 64>}, {transform_indices = @transform_13, window_bounds = array<i64: 64, 4096>}]} {
    %get3A = arith.constant 0 : index
    %get3A_0 = arith.constant 0 : index
    %get3A_1 = vector.load %arg1[%get3A, %get3A_0] : memref<5x4096xi32, #tpu.memory_space<vmem>>, vector<1x4096xi32>
    %get3A_2 = vector.shape_cast %get3A_1 : vector<1x4096xi32> to vector<4096xi32>
    %get3A_3 = arith.constant 1 : index
    %get3A_4 = arith.constant 0 : index
    %get3A_5 = vector.load %arg1[%get3A_3, %get3A_4] : memref<5x4096xi32, #tpu.memory_space<vmem>>, vector<1x4096xi32>
    %get3A_6 = vector.shape_cast %get3A_5 : vector<1x4096xi32> to vector<4096xi32>
    %get3A_7 = arith.constant 2 : index
    %get3A_8 = arith.constant 0 : index
    %get3A_9 = vector.load %arg1[%get3A_7, %get3A_8] : memref<5x4096xi32, #tpu.memory_space<vmem>>, vector<1x4096xi32>
    %get3A_10 = vector.shape_cast %get3A_9 : vector<1x4096xi32> to vector<4096xi32>
    %get3A_11 = arith.constant 3 : index
    %get3A_12 = arith.constant 0 : index
    %get3A_13 = vector.load %arg1[%get3A_11, %get3A_12] : memref<5x4096xi32, #tpu.memory_space<vmem>>, vector<1x4096xi32>
    %get3A_14 = vector.shape_cast %get3A_13 : vector<1x4096xi32> to vector<4096xi32>
    %get3A_15 = arith.constant 4 : index
    %get3A_16 = arith.constant 0 : index
    %get3A_17 = vector.load %arg1[%get3A_15, %get3A_16] : memref<5x4096xi32, #tpu.memory_space<vmem>>, vector<1x4096xi32>
    %get3A_18 = vector.shape_cast %get3A_17 : vector<1x4096xi32> to vector<4096xi32>
    %iota3A = tpu.iota {dimensions = array<i32: 0>} : vector<64x4096xi32>
    %broadcast_in_dim3A = vector.shape_cast %get3A_2 : vector<4096xi32> to vector<1x4096xi32>
    %eq3A = vector.broadcast %broadcast_in_dim3A : vector<1x4096xi32> to vector<64x4096xi32>
    %eq3A_19 = arith.cmpi eq, %iota3A, %eq3A : vector<64x4096xi32>
    %broadcast_in_dim3A_20 = vector.shape_cast %get3A_6 : vector<4096xi32> to vector<1x4096xi32>
    %add3A = arith.constant 2 : i32
    %add3A_21 = vector.broadcast %add3A : i32 to vector<1x4096xi32>
    %add3A_22 = arith.addi %broadcast_in_dim3A_20, %add3A_21 : vector<1x4096xi32>
    %eq3A_23 = vector.broadcast %add3A_22 : vector<1x4096xi32> to vector<64x4096xi32>
    %eq3A_24 = arith.cmpi eq, %iota3A, %eq3A_23 : vector<64x4096xi32>
    %or3A = arith.ori %eq3A_19, %eq3A_24 : vector<64x4096xi1>
    %broadcast_in_dim3A_25 = vector.shape_cast %get3A_10 : vector<4096xi32> to vector<1x4096xi32>
    %add3A_26 = arith.constant 24 : i32
    %add3A_27 = vector.broadcast %add3A_26 : i32 to vector<1x4096xi32>
    %add3A_28 = arith.addi %broadcast_in_dim3A_25, %add3A_27 : vector<1x4096xi32>
    %eq3A_29 = vector.broadcast %add3A_28 : vector<1x4096xi32> to vector<64x4096xi32>
    %eq3A_30 = arith.cmpi eq, %iota3A, %eq3A_29 : vector<64x4096xi32>
    %or3A_31 = arith.ori %or3A, %eq3A_30 : vector<64x4096xi1>
    %broadcast_in_dim3A_32 = vector.shape_cast %get3A_14 : vector<4096xi32> to vector<1x4096xi32>
    %add3A_33 = arith.constant 31 : i32
    %add3A_34 = vector.broadcast %add3A_33 : i32 to vector<1x4096xi32>
    %add3A_35 = arith.addi %broadcast_in_dim3A_32, %add3A_34 : vector<1x4096xi32>
    %eq3A_36 = vector.broadcast %add3A_35 : vector<1x4096xi32> to vector<64x4096xi32>
    %eq3A_37 = arith.cmpi eq, %iota3A, %eq3A_36 : vector<64x4096xi32>
    %or3A_38 = arith.ori %or3A_31, %eq3A_37 : vector<64x4096xi1>
    %broadcast_in_dim3A_39 = vector.shape_cast %get3A_18 : vector<4096xi32> to vector<1x4096xi32>
    %add3A_40 = arith.constant 38 : i32
    %add3A_41 = vector.broadcast %add3A_40 : i32 to vector<1x4096xi32>
    %add3A_42 = arith.addi %broadcast_in_dim3A_39, %add3A_41 : vector<1x4096xi32>
    %eq3A_43 = vector.broadcast %add3A_42 : vector<1x4096xi32> to vector<64x4096xi32>
    %eq3A_44 = arith.cmpi eq, %iota3A, %eq3A_43 : vector<64x4096xi32>
    %or3A_45 = arith.ori %or3A_38, %eq3A_44 : vector<64x4096xi1>
    %eq3A_46 = arith.constant 62 : i32
    %eq3A_47 = vector.broadcast %eq3A_46 : i32 to vector<64x4096xi32>
    %eq3A_48 = arith.cmpi eq, %iota3A, %eq3A_47 : vector<64x4096xi32>
    %or3A_49 = arith.ori %or3A_45, %eq3A_48 : vector<64x4096xi1>
    %convert_element_type3A = arith.extui %or3A_49 : vector<64x4096xi1> to vector<64x4096xi32>
    %convert_element_type3A_50 = arith.sitofp %convert_element_type3A : vector<64x4096xi32> to vector<64x4096xf32>
    %mul3A = arith.constant 24 : i32
    %mul3A_51 = vector.broadcast %mul3A : i32 to vector<4096xi32>
    %mul3A_52 = arith.muli %get3A_14, %mul3A_51 : vector<4096xi32>
    %add3A_53 = arith.addi %mul3A_52, %get3A_18 : vector<4096xi32>
    %jit3A = arith.constant 34 : i32
    %eq3A_54 = arith.constant 0 : i32
    %eq3A_55 = arith.cmpi eq, %jit3A, %eq3A_54 : i32
    %jit3A_56 = arith.constant 1 : i32
    %select_n3A = arith.select %eq3A_55, %jit3A_56, %jit3A : i32
    %rem3A = vector.broadcast %select_n3A : i32 to vector<4096xi32>
    %rem3A_57 = arith.remsi %add3A_53, %rem3A : vector<4096xi32>
    %ne3A = arith.constant 0 : i32
    %ne3A_58 = vector.broadcast %ne3A : i32 to vector<4096xi32>
    %ne3A_59 = arith.cmpi ne, %rem3A_57, %ne3A_58 : vector<4096xi32>
    %lt3A = arith.constant 0 : i32
    %lt3A_60 = vector.broadcast %lt3A : i32 to vector<4096xi32>
    %lt3A_61 = arith.cmpi slt, %rem3A_57, %lt3A_60 : vector<4096xi32>
    %lt3A_62 = arith.constant 0 : i32
    %lt3A_63 = arith.cmpi slt, %select_n3A, %lt3A_62 : i32
    %ne3A_64 = vector.broadcast %lt3A_63 : i1 to vector<4096xi1>
    %ne3A_65 = vector.broadcast %ne3A_64 : vector<4096xi1> to vector<4096xi1>
    %ne3A_66 = arith.xori %lt3A_61, %ne3A_65 : vector<4096xi1>
    %and3A = arith.andi %ne3A_66, %ne3A_59 : vector<4096xi1>
    %add3A_67 = vector.broadcast %select_n3A : i32 to vector<4096xi32>
    %add3A_68 = arith.addi %rem3A_57, %add3A_67 : vector<4096xi32>
    %select_n3A_69 = arith.select %and3A, %add3A_68, %rem3A_57 : vector<4096xi1>, vector<4096xi32>
    %add3A_70 = arith.constant 1 : i32
    %add3A_71 = vector.broadcast %add3A_70 : i32 to vector<4096xi32>
    %add3A_72 = arith.addi %select_n3A_69, %add3A_71 : vector<4096xi32>
    %iota3A_73 = tpu.iota {dimensions = array<i32: 0>} : vector<40x4096xi32>
    %broadcast_in_dim3A_74 = vector.shape_cast %add3A_72 : vector<4096xi32> to vector<1x4096xi32>
    %eq3A_75 = vector.broadcast %broadcast_in_dim3A_74 : vector<1x4096xi32> to vector<40x4096xi32>
    %eq3A_76 = arith.cmpi eq, %iota3A_73, %eq3A_75 : vector<40x4096xi32>
    %convert_element_type3A_77 = arith.extui %eq3A_76 : vector<40x4096xi1> to vector<40x4096xi32>
    %convert_element_type3A_78 = arith.sitofp %convert_element_type3A_77 : vector<40x4096xi32> to vector<40x4096xf32>
    %get3A_79 = arith.constant 0 : index
    %get3A_80 = arith.constant 0 : index
    %get3A_81 = vector.load %arg8[%get3A_79, %get3A_80] : memref<40x32xf32, #tpu.memory_space<vmem>>, vector<40x32xf32>
    %get3A_82 = arith.constant 0 : index
    %get3A_83 = arith.constant 0 : index
    %get3A_84 = vector.load %arg9[%get3A_82, %get3A_83] : memref<32x128xf32, #tpu.memory_space<vmem>>, vector<32x128xf32>
    %dot_general3A = arith.constant dense<0.000000e+00> : vector<40x128xf32>
    %dot_general3A_85 = tpu.matmul %get3A_81, %get3A_84, %dot_general3A {dimension_numbers = #tpu.dot_dimension_numbers<[1], [0], [0], [1], [0, 0, 1, 1], [], []>, transpose_lhs_hint = false} : vector<40x32xf32>, vector<32x128xf32>, vector<40x128xf32> -> vector<40x128xf32>
    %get3A_86 = arith.constant 0 : index
    %get3A_87 = arith.constant 0 : index
    %get3A_88 = vector.load %arg3[%get3A_86, %get3A_87] : memref<4096x128xf32, #tpu.memory_space<vmem>>, vector<4096x128xf32>
    %get3A_89 = arith.constant 0 : index
    %get3A_90 = arith.constant 0 : index
    %get3A_91 = vector.load %arg5[%get3A_89, %get3A_90] : memref<128x128xf32, #tpu.memory_space<vmem>>, vector<128x128xf32>
    %dot_general3A_92 = arith.constant dense<0.000000e+00> : vector<4096x128xf32>
    %dot_general3A_93 = tpu.matmul %get3A_88, %get3A_91, %dot_general3A_92 {dimension_numbers = #tpu.dot_dimension_numbers<[1], [0], [0], [1], [0, 0, 1, 1], [], []>, transpose_lhs_hint = false} : vector<4096x128xf32>, vector<128x128xf32>, vector<4096x128xf32> -> vector<4096x128xf32>
    %get3A_94 = arith.constant 0 : index
    %get3A_95 = arith.constant 0 : index
    %get3A_96 = vector.load %arg4[%get3A_94, %get3A_95] : memref<64x4096xf32, #tpu.memory_space<vmem>>, vector<64x4096xf32>
    %get3A_97 = arith.constant 0 : index
    %get3A_98 = arith.constant 0 : index
    %get3A_99 = vector.load %arg6[%get3A_97, %get3A_98] : memref<64x128xf32, #tpu.memory_space<vmem>>, vector<64x128xf32>
    %dot_general3A_100 = arith.constant dense<0.000000e+00> : vector<4096x128xf32>
    %dot_general3A_101 = tpu.matmul %get3A_96, %get3A_99, %dot_general3A_100 {dimension_numbers = #tpu.dot_dimension_numbers<[0], [0], [1], [1], [0, 1, 1, 1], [], []>, transpose_lhs_hint = false} : vector<64x4096xf32>, vector<64x128xf32>, vector<4096x128xf32> -> vector<4096x128xf32>
    %add3A_102 = arith.addf %dot_general3A_93, %dot_general3A_101 : vector<4096x128xf32>
    %get3A_103 = arith.constant 0 : index
    %get3A_104 = arith.constant 0 : index
    %get3A_105 = vector.load %arg7[%get3A_103, %get3A_104] : memref<64x128xf32, #tpu.memory_space<vmem>>, vector<64x128xf32>
    %dot_general3A_106 = arith.constant dense<0.000000e+00> : vector<4096x128xf32>
    %dot_general3A_107 = tpu.matmul %convert_element_type3A_50, %get3A_105, %dot_general3A_106 {dimension_numbers = #tpu.dot_dimension_numbers<[0], [0], [1], [1], [0, 1, 1, 1], [], []>, transpose_lhs_hint = false} : vector<64x4096xf32>, vector<64x128xf32>, vector<4096x128xf32> -> vector<4096x128xf32>
    %add3A_108 = arith.addf %add3A_102, %dot_general3A_107 : vector<4096x128xf32>
    %dot_general3A_109 = arith.constant dense<0.000000e+00> : vector<4096x128xf32>
    %dot_general3A_110 = tpu.matmul %convert_element_type3A_78, %dot_general3A_85, %dot_general3A_109 {dimension_numbers = #tpu.dot_dimension_numbers<[0], [0], [1], [1], [0, 1, 1, 1], [], []>, transpose_lhs_hint = false} : vector<40x4096xf32>, vector<40x128xf32>, vector<4096x128xf32> -> vector<4096x128xf32>
    %add3A_111 = arith.addf %add3A_108, %dot_general3A_110 : vector<4096x128xf32>
    %get3A_112 = arith.constant 0 : index
    %get3A_113 = arith.constant 0 : index
    %get3A_114 = vector.load %arg2[%get3A_112, %get3A_113] : memref<3x4096xf32, #tpu.memory_space<vmem>>, vector<3x4096xf32>
    %get3A_115 = arith.constant 0 : index
    %get3A_116 = arith.constant 0 : index
    %get3A_117 = vector.load %arg10[%get3A_115, %get3A_116] : memref<3x128xf32, #tpu.memory_space<vmem>>, vector<3x128xf32>
    %dot_general3A_118 = arith.constant dense<0.000000e+00> : vector<4096x128xf32>
    %dot_general3A_119 = tpu.matmul %get3A_114, %get3A_117, %dot_general3A_118 {dimension_numbers = #tpu.dot_dimension_numbers<[0], [0], [1], [1], [0, 1, 1, 1], [], []>, transpose_lhs_hint = false} : vector<3x4096xf32>, vector<3x128xf32>, vector<4096x128xf32> -> vector<4096x128xf32>
    %add3A_120 = arith.addf %add3A_111, %dot_general3A_119 : vector<4096x128xf32>
    %max3A = arith.constant 0.000000e+00 : f32
    %max3A_121 = vector.broadcast %max3A : f32 to vector<4096x128xf32>
    %max3A_122 = arith.maximumf %add3A_120, %max3A_121 : vector<4096x128xf32>
    %get3A_123 = arith.constant 0 : index
    %get3A_124 = arith.constant 0 : index
    %get3A_125 = vector.load %arg11[%get3A_123, %get3A_124] : memref<4x128xf32, #tpu.memory_space<vmem>>, vector<1x128xf32>
    %get3A_126 = vector.shape_cast %get3A_125 : vector<1x128xf32> to vector<128xf32>
    %get3A_127 = arith.constant 3 : index
    %get3A_128 = arith.constant 0 : index
    %get3A_129 = vector.load %arg11[%get3A_127, %get3A_128] : memref<4x128xf32, #tpu.memory_space<vmem>>, vector<1x128xf32>
    %get3A_130 = vector.shape_cast %get3A_129 : vector<1x128xf32> to vector<128xf32>
    %add3A_131 = arith.constant 1.000000e-03 : f32
    %add3A_132 = vector.broadcast %add3A_131 : f32 to vector<128xf32>
    %add3A_133 = arith.addf %get3A_130, %add3A_132 : vector<128xf32>
    %rsqrt3A = math.rsqrt %add3A_133 : vector<128xf32>
    %mul3A_134 = arith.mulf %get3A_126, %rsqrt3A : vector<128xf32>
    %get3A_135 = arith.constant 1 : index
    %get3A_136 = arith.constant 0 : index
    %get3A_137 = vector.load %arg11[%get3A_135, %get3A_136] : memref<4x128xf32, #tpu.memory_space<vmem>>, vector<1x128xf32>
    %get3A_138 = vector.shape_cast %get3A_137 : vector<1x128xf32> to vector<128xf32>
    %get3A_139 = arith.constant 2 : index
    %get3A_140 = arith.constant 0 : index
    %get3A_141 = vector.load %arg11[%get3A_139, %get3A_140] : memref<4x128xf32, #tpu.memory_space<vmem>>, vector<1x128xf32>
    %get3A_142 = vector.shape_cast %get3A_141 : vector<1x128xf32> to vector<128xf32>
    %mul3A_143 = arith.mulf %get3A_142, %mul3A_134 : vector<128xf32>
    %sub3A = arith.subf %get3A_138, %mul3A_143 : vector<128xf32>
    %broadcast_in_dim3A_144 = vector.shape_cast %mul3A_134 : vector<128xf32> to vector<1x128xf32>
    %mul3A_145 = vector.broadcast %broadcast_in_dim3A_144 : vector<1x128xf32> to vector<4096x128xf32>
    %mul3A_146 = arith.mulf %max3A_122, %mul3A_145 : vector<4096x128xf32>
    %broadcast_in_dim3A_147 = vector.shape_cast %sub3A : vector<128xf32> to vector<1x128xf32>
    %add3A_148 = vector.broadcast %broadcast_in_dim3A_147 : vector<1x128xf32> to vector<4096x128xf32>
    %add3A_149 = arith.addf %mul3A_146, %add3A_148 : vector<4096x128xf32>
    %get3A_150 = arith.constant 0 : index
    %get3A_151 = arith.constant 0 : index
    %get3A_152 = vector.load %arg13[%get3A_150, %get3A_151] : memref<128x64xf32, #tpu.memory_space<vmem>>, vector<128x64xf32>
    %dot_general3A_153 = arith.constant dense<0.000000e+00> : vector<4096x64xf32>
    %dot_general3A_154 = tpu.matmul %add3A_149, %get3A_152, %dot_general3A_153 {dimension_numbers = #tpu.dot_dimension_numbers<[1], [0], [0], [1], [0, 0, 1, 1], [], []>, transpose_lhs_hint = false} : vector<4096x128xf32>, vector<128x64xf32>, vector<4096x64xf32> -> vector<4096x64xf32>
    %get3A_155 = arith.constant 0 : index
    %get3A_156 = arith.constant 0 : index
    %get3A_157 = vector.load %arg12[%get3A_155, %get3A_156] : memref<5x64xf32, #tpu.memory_space<vmem>>, vector<1x64xf32>
    %get3A_158 = vector.shape_cast %get3A_157 : vector<1x64xf32> to vector<64xf32>
    %broadcast_in_dim3A_159 = vector.shape_cast %get3A_158 : vector<64xf32> to vector<1x64xf32>
    %add3A_160 = vector.broadcast %broadcast_in_dim3A_159 : vector<1x64xf32> to vector<4096x64xf32>
    %add3A_161 = arith.addf %dot_general3A_154, %add3A_160 : vector<4096x64xf32>
    %max3A_162 = arith.constant 0.000000e+00 : f32
    %max3A_163 = vector.broadcast %max3A_162 : f32 to vector<4096x64xf32>
    %max3A_164 = arith.maximumf %add3A_161, %max3A_163 : vector<4096x64xf32>
    %get3A_165 = arith.constant 1 : index
    %get3A_166 = arith.constant 0 : index
    %get3A_167 = vector.load %arg12[%get3A_165, %get3A_166] : memref<5x64xf32, #tpu.memory_space<vmem>>, vector<1x64xf32>
    %get3A_168 = vector.shape_cast %get3A_167 : vector<1x64xf32> to vector<64xf32>
    %get3A_169 = arith.constant 4 : index
    %get3A_170 = arith.constant 0 : index
    %get3A_171 = vector.load %arg12[%get3A_169, %get3A_170] : memref<5x64xf32, #tpu.memory_space<vmem>>, vector<1x64xf32>
    %get3A_172 = vector.shape_cast %get3A_171 : vector<1x64xf32> to vector<64xf32>
    %add3A_173 = arith.constant 1.000000e-03 : f32
    %add3A_174 = vector.broadcast %add3A_173 : f32 to vector<64xf32>
    %add3A_175 = arith.addf %get3A_172, %add3A_174 : vector<64xf32>
    %rsqrt3A_176 = math.rsqrt %add3A_175 : vector<64xf32>
    %mul3A_177 = arith.mulf %get3A_168, %rsqrt3A_176 : vector<64xf32>
    %get3A_178 = arith.constant 2 : index
    %get3A_179 = arith.constant 0 : index
    %get3A_180 = vector.load %arg12[%get3A_178, %get3A_179] : memref<5x64xf32, #tpu.memory_space<vmem>>, vector<1x64xf32>
    %get3A_181 = vector.shape_cast %get3A_180 : vector<1x64xf32> to vector<64xf32>
    %get3A_182 = arith.constant 3 : index
    %get3A_183 = arith.constant 0 : index
    %get3A_184 = vector.load %arg12[%get3A_182, %get3A_183] : memref<5x64xf32, #tpu.memory_space<vmem>>, vector<1x64xf32>
    %get3A_185 = vector.shape_cast %get3A_184 : vector<1x64xf32> to vector<64xf32>
    %mul3A_186 = arith.mulf %get3A_185, %mul3A_177 : vector<64xf32>
    %sub3A_187 = arith.subf %get3A_181, %mul3A_186 : vector<64xf32>
    %broadcast_in_dim3A_188 = vector.shape_cast %mul3A_177 : vector<64xf32> to vector<1x64xf32>
    %mul3A_189 = vector.broadcast %broadcast_in_dim3A_188 : vector<1x64xf32> to vector<4096x64xf32>
    %mul3A_190 = arith.mulf %max3A_164, %mul3A_189 : vector<4096x64xf32>
    %broadcast_in_dim3A_191 = vector.shape_cast %sub3A_187 : vector<64xf32> to vector<1x64xf32>
    %add3A_192 = vector.broadcast %broadcast_in_dim3A_191 : vector<1x64xf32> to vector<4096x64xf32>
    %add3A_193 = arith.addf %mul3A_190, %add3A_192 : vector<4096x64xf32>
    %mul3A_194 = arith.mulf %add3A_193, %add3A_193 : vector<4096x64xf32>
    %reduce_sum3A = arith.constant dense<0.000000e+00> : vector<4096xf32>
    %reduce_sum3A_195 = vector.multi_reduction <add>, %mul3A_194, %reduce_sum3A [1] : vector<4096x64xf32> to vector<4096xf32>
    %broadcast_in_dim3A_196 = vector.shape_cast %reduce_sum3A_195 : vector<4096xf32> to vector<4096x1xf32>
    %max3A_197 = arith.constant 9.99999996E-13 : f32
    %max3A_198 = vector.broadcast %max3A_197 : f32 to vector<4096x1xf32>
    %max3A_199 = arith.maximumf %broadcast_in_dim3A_196, %max3A_198 : vector<4096x1xf32>
    %rsqrt3A_200 = math.rsqrt %max3A_199 : vector<4096x1xf32>
    %mul3A_201 = vector.broadcast %rsqrt3A_200 : vector<4096x1xf32> to vector<4096x64xf32>
    %mul3A_202 = arith.mulf %add3A_193, %mul3A_201 : vector<4096x64xf32>
    %transpose3A = tpu.transpose %mul3A_202, [1, 0] : vector<4096x64xf32> -> vector<64x4096xf32>
    %swap3A = arith.constant 0 : index
    %swap3A_203 = arith.constant 0 : index
    %swap3A_204 = vector.load %arg14[%swap3A, %swap3A_203] : memref<64x4096xf32, #tpu.memory_space<vmem>>, vector<64x4096xf32>
    tpu.vector_store %arg14[%swap3A, %swap3A_203], %transpose3A {strides = array<i32>} : memref<64x4096xf32, #tpu.memory_space<vmem>>, vector<64x4096xf32>,
    return
  }
  func.func @transform_0(%arg0: i32) -> (i32, i32) {
    %c0_i32 = arith.constant 0 : i32
    %c0_i32_0 = arith.constant 0 : i32
    return %c0_i32, %arg0 : i32, i32
  }
  func.func @transform_1(%arg0: i32) -> (i32, i32) {
    %c0_i32 = arith.constant 0 : i32
    %c0_i32_0 = arith.constant 0 : i32
    return %c0_i32, %arg0 : i32, i32
  }
  func.func @transform_2(%arg0: i32) -> (i32, i32) {
    %c0_i32 = arith.constant 0 : i32
    %c0_i32_0 = arith.constant 0 : i32
    return %arg0, %c0_i32 : i32, i32
  }
  func.func @transform_3(%arg0: i32) -> (i32, i32) {
    %c0_i32 = arith.constant 0 : i32
    %c0_i32_0 = arith.constant 0 : i32
    return %c0_i32, %arg0 : i32, i32
  }
  func.func @transform_4(%arg0: i32) -> (i32, i32) {
    %c0_i32 = arith.constant 0 : i32
    %c0_i32_0 = arith.constant 0 : i32
    %c0_i32_1 = arith.constant 0 : i32
    return %c0_i32, %c0_i32_0 : i32, i32
  }
  func.func @transform_5(%arg0: i32) -> (i32, i32) {
    %c0_i32 = arith.constant 0 : i32
    %c0_i32_0 = arith.constant 0 : i32
    %c0_i32_1 = arith.constant 0 : i32
    return %c0_i32, %c0_i32_0 : i32, i32
  }
  func.func @transform_6(%arg0: i32) -> (i32, i32) {
    %c0_i32 = arith.constant 0 : i32
    %c0_i32_0 = arith.constant 0 : i32
    %c0_i32_1 = arith.constant 0 : i32
    return %c0_i32, %c0_i32_0 : i32, i32
  }
  func.func @transform_7(%arg0: i32) -> (i32, i32) {
    %c0_i32 = arith.constant 0 : i32
    %c0_i32_0 = arith.constant 0 : i32
    %c0_i32_1 = arith.constant 0 : i32
    return %c0_i32, %c0_i32_0 : i32, i32
  }
  func.func @transform_8(%arg0: i32) -> (i32, i32) {
    %c0_i32 = arith.constant 0 : i32
    %c0_i32_0 = arith.constant 0 : i32
    %c0_i32_1 = arith.constant 0 : i32
    return %c0_i32, %c0_i32_0 : i32, i32
  }
  func.func @transform_9(%arg0: i32) -> (i32, i32) {
    %c0_i32 = arith.constant 0 : i32
    %c0_i32_0 = arith.constant 0 : i32
    %c0_i32_1 = arith.constant 0 : i32
    return %c0_i32, %c0_i32_0 : i32, i32
  }
  func.func @transform_10(%arg0: i32) -> (i32, i32) {
    %c0_i32 = arith.constant 0 : i32
    %c0_i32_0 = arith.constant 0 : i32
    %c0_i32_1 = arith.constant 0 : i32
    return %c0_i32, %c0_i32_0 : i32, i32
  }
  func.func @transform_11(%arg0: i32) -> (i32, i32) {
    %c0_i32 = arith.constant 0 : i32
    %c0_i32_0 = arith.constant 0 : i32
    %c0_i32_1 = arith.constant 0 : i32
    return %c0_i32, %c0_i32_0 : i32, i32
  }
  func.func @transform_12(%arg0: i32) -> (i32, i32) {
    %c0_i32 = arith.constant 0 : i32
    %c0_i32_0 = arith.constant 0 : i32
    %c0_i32_1 = arith.constant 0 : i32
    return %c0_i32, %c0_i32_0 : i32, i32
  }
  func.func @transform_13(%arg0: i32) -> (i32, i32) {
    %c0_i32 = arith.constant 0 : i32
    %c0_i32_0 = arith.constant 0 : i32
    return %c0_i32, %arg0 : i32, i32
  }
}

</mosaic_0001>

<sc_bundles>
// kernel: kernel.4.cloned.1.call-start
scs
__scs_entry_jumppad:
0x0: {  	(pc) =	sbr.rel $0x88, $3  }
0x1: {  	(tag) =	ssettag $0x0;
	lr =	simm.s32 $0x1  }
0x2: {  	[smem:$0x3F88] =	sst lr;
	_ =	strace $0xD0000000  }
0x3: {  	_ = 	snop  }
0x4: {  	_ = 	snop  }
0x5: {  	_ = 	snop  }
0x6: {  	_ = 	snop  }
0x7: {  	_ = 	snop  }
__scs_overlays_trampoline_lowered:
0x8: {  	[smem:$0x3F97] =	sst s0  }
0x9: {  	[smem:$0x3F98] =	sst s1  }
0xa: {  	[smem:$0x3F99] =	sst s2  }
0xb: {  	[smem:$0x3F9A] =	sst s3  }
0xc: {  	[smem:$0x3F9B] =	sst s4  }
0xd: {  	[smem:$0x3F9C] =	sst s5  }
0xe: {  	[smem:$0x3F9D] =	sst s6  }
0xf: {  	[smem:$0x3F9E] =	sst s7  }
0x10: {  	[smem:$0x3F9F] =	sst s8  }
0x11: {  	[smem:$0x3FA0] =	sst s9;
	s0 =	simm.s32 @!p0 $0x0  }
0x12: {  	s1 =	sld [smem:$0x3F86];
	s0 =	simm.s32 @p0 $0x1  }
0x13: {  	[smem:$0x3FA1] =	sst s0;
	s0 =	simm.s32 @!p1 $0x0  }
0x14: {  	s2 =	sld [smem:$0x3F85];
	s0 =	simm.s32 @p1 $0x1  }
0x15: {  	[smem:$0x3FA2] =	sst s0;
	s0 =	simm.s32 @!p2 $0x0  }
0x16: {  	s3 =	sld [smem:$0x3FDB];
	s0 =	simm.s32 @p2 $0x1  }
0x17: {  	s4 =	simm.s32 $0x1BF5;
	[smem:$0x3FA4] =	sst s0  }
0x18: {  	s0 =	sld [smem:$0x3F87];
	_ =	swait.ge [sflag:s4], $0x0  }
0x19: {  	s7 =	sld [smem:$0x3F88]  }
0x1a: {  	s8 =	sadd.s32 $0xFFFFE003, lr  }
0x1b: {  	s9 =	sadd.s32 $0xFFFFFEF7, lr;
	s5 =	simm.s32 $0xFFFFFFFF;
	p2 =	slt.u32 s8, $0xFFFFF086  }
0x1c: {  	p1 =	slt.u32 s9, $0xF7A;
	s5 =	simm.s32 @!p2 $0x0  }
0x1d: {  	s5 =	simm.s32 @p1 $0x1;
	p0 =	seq.s32 s7, s2  }
0x1e: {  	s7 =	smul.u32 @!p0 $0xF7A, s2;
	p2 =	seq.s32 @!p0 s5, $0x0  }
0x1f: {  	s9 =	smul.u32 $0xF7A, s1;
	s8 =	simm.s32 @!p0 $0x1BF5;
	p2 =	por !p2, p0  }
0x20: {  	[sflag:s8] =	ssyncset.s32 @!p0 $0xFFFFF086;
	s6 =	sadd.s32 @!p0 s3, s7;
	s7 =	simm.s32 @!p0 $0x108  }
0x21: {  	s3 =	sadd.s32 s3, s9;
	s6 =	sadd.s32 @!p0 $0x88, s6;
	s7 =	simm.s32 @p2 $0x1082  }
0x22: {  	[simem:s7], [sflag:s8] =	dma.local @!p0 [hbm:s6], $0xF7A  }
0x23: {  	s9 =	sor.u32 $0xD0000000, s2;
	s6 =	simm.s32 $0x108;
	_ =	swait.ge @!p0 [sflag:s8], $0x0  }
0x24: {  	s3 =	sadd.s32 $0x88, s3;
	s6 =	simm.s32 @!p1 $0x1082;
	[sflag:s4] =	ssyncset.s32 $0xFFFFF086  }
0x25: {  	[simem:s6], [sflag:s4] =	dma.local [hbm:s3], $0xF7A  }
0x26: {  	[smem:$0x3F88] =	sst s1;
	(tag) =	ssettag s2;
	_ =	strace s9  }
0x27: {  	s1 =	sld [smem:$0x3F98]  }
0x28: {  	s2 =	sld [smem:$0x3F99]  }
0x29: {  	s4 =	sld [smem:$0x3F9B]  }
0x2a: {  	p0 =	seq.s32 s5, $0x0;
	s5 =	sld [smem:$0x3F9C]  }
0x2b: {  	s6 =	sld [smem:$0x3F9D]  }
0x2c: {  	s7 =	sld [smem:$0x3F9E]  }
0x2d: {  	s3 =	simm.s32 $0x108;
	s8 =	sld [smem:$0x3F9F]  }
0x2e: {  	s3 =	simm.s32 @!p0 $0x1082;
	s9 =	sld [smem:$0x3FA0]  }
0x2f: {  	lr =	sadd.s32 s0, s3;
	s0 =	sld [smem:$0x3F97]  }
0x30: {  	s3 =	sld [smem:$0x3F9A]  }
0x31: {  	[smem:$0x3FA3] =	sst s10  }
0x32: {  	s10 =	sld [smem:$0x3FA1];
	_ =	sdelay $0x3  }
0x33: {  	p0 =	seq.s32 s10, $0x1;
	s10 =	sld [smem:$0x3FA3];
	_ =	sdelay $0x3  }
0x34: {  	[smem:$0x3FA3] =	sst s10  }
0x35: {  	s10 =	sld [smem:$0x3FA2];
	_ =	sdelay $0x3  }
0x36: {  	p1 =	seq.s32 s10, $0x1;
	s10 =	sld [smem:$0x3FA3];
	_ =	sdelay $0x3  }
0x37: {  	[smem:$0x3FA3] =	sst s10  }
0x38: {  	s10 =	sld [smem:$0x3FA4]  }
0x39: {  	_ = 	snop;
	(pc) =	sbr.ind lr, $3  }
0x3a: {  	_ = 	snop  }
0x3b: {  	_ = 	snop  }
0x3c: {  	p2 =	seq.s32 s10, $0x1;
	s10 =	sld [smem:$0x3FA3]  }
0x3d: {  	_ =	shalt  }
0x3e: {  	_ =	shalt  }
0x3f: {  	_ =	shalt  }
0x40: {  	_ =	shalt  }
0x41: {  	_ =	shalt  }
0x42: {  	_ =	shalt  }
0x43: {  	_ =	shalt  }
0x44: {  	_ =	shalt  }
0x45: {  	_ =	shalt  }
0x46: {  	_ =	shalt  }
0x47: {  	_ =	shalt  }
0x48: {  	_ =	shalt  }
0x49: {  	_ =	shalt  }
0x4a: {  	_ =	shalt  }
0x4b: {  	_ =	shalt  }
0x4c: {  	_ =	shalt  }
0x4d: {  	_ =	shalt  }
0x4e: {  	_ =	shalt  }
0x4f: {  	_ =	shalt  }
0x50: {  	_ =	shalt  }
0x51: {  	_ =	shalt  }
0x52: {  	_ =	shalt  }
0x53: {  	_ =	shalt  }
0x54: {  	_ =	shalt  }
0x55: {  	_ =	shalt  }
0x56: {  	_ =	shalt  }
0x57: {  	_ =	shalt  }
0x58: {  	_ =	shalt  }
0x59: {  	_ =	shalt  }
0x5a: {  	_ =	shalt  }
0x5b: {  	_ =	shalt  }
0x5c: {  	_ =	shalt  }
0x5d: {  	_ =	shalt  }
0x5e: {  	_ =	shalt  }
0x5f: {  	_ =	shalt  }
0x60: {  	_ =	shalt  }
0x61: {  	_ =	shalt  }
0x62: {  	_ =	shalt  }
0x63: {  	_ =	shalt  }
0x64: {  	_ =	shalt  }
0x65: {  	_ =	shalt  }
0x66: {  	_ =	shalt  }
0x67: {  	_ =	shalt  }
0x68: {  	_ =	shalt  }
0x69: {  	_ =	shalt  }
0x6a: {  	_ =	shalt  }
0x6b: {  	_ =	shalt  }
0x6c: {  	_ =	shalt  }
0x6d: {  	_ =	shalt  }
0x6e: {  	_ =	shalt  }
0x6f: {  	_ =	shalt  }
0x70: {  	_ =	shalt  }
0x71: {  	_ =	shalt  }
0x72: {  	_ =	shalt  }
0x73: {  	_ =	shalt  }
0x74: {  	_ =	shalt  }
0x75: {  	_ =	shalt  }
0x76: {  	_ =	shalt  }
0x77: {  	_ =	shalt  }
0x78: {  	_ =	shalt  }
0x79: {  	_ =	shalt  }
0x7a: {  	_ =	shalt  }
0x7b: {  	_ =	shalt  }
0x7c: {  	_ =	shalt  }
0x7d: {  	_ =	shalt  }
0x7e: {  	_ =	shalt  }
0x7f: {  	_ =	shalt  }
0x80: {  	_ =	shalt  }
0x81: {  	_ =	shalt  }
0x82: {  	_ =	shalt  }
0x83: {  	_ =	shalt  }
0x84: {  	_ =	shalt  }
0x85: {  	_ =	shalt  }
0x86: {  	_ =	shalt  }
0x87: {  	_ =	shalt  }
.Lfunc_end0:
.L_simem_size_0:
called_computation_lowered:
.L_overlay_start_0:
0x88: {  	s2 =	sld [smem:$0x3FD9]  }
0x89: {  	s3 =	sld [smem:$0x3FFE];
	_ =	sdelay $0x1  }
0x8a: {  	s1 =	srdreg.scid  }
0x8b: {  	s0 =	sand.u32 $0x1, s1  }
0x8c: {  	s17 =	sshll.u32 s0, $0xA;
	s2 =	sadd.s32 s3, s2  }
0x8d: {  	s2 =	sadd.s32 s2, s17  }
0x8e: {  	[smem:$0x3FAF] =	sst s2  }
0x8f: {  	_ = 	snop  }
0x90: {  	s2 =	sld [smem:$0x3FC8]  }
0x91: {  	s18 =	sld [smem:$0x3FC6]  }
0x92: {  	s4 =	sld [smem:$0x3FBF]  }
0x93: {  	s5 =	sld [smem:$0x3FBE]  }
0x94: {  	s6 =	sld [smem:$0x3FD0];
	(tm) =	ssettm $0x1  }
0x95: {  	s7 =	sld [smem:$0x3FFB];
	_ =	sdelay $0x3  }
0x96: {  	_ =	strace s7  }
0x97: {  	s7 =	sld [smem:$0x3FFC];
	_ =	sdelay $0x3  }
0x98: {  	_ =	strace s7  }
0x99: {  	s7 =	sld [smem:$0x3FFD];
	_ =	sdelay $0x3  }
0x9a: {  	_ =	strace s7  }
0x9b: {  	_ =	strace $0x8FFFFFFF  }
0x9c: {  	s19 =	sld [smem:$0x3FDB];
	_ =	sdelay $0x1  }
0x9d: {  	s8 =	simm.s32 $_scs_section_size  }
0x9e: {  	s9 =	simm.s32 $_size__tile_overlayer_lowered;
	s10 =	simm.s32 $_tile_overlayer_lowered  }
0x9f: {  	s22 =	simm.s32 $0x1BFF;
	s21 =	sshll.u32 s10, $0x1;
	s7 =	sadd.s32 s8, s19  }
0xa0: {  	s11 =	simm.s32 $0x0;
	s20 =	sshll.u32 s9, $0x1;
	s9 =	sadd.s32 s21, s7  }
0xa1: {  	[timem:s11], [sflag:s22] =	dma.local [hbm:s9], s20  }
0xa2: {  	_ =	swait.ge [sflag:s22], s20  }
0xa3: {  	s8 =	ssub.s32 $0x0, s20;
	[sflag:s22] =	ssyncset.done $0x0  }
0xa4: {  	[sflag:s22] =	ssyncadd.s32 s8;
	_ =	sdelay $0x1  }
0xa5: {  	s23 =	simm.s32 $0x1B8B  }
0xa6: {  	_ =	swait.ge [sflag:s23], $0x1  }
0xa7: {  	[sflag:s23] =	ssyncset.done $0x0  }
0xa8: {  	s25 =	simm.s32 $0x1B8E;
	s24 =	sld [smem:$0x3FFE];
	[sflag:s23] =	ssyncadd.s32 $0xFFFFFFFF  }
0xa9: {  	s26 =	simm.s32 $execute0_lowered;
	[smem:$0x3FD2] =	sst s25  }
0xaa: {  	s9 =	sshll.u32 s26, $0x1;
	_ =	strace $0x80000046;
	[dreg:$0x1] =	wrdreg $0xFFFFFFFF  }
0xab: {  	s28 =	simm.s32 $_size_execute0_lowered;
	s7 =	sadd.s32 s7, s9;
	[dreg:$0x0] =	wrdreg $0x0  }
0xac: {  	s9 =	sshll.u32 s28, $0x1;
	[dreg:$0x2] =	wrdreg s7  }
0xad: {  	[dreg:$0x3] =	wrdreg s9  }
0xae: {  	[dreg:$0x4] =	wrdreg $0xC0  }
0xaf: {  	_ =	task [dreg:s11], $0x5FFFF  }
0xb0: {  	[dreg:$0x1] =	wrdreg $0xFFFFFFFF  }
0xb1: {  	[dreg:$0x0] =	wrdreg $0x60  }
0xb2: {  	[dreg:$0x2] =	wrdreg s2  }
0xb3: {  	[dreg:$0x3] =	wrdreg s18  }
0xb4: {  	[dreg:$0x4] =	wrdreg s4  }
0xb5: {  	[dreg:$0x5] =	wrdreg s5  }
0xb6: {  	[dreg:$0x6] =	wrdreg s24  }
0xb7: {  	[dreg:$0x7] =	wrdreg s6  }
0xb8: {  	[dreg:$0x8] =	wrdreg $0x9  }
0xb9: {  	_ =	task.clear_ibuf [dreg:s11], $0x9FFFF;
	_ =	strace $0x90000046  }
0xba: {  	s29 =	simm.s32 $0x9;
	_ =	strace $0x80000048  }
0xbb: {  	_ =	swait.ge [sflag:s29], $0x1  }
0xbc: {  	[sflag:s29] =	ssyncadd.s32 $0xFFFFFFFF  }
0xbd: {  	_ =	strace $0x90000048  }
0xbe: {  	_ =	sfence  }
0xbf: {  	s30 =	sld [smem:$0x0];
	_ =	sdelay $0x2  }
0xc0: {  	s31 =	sshll.u32 s1, $0xD;
	s1 =	sshrl.u32 s1, $0x2  }
0xc1: {  	s3 =	sand.u32 $0x4000, s31;
	s1 =	sadd.s32 s1, s30  }
0xc2: {  	s0 =	sor.u32 s3, s0;
	s1 =	sshll.u32 s1, $0x11  }
0xc3: {  	s0 =	sor.u32 s1, s0  }
0xc4: {  	s0 =	sadd.s32 $0x8F2B, s0  }
0xc5: {  	[sflag:s0] =	ssyncadd.remote.s32 $0x1  }
0xc6: {  	_ =	sfence.sel $0xFFFF  }
0xc7: {  	[dreg:$0x0] =	wrdreg $0xFFFFFFFF;
	(pc) =	sbr.abs _section_cstart, $3  }
0xc8: {  	[dreg:$0x1] =	wrdreg $0xFFFFFFFF  }
0xc9: {  	_ =	task.clear_ibuf [dreg:s11], $0x2FFFF;
	_ =	strace $0x9FFFFFFF  }
0xca: {  	(tm) =	ssettm $0x7FFFFFFF  }
0xcb: {  	_ =	shalt  }
tec
execute0_lowered:
.L_overlay_start_1:
0x0: {  	(tag) =	ssettag $0x1  }
0x1: {  	s0 =	rddreg [dreg:$0x0]  }
0x2: {  	s1 =	rddreg [dreg:$0x1]  }
0x3: {  	s2 =	rddreg [dreg:$0x2]  }
0x4: {  	s4 =	rddreg [dreg:$0x3];
	s3 =	srdreg.scid  }
0x5: {  	s10 =	stileid.u32;
	s5 =	rddreg [dreg:$0x4]  }
0x6: {  	s8 =	rddreg [dreg:$0x5];
	s28 =	simm.s32 $0x0;
	s6 =	sand.u32 $0x1, s3  }
0x7: {  	s7 =	sshll.u32 s10, $0x1;
	s3 =	simm.s32 $0x0;
	s14 =	sshrl.u32 s10, $0x1  }
0x8: {  	s20 =	sadd.s32 $0x800, s8;
	s22 =	sadd.s32 $0x1000, s8;
	s23 =	sadd.s32 $0x1800, s8  }
0x9: {  	s25 =	sadd.s32 $0x2000, s8;
	s26 =	sadd.s32 $0x2800, s8;
	s29 =	sadd.s32 $0x3000, s8  }
0xa: {  	s7 =	sor.u32 s6, s7;
	[smem:$0x7FF] =	sst s3;
	s6 =	ssub.s32 $0x2, s6  }
0xb: {  	s12 =	smul.u32 $0xC3800, s14;
	s9 =	sshll.u32 s7, $0xD;
	s11 =	sshll.u32 s7, $0x8  }
0xc: {  	s15 =	sshrl.u32 s6, $0x1;
	s7 =	sshll.u32 s7, $0x6;
	s16 =	sand.u32 $0x300, s11  }
0xd: {  	s5 =	sadd.s32 s9, s5;
	s9 =	sshll.u32 s14, $0x11;
	s11 =	sor.u32 s12, s16  }
0xe: {  	s0 =	sadd.s32 s0, s7;
	s13 =	sor.u32 s9, s16;
	s17 =	sshrl.u32 s11, $0x3  }
0xf: {  	[dreg:$0x7] =	wrdreg s0;
	s18 =	sshrl.u32 s13, $0x3;
	s0 =	sadd.s32 s4, s17  }
0x10: {  	s6 =	ssub.s32 s6, s15;
	s19 =	sadd.s32 s8, s18;
	[dreg:$0x8] =	wrdreg s0  }
0x11: {  	s10 =	sor.u32 $0x80, s16;
	s21 =	sadd.s32 s18, s20;
	[dreg:$0x9] =	wrdreg s19  }
0x12: {  	s12 =	sor.u32 s12, s10;
	s14 =	sadd.s32 s18, s22;
	[dreg:$0xa] =	wrdreg s21  }
0x13: {  	s9 =	sor.u32 s9, s10;
	s24 =	sadd.s32 s18, s23;
	[dreg:$0xb] =	wrdreg s14  }
0x14: {  	s10 =	sadd.s32 $0x3800, s8;
	s15 =	sadd.s32 s18, s25;
	[dreg:$0xc] =	wrdreg s24  }
0x15: {  	s11 =	simm.s32 $0x5;
	s16 =	sadd.s32 s18, s26;
	[dreg:$0xd] =	wrdreg s15  }
0x16: {  	s13 =	simm.s32 $0x400;
	s30 =	sadd.s32 s18, s29;
	[dreg:$0xe] =	wrdreg s16  }
0x17: {  	s31 =	sshrl.u32 s12, $0x3;
	s7 =	sadd.s32 s18, s10;
	[dreg:$0xf] =	wrdreg s30  }
0x18: {  	s9 =	sshrl.u32 s9, $0x3;
	s4 =	sadd.s32 s4, s31;
	[dreg:$0x11] =	wrdreg s7  }
0x19: {  	s12 =	sadd.s32 s8, s9;
	s0 =	sadd.s32 s9, s20;
	s17 =	sadd.s32 s9, s22  }
0x1a: {  	s18 =	sadd.s32 s9, s23;
	s19 =	sadd.s32 s9, s25;
	[dreg:$0x10] =	wrdreg s4  }
0x1b: {  	s20 =	sadd.s32 s9, s26;
	s21 =	sadd.s32 s9, s29;
	[dreg:$0x12] =	wrdreg s12  }
0x1c: {  	s22 =	sadd.s32 s9, s10;
	s23 =	sadd.s32 $0x3E00, s5;
	[dreg:$0x13] =	wrdreg s0  }
0x1d: {  	s24 =	sadd.s32 $0x4200, s5;
	s25 =	sadd.s32 $0x4600, s5;
	[dreg:$0x14] =	wrdreg s17  }
0x1e: {  	s26 =	sadd.s32 $0x4A00, s5;
	s29 =	sadd.s32 $0x4E00, s5;
	[dreg:$0x15] =	wrdreg s18  }
0x1f: {  	s30 =	sadd.s32 $0x5200, s5;
	s31 =	sadd.s32 $0x5600, s5;
	[dreg:$0x16] =	wrdreg s19  }
0x20: {  	s16 =	sadd.s32 $0x5A00, s5;
	s5 =	sadd.s32 $0x200, s1;
	[dreg:$0x17] =	wrdreg s20  }
0x21: {  	s7 =	sadd.s32 $0x400, s1;
	s8 =	sadd.s32 $0x500, s1;
	[dreg:$0x18] =	wrdreg s21  }
0x22: {  	s9 =	sadd.s32 $0x600, s1;
	s10 =	sadd.s32 $0x700, s1;
	[dreg:$0x19] =	wrdreg s22  }
0x23: {  	s14 =	simm.s32 $0x1200;
	_ =	strace $0x80000047;
	[dreg:$0x1a] =	wrdreg s23  }
0x24: {  	s15 =	simm.s32 $0x200;
	s0 =	smax.u32 s6, $0x1;
	[dreg:$0x1b] =	wrdreg s24  }
0x25: {  	s4 =	sadd.s32 $0x100, s1;
	s6 =	sadd.s32 $0x300, s1;
	[dreg:$0x1c] =	wrdreg s25  }
0x26: {  	s12 =	simm.s32 $0x80;
	s17 =	simm.s32 $0xA00;
	[dreg:$0x1d] =	wrdreg s26  }
0x27: {  	s18 =	simm.s32 $0x40;
	s19 =	simm.s32 $0x1A900;
	[dreg:$0x1e] =	wrdreg s29  }
0x28: {  	s20 =	simm.s32 $0x1C900;
	s21 =	simm.s32 $0x1;
	[dreg:$0x1f] =	wrdreg s30  }
0x29: {  	s22 =	simm.s32 $0x2;
	[smem:$0x7FD] =	sst s31;
	s23 =	simm.s32 $0x3  }
0x2a: {  	s24 =	simm.s32 $0x19900;
	s25 =	simm.s32 $0x1A100;
	s26 =	simm.s32 $0x4  }
.LBB2_1:
0x2b: {  	s29 =	rddreg [dreg:$0x7]  }
0x2c: {  	[tilespmem:s3], [sflag:$0x5] =	stream.linear.gather [hbm4b:s29+s3], $0x200, $0x38;
	[tilespmem:$0x1E900] =	vst v63  }
0x2d: {  	_ =	swait.ge [sflag:s11], $0x200  }
0x2e: {  	[sflag:s11] =	ssyncset.done $0x0  }
0x2f: {  	s29 =	rddreg [dreg:$0x8];
	[sflag:s11] =	ssyncadd.s32 $0xFFFFFE00  }
0x30: {  	[tilespmem:s14], [sflag:$0x2] =	stream.strided.gather [hbm4b:s29+s12], $0x18700, s13, s12, $0x38;
	[tilespmem:$0x1E900] =	vst v63  }
0x31: {  	_ = 	snop  }
0x32: {  	[tilespmem:s15], [sflag:$0x3] =	stream.linear.gather [hbm4b:s1+s3], $0x800, $0x38;
	[tilespmem:$0x1E900] =	vst v63  }
0x33: {  	_ = 	snop  }
0x34: {  	[tilespmem:s17], [sflag:$0x3] =	stream.linear.gather [hbm4b:s4+s3], $0x800, $0x38;
	[tilespmem:$0x1E900] =	vst v63  }
0x35: {  	_ = 	snop  }
0x36: {  	[tilespmem:s19], [sflag:$0x1] =	stream.indirect.gather [hbm4b:s2+s18], $0x80, s3, s18, $0xb8;
	[tilespmem:$0x1E900] =	vst v63  }
0x37: {  	_ = 	snop  }
0x38: {  	[tilespmem:s20], [sflag:$0x1] =	stream.indirect.gather [hbm4b:s2+s18], $0x80, s18, s18, $0xb8;
	[tilespmem:$0x1E900] =	vst v63  }
0x39: {  	_ =	swait.ge [sflag:s21], $0x2000  }
0x3a: {  	[sflag:s21] =	ssyncset.done $0x0  }
0x3b: {  	s29 =	rddreg [dreg:$0x1a];
	[sflag:s21] =	ssyncadd.s32 $0xFFFFE000  }
0x3c: {  	[hbm4b:s29+s3] =	stream.linear.scatter [tilespmem:s19], [sflag:$0x5], $0x2000, $0x38;
	[tilespmem:$0x1E900] =	vst v63  }
0x3d: {  	_ =	swait.ge [sflag:s11], $0x2000  }
0x3e: {  	[sflag:s11] =	ssyncset.done $0x0  }
0x3f: {  	[sflag:s11] =	ssyncadd.s32 $0xFFFFE000  }
0x40: {  	[tilespmem:s19], [sflag:$0x1] =	stream.indirect.gather [hbm4b:s2+s18], $0x80, s12, s18, $0xb8;
	[tilespmem:$0x1E900] =	vst v63  }
0x41: {  	_ =	swait.ge [sflag:s21], $0x2000  }
0x42: {  	[sflag:s21] =	ssyncset.done $0x0  }
0x43: {  	s29 =	rddreg [dreg:$0x1b];
	[sflag:s21] =	ssyncadd.s32 $0xFFFFE000  }
0x44: {  	[hbm4b:s29+s3] =	stream.linear.scatter [tilespmem:s20], [sflag:$0x5], $0x2000, $0x38;
	[tilespmem:$0x1E900] =	vst v63  }
0x45: {  	_ =	swait.ge [sflag:s11], $0x2000  }
0x46: {  	[sflag:s11] =	ssyncset.done $0x0  }
0x47: {  	s29 =	simm.s32 $0xC0;
	[sflag:s11] =	ssyncadd.s32 $0xFFFFE000  }
0x48: {  	[tilespmem:s20], [sflag:$0x1] =	stream.indirect.gather [hbm4b:s2+s18], $0x80, s29, s18, $0xb8;
	[tilespmem:$0x1E900] =	vst v63  }
0x49: {  	_ =	swait.ge [sflag:s21], $0x2000  }
0x4a: {  	[sflag:s21] =	ssyncset.done $0x0  }
0x4b: {  	s29 =	rddreg [dreg:$0x1c];
	[sflag:s21] =	ssyncadd.s32 $0xFFFFE000  }
0x4c: {  	[hbm4b:s29+s3] =	stream.linear.scatter [tilespmem:s19], [sflag:$0x5], $0x2000, $0x38;
	[tilespmem:$0x1E900] =	vst v63  }
0x4d: {  	_ =	swait.ge [sflag:s11], $0x2000  }
0x4e: {  	[sflag:s11] =	ssyncset.done $0x0  }
0x4f: {  	s29 =	simm.s32 $0x100;
	[sflag:s11] =	ssyncadd.s32 $0xFFFFE000  }
0x50: {  	[tilespmem:s19], [sflag:$0x1] =	stream.indirect.gather [hbm4b:s2+s18], $0x80, s29, s18, $0xb8;
	[tilespmem:$0x1E900] =	vst v63  }
0x51: {  	_ =	swait.ge [sflag:s21], $0x2000  }
0x52: {  	[sflag:s21] =	ssyncset.done $0x0  }
0x53: {  	s29 =	rddreg [dreg:$0x1d];
	[sflag:s21] =	ssyncadd.s32 $0xFFFFE000  }
0x54: {  	[hbm4b:s29+s3] =	stream.linear.scatter [tilespmem:s20], [sflag:$0x5], $0x2000, $0x38;
	[tilespmem:$0x1E900] =	vst v63  }
0x55: {  	_ =	swait.ge [sflag:s11], $0x2000  }
0x56: {  	[sflag:s11] =	ssyncset.done $0x0  }
0x57: {  	s29 =	simm.s32 $0x140;
	[sflag:s11] =	ssyncadd.s32 $0xFFFFE000  }
0x58: {  	[tilespmem:s20], [sflag:$0x1] =	stream.indirect.gather [hbm4b:s2+s18], $0x80, s29, s18, $0xb8;
	[tilespmem:$0x1E900] =	vst v63  }
0x59: {  	_ =	swait.ge [sflag:s22], $0x18700  }
0x5a: {  	[sflag:s22] =	ssyncset.done $0x0  }
0x5b: {  	[sflag:s22] =	ssyncadd.s32 $0xFFFE7900  }
0x5c: {  	_ =	swait.ge [sflag:s23], $0x800  }
0x5d: {  	[sflag:s23] =	ssyncset.done $0x0  }
0x5e: {  	s29 =	simm.s32 $0x280;
	[sflag:s23] =	ssyncadd.s32 $0xFFFFF800  }
0x5f: {  	v0 =	vld [tilespmem:s29+$0x70]  }
0x60: {  	v1 =	vld [tilespmem:s29+$0xFFFFFF90]  }
0x61: {  	v2 =	vld [tilespmem:s29+$0xFFFFFFA0]  }
0x62: {  	v3 =	vld [tilespmem:s29+$0xFFFFFFB0]  }
0x63: {  	v4 =	vld [tilespmem:s29+$0xFFFFFFC0]  }
0x64: {  	v5 =	vld [tilespmem:s29+$0xFFFFFFD0]  }
0x65: {  	v6 =	vld [tilespmem:s29+$0xFFFFFFE0]  }
0x66: {  	v7 =	vld [tilespmem:s29+$0xFFFFFFF0]  }
0x67: {  	v8 =	vld [tilespmem:s29+$0x0]  }
0x68: {  	v9 =	vld [tilespmem:s29+$0x10]  }
0x69: {  	v10 =	vld [tilespmem:s29+$0x20]  }
0x6a: {  	v11 =	vld [tilespmem:s29+$0x30]  }
0x6b: {  	v12 =	vld [tilespmem:s29+$0x40]  }
0x6c: {  	v13 =	vld [tilespmem:s29+$0x50]  }
0x6d: {  	v14 =	vld [tilespmem:s29+$0x60]  }
0x6e: {  	v15 =	vld [tilespmem:s29+$0xFFFFFF80]  }
0x6f: {  	v0 =	vld.idx.msk [tilespmem:v0+s14+$0x0], $0xffff  }
0x70: {  	v1 =	vld.idx.msk [tilespmem:v1+s14+$0x0], $0xffff  }
0x71: {  	v2 =	vld.idx.msk [tilespmem:v2+s14+$0x0], $0xffff  }
0x72: {  	v3 =	vld.idx.msk [tilespmem:v3+s14+$0x0], $0xffff  }
0x73: {  	v4 =	vld.idx.msk [tilespmem:v4+s14+$0x0], $0xffff  }
0x74: {  	s29 =	simm.s32 $0x19980;
	v5 =	vld.idx.msk [tilespmem:v5+s14+$0x0], $0xffff  }
0x75: {  	v6 =	vld.idx.msk [tilespmem:v6+s14+$0x0], $0xffff;
	[tilespmem:s29+$0x70] =	vst v0  }
0x76: {  	v7 =	vld.idx.msk [tilespmem:v7+s14+$0x0], $0xffff;
	[tilespmem:s29+$0xFFFFFF90] =	vst v1  }
0x77: {  	v15 =	vld.idx.msk [tilespmem:v15+s14+$0x0], $0xffff;
	[tilespmem:s29+$0xFFFFFFA0] =	vst v2  }
0x78: {  	v8 =	vld.idx.msk [tilespmem:v8+s14+$0x0], $0xffff;
	[tilespmem:s29+$0xFFFFFFB0] =	vst v3  }
0x79: {  	[tilespmem:s29+$0xFFFFFFC0] =	vst v4;
	v0 =	vld.idx.msk [tilespmem:v9+s14+$0x0], $0xffff  }
0x7a: {  	[tilespmem:s29+$0xFFFFFFD0] =	vst v5;
	v1 =	vld.idx.msk [tilespmem:v10+s14+$0x0], $0xffff  }
0x7b: {  	[tilespmem:s29+$0xFFFFFFE0] =	vst v6;
	v2 =	vld.idx.msk [tilespmem:v11+s14+$0x0], $0xffff  }
0x7c: {  	[tilespmem:s29+$0xFFFFFFF0] =	vst v7;
	v3 =	vld.idx.msk [tilespmem:v12+s14+$0x0], $0xffff  }
0x7d: {  	[tilespmem:s29+$0xFFFFFF80] =	vst v15;
	v4 =	vld.idx.msk [tilespmem:v13+s14+$0x0], $0xffff  }
0x7e: {  	s30 =	simm.s32 $0x0;
	s31 =	simm.s32 $0x380;
	[tilespmem:s29+$0x0] =	vst v8;
	v5 =	vld.idx.msk [tilespmem:v14+s14+$0x0], $0xffff  }
.LBB2_2:
0x7f: {  	v6 =	vld [tilespmem:s31+$0x70];
	s30 =	sadd.s32 $0x10, s30;
	[tilespmem:s29+$0x10] =	vst v0  }
0x80: {  	v0 =	vld [tilespmem:s31+$0xFFFFFF90];
	p0 =	slt.u32 s30, $0x70;
	[tilespmem:s29+$0x20] =	vst v1  }
0x81: {  	v1 =	vld [tilespmem:s31+$0xFFFFFFA0];
	[tilespmem:s29+$0x30] =	vst v2  }
0x82: {  	v2 =	vld [tilespmem:s31+$0xFFFFFFB0];
	[tilespmem:s29+$0x40] =	vst v3  }
0x83: {  	v3 =	vld [tilespmem:s31+$0xFFFFFFC0];
	[tilespmem:s29+$0x50] =	vst v4  }
0x84: {  	v4 =	vld [tilespmem:s31+$0xFFFFFFD0];
	[tilespmem:s29+$0x60] =	vst v5  }
0x85: {  	v5 =	vld [tilespmem:s31+$0xFFFFFFE0]  }
0x86: {  	v7 =	vld [tilespmem:s31+$0xFFFFFFF0]  }
0x87: {  	v6 =	vld.idx.msk [tilespmem:v6+s14+$0x0], $0xffff  }
0x88: {  	v8 =	vld [tilespmem:s31+$0x0]  }
0x89: {  	v9 =	vld [tilespmem:s31+$0x10]  }
0x8a: {  	v10 =	vld [tilespmem:s31+$0x20]  }
0x8b: {  	v11 =	vld [tilespmem:s31+$0x30]  }
0x8c: {  	s29 =	sadd.s32 $0x100, s29;
	v12 =	vld [tilespmem:s31+$0x40]  }
0x8d: {  	v13 =	vld [tilespmem:s31+$0x50];
	[tilespmem:s29+$0x70] =	vst v6  }
0x8e: {  	v6 =	vld [tilespmem:s31+$0x60]  }
0x8f: {  	v14 =	vld [tilespmem:s31+$0xFFFFFF80]  }
0x90: {  	v0 =	vld.idx.msk [tilespmem:v0+s14+$0x0], $0xffff  }
0x91: {  	v1 =	vld.idx.msk [tilespmem:v1+s14+$0x0], $0xffff  }
0x92: {  	v2 =	vld.idx.msk [tilespmem:v2+s14+$0x0], $0xffff  }
0x93: {  	v3 =	vld.idx.msk [tilespmem:v3+s14+$0x0], $0xffff  }
0x94: {  	v4 =	vld.idx.msk [tilespmem:v4+s14+$0x0], $0xffff  }
0x95: {  	v5 =	vld.idx.msk [tilespmem:v5+s14+$0x0], $0xffff  }
0x96: {  	[tilespmem:s29+$0xFFFFFF90] =	vst v0;
	v7 =	vld.idx.msk [tilespmem:v7+s14+$0x0], $0xffff  }
0x97: {  	v14 =	vld.idx.msk [tilespmem:v14+s14+$0x0], $0xffff;
	[tilespmem:s29+$0xFFFFFFA0] =	vst v1  }
0x98: {  	[tilespmem:s29+$0xFFFFFFB0] =	vst v2;
	v8 =	vld.idx.msk [tilespmem:v8+s14+$0x0], $0xffff  }
0x99: {  	[tilespmem:s29+$0xFFFFFFC0] =	vst v3;
	v0 =	vld.idx.msk [tilespmem:v9+s14+$0x0], $0xffff  }
.Ltmp0:
0x9a: {  	[tilespmem:s29+$0xFFFFFFD0] =	vst v4;
	v1 =	vld.idx.msk [tilespmem:v10+s14+$0x0], $0xffff;
	(pc) =	sbr.rel @p0 .LBB2_2-.Ltmp0, $4  }
0x9b: {  	[tilespmem:s29+$0xFFFFFFE0] =	vst v5;
	v2 =	vld.idx.msk [tilespmem:v11+s14+$0x0], $0xffff  }
0x9c: {  	[tilespmem:s29+$0xFFFFFFF0] =	vst v7;
	v3 =	vld.idx.msk [tilespmem:v12+s14+$0x0], $0xffff  }
0x9d: {  	[tilespmem:s29+$0xFFFFFF80] =	vst v14;
	v4 =	vld.idx.msk [tilespmem:v13+s14+$0x0], $0xffff  }
0x9e: {  	s31 =	sadd.s32 $0x100, s31;
	[tilespmem:s29+$0x0] =	vst v8;
	v5 =	vld.idx.msk [tilespmem:v6+s14+$0x0], $0xffff  }
0x9f: {  	[tilespmem:s29+$0x10] =	vst v0  }
0xa0: {  	[tilespmem:s29+$0x20] =	vst v1  }
0xa1: {  	[tilespmem:s29+$0x30] =	vst v2  }
0xa2: {  	[tilespmem:s29+$0x40] =	vst v3  }
0xa3: {  	[tilespmem:s29+$0x50] =	vst v4  }
0xa4: {  	[tilespmem:s29+$0x60] =	vst v5  }
0xa5: {  	s29 =	rddreg [dreg:$0x9]  }
0xa6: {  	[hbm4b:s29+s12] =	stream.strided.scatter [tilespmem:s24], [sflag:$0x4], $0x800, s13, s12, $0x38;
	[tilespmem:$0x1E900] =	vst v63  }
0xa7: {  	_ = 	snop  }
0xa8: {  	[tilespmem:s15], [sflag:$0x3] =	stream.linear.gather [hbm4b:s5+s3], $0x800, $0x38;
	[tilespmem:$0x1E900] =	vst v63  }
0xa9: {  	_ =	swait.ge [sflag:s23], $0x800  }
0xaa: {  	[sflag:s23] =	ssyncset.done $0x0  }
0xab: {  	s29 =	simm.s32 $0xA80;
	[sflag:s23] =	ssyncadd.s32 $0xFFFFF800  }
0xac: {  	v0 =	vld [tilespmem:s29+$0x70]  }
0xad: {  	v1 =	vld [tilespmem:s29+$0xFFFFFF90]  }
0xae: {  	v2 =	vld [tilespmem:s29+$0xFFFFFFA0]  }
0xaf: {  	v3 =	vld [tilespmem:s29+$0xFFFFFFB0]  }
0xb0: {  	v4 =	vld [tilespmem:s29+$0xFFFFFFC0]  }
0xb1: {  	v5 =	vld [tilespmem:s29+$0xFFFFFFD0]  }
0xb2: {  	v6 =	vld [tilespmem:s29+$0xFFFFFFE0]  }
0xb3: {  	v7 =	vld [tilespmem:s29+$0xFFFFFFF0]  }
0xb4: {  	v8 =	vld [tilespmem:s29+$0x0]  }
0xb5: {  	v9 =	vld [tilespmem:s29+$0x10]  }
0xb6: {  	v10 =	vld [tilespmem:s29+$0x20]  }
0xb7: {  	v11 =	vld [tilespmem:s29+$0x30]  }
0xb8: {  	v12 =	vld [tilespmem:s29+$0x40]  }
0xb9: {  	v13 =	vld [tilespmem:s29+$0x50]  }
0xba: {  	v14 =	vld [tilespmem:s29+$0x60]  }
0xbb: {  	v15 =	vld [tilespmem:s29+$0xFFFFFF80]  }
0xbc: {  	v0 =	vld.idx.msk [tilespmem:v0+s14+$0x0], $0xffff  }
0xbd: {  	v1 =	vld.idx.msk [tilespmem:v1+s14+$0x0], $0xffff  }
0xbe: {  	v2 =	vld.idx.msk [tilespmem:v2+s14+$0x0], $0xffff  }
0xbf: {  	v3 =	vld.idx.msk [tilespmem:v3+s14+$0x0], $0xffff  }
0xc0: {  	v4 =	vld.idx.msk [tilespmem:v4+s14+$0x0], $0xffff  }
0xc1: {  	s29 =	simm.s32 $0x1A180;
	v5 =	vld.idx.msk [tilespmem:v5+s14+$0x0], $0xffff  }
0xc2: {  	v6 =	vld.idx.msk [tilespmem:v6+s14+$0x0], $0xffff;
	[tilespmem:s29+$0x70] =	vst v0  }
0xc3: {  	v7 =	vld.idx.msk [tilespmem:v7+s14+$0x0], $0xffff;
	[tilespmem:s29+$0xFFFFFF90] =	vst v1  }
0xc4: {  	v15 =	vld.idx.msk [tilespmem:v15+s14+$0x0], $0xffff;
	[tilespmem:s29+$0xFFFFFFA0] =	vst v2  }
0xc5: {  	v8 =	vld.idx.msk [tilespmem:v8+s14+$0x0], $0xffff;
	[tilespmem:s29+$0xFFFFFFB0] =	vst v3  }
0xc6: {  	[tilespmem:s29+$0xFFFFFFC0] =	vst v4;
	v0 =	vld.idx.msk [tilespmem:v9+s14+$0x0], $0xffff  }
0xc7: {  	[tilespmem:s29+$0xFFFFFFD0] =	vst v5;
	v1 =	vld.idx.msk [tilespmem:v10+s14+$0x0], $0xffff  }
0xc8: {  	[tilespmem:s29+$0xFFFFFFE0] =	vst v6;
	v2 =	vld.idx.msk [tilespmem:v11+s14+$0x0], $0xffff  }
0xc9: {  	[tilespmem:s29+$0xFFFFFFF0] =	vst v7;
	v3 =	vld.idx.msk [tilespmem:v12+s14+$0x0], $0xffff  }
0xca: {  	[tilespmem:s29+$0xFFFFFF80] =	vst v15;
	v4 =	vld.idx.msk [tilespmem:v13+s14+$0x0], $0xffff  }
0xcb: {  	s30 =	simm.s32 $0x0;
	s31 =	simm.s32 $0xB80;
	[tilespmem:s29+$0x0] =	vst v8;
	v5 =	vld.idx.msk [tilespmem:v14+s14+$0x0], $0xffff  }
.LBB2_4:
0xcc: {  	v6 =	vld [tilespmem:s31+$0x70];
	s30 =	sadd.s32 $0x10, s30;
	[tilespmem:s29+$0x10] =	vst v0  }
0xcd: {  	v0 =	vld [tilespmem:s31+$0xFFFFFF90];
	p0 =	slt.u32 s30, $0x70;
	[tilespmem:s29+$0x20] =	vst v1  }
0xce: {  	v1 =	vld [tilespmem:s31+$0xFFFFFFA0];
	[tilespmem:s29+$0x30] =	vst v2  }
0xcf: {  	v2 =	vld [tilespmem:s31+$0xFFFFFFB0];
	[tilespmem:s29+$0x40] =	vst v3  }
0xd0: {  	v3 =	vld [tilespmem:s31+$0xFFFFFFC0];
	[tilespmem:s29+$0x50] =	vst v4  }
0xd1: {  	v4 =	vld [tilespmem:s31+$0xFFFFFFD0];
	[tilespmem:s29+$0x60] =	vst v5  }
0xd2: {  	v5 =	vld [tilespmem:s31+$0xFFFFFFE0]  }
0xd3: {  	v7 =	vld [tilespmem:s31+$0xFFFFFFF0]  }
0xd4: {  	v6 =	vld.idx.msk [tilespmem:v6+s14+$0x0], $0xffff  }
0xd5: {  	v8 =	vld [tilespmem:s31+$0x0]  }
0xd6: {  	v9 =	vld [tilespmem:s31+$0x10]  }
0xd7: {  	v10 =	vld [tilespmem:s31+$0x20]  }
0xd8: {  	v11 =	vld [tilespmem:s31+$0x30]  }
0xd9: {  	s29 =	sadd.s32 $0x100, s29;
	v12 =	vld [tilespmem:s31+$0x40]  }
0xda: {  	v13 =	vld [tilespmem:s31+$0x50];
	[tilespmem:s29+$0x70] =	vst v6  }
0xdb: {  	v6 =	vld [tilespmem:s31+$0x60]  }
0xdc: {  	v14 =	vld [tilespmem:s31+$0xFFFFFF80]  }
0xdd: {  	v0 =	vld.idx.msk [tilespmem:v0+s14+$0x0], $0xffff  }
0xde: {  	v1 =	vld.idx.msk [tilespmem:v1+s14+$0x0], $0xffff  }
0xdf: {  	v2 =	vld.idx.msk [tilespmem:v2+s14+$0x0], $0xffff  }
0xe0: {  	v3 =	vld.idx.msk [tilespmem:v3+s14+$0x0], $0xffff  }
0xe1: {  	v4 =	vld.idx.msk [tilespmem:v4+s14+$0x0], $0xffff  }
0xe2: {  	v5 =	vld.idx.msk [tilespmem:v5+s14+$0x0], $0xffff  }
0xe3: {  	[tilespmem:s29+$0xFFFFFF90] =	vst v0;
	v7 =	vld.idx.msk [tilespmem:v7+s14+$0x0], $0xffff  }
0xe4: {  	v14 =	vld.idx.msk [tilespmem:v14+s14+$0x0], $0xffff;
	[tilespmem:s29+$0xFFFFFFA0] =	vst v1  }
0xe5: {  	[tilespmem:s29+$0xFFFFFFB0] =	vst v2;
	v8 =	vld.idx.msk [tilespmem:v8+s14+$0x0], $0xffff  }
0xe6: {  	[tilespmem:s29+$0xFFFFFFC0] =	vst v3;
	v0 =	vld.idx.msk [tilespmem:v9+s14+$0x0], $0xffff  }
.Ltmp1:
0xe7: {  	[tilespmem:s29+$0xFFFFFFD0] =	vst v4;
	v1 =	vld.idx.msk [tilespmem:v10+s14+$0x0], $0xffff;
	(pc) =	sbr.rel @p0 .LBB2_4-.Ltmp1, $4  }
0xe8: {  	[tilespmem:s29+$0xFFFFFFE0] =	vst v5;
	v2 =	vld.idx.msk [tilespmem:v11+s14+$0x0], $0xffff  }
0xe9: {  	[tilespmem:s29+$0xFFFFFFF0] =	vst v7;
	v3 =	vld.idx.msk [tilespmem:v12+s14+$0x0], $0xffff  }
0xea: {  	[tilespmem:s29+$0xFFFFFF80] =	vst v14;
	v4 =	vld.idx.msk [tilespmem:v13+s14+$0x0], $0xffff  }
0xeb: {  	s31 =	sadd.s32 $0x100, s31;
	[tilespmem:s29+$0x0] =	vst v8;
	v5 =	vld.idx.msk [tilespmem:v6+s14+$0x0], $0xffff  }
0xec: {  	[tilespmem:s29+$0x10] =	vst v0  }
0xed: {  	[tilespmem:s29+$0x20] =	vst v1  }
0xee: {  	[tilespmem:s29+$0x30] =	vst v2  }
0xef: {  	[tilespmem:s29+$0x40] =	vst v3  }
0xf0: {  	[tilespmem:s29+$0x50] =	vst v4  }
0xf1: {  	[tilespmem:s29+$0x60] =	vst v5  }
0xf2: {  	s29 =	rddreg [dreg:$0xa]  }
0xf3: {  	[hbm4b:s29+s12] =	stream.strided.scatter [tilespmem:s25], [sflag:$0x4], $0x800, s13, s12, $0x38;
	[tilespmem:$0x1E900] =	vst v63  }
0xf4: {  	_ = 	snop  }
0xf5: {  	[tilespmem:s17], [sflag:$0x3] =	stream.linear.gather [hbm4b:s6+s3], $0x800, $0x38;
	[tilespmem:$0x1E900] =	vst v63  }
0xf6: {  	_ =	swait.ge [sflag:s23], $0x800  }
0xf7: {  	[sflag:s23] =	ssyncset.done $0x0  }
0xf8: {  	[sflag:s23] =	ssyncadd.s32 $0xFFFFF800  }
0xf9: {  	_ =	swait.ge [sflag:s26], $0x800  }
0xfa: {  	[sflag:s26] =	ssyncset.done $0x0  }
0xfb: {  	s29 =	simm.s32 $0x280;
	[sflag:s26] =	ssyncadd.s32 $0xFFFFF800  }
0xfc: {  	v0 =	vld [tilespmem:s29+$0x70]  }
0xfd: {  	v1 =	vld [tilespmem:s29+$0xFFFFFF90]  }
0xfe: {  	v2 =	vld [tilespmem:s29+$0xFFFFFFA0]  }
0xff: {  	v3 =	vld [tilespmem:s29+$0xFFFFFFB0]  }
0x100: {  	v4 =	vld [tilespmem:s29+$0xFFFFFFC0]  }
0x101: {  	v5 =	vld [tilespmem:s29+$0xFFFFFFD0]  }
0x102: {  	v6 =	vld [tilespmem:s29+$0xFFFFFFE0]  }
0x103: {  	v7 =	vld [tilespmem:s29+$0xFFFFFFF0]  }
0x104: {  	v8 =	vld [tilespmem:s29+$0x0]  }
0x105: {  	v9 =	vld [tilespmem:s29+$0x10]  }
0x106: {  	v10 =	vld [tilespmem:s29+$0x20]  }
0x107: {  	v11 =	vld [tilespmem:s29+$0x30]  }
0x108: {  	v12 =	vld [tilespmem:s29+$0x40]  }
0x109: {  	v13 =	vld [tilespmem:s29+$0x50]  }
0x10a: {  	v14 =	vld [tilespmem:s29+$0x60]  }
0x10b: {  	v15 =	vld [tilespmem:s29+$0xFFFFFF80]  }
0x10c: {  	v0 =	vld.idx.msk [tilespmem:v0+s14+$0x0], $0xffff  }
0x10d: {  	v1 =	vld.idx.msk [tilespmem:v1+s14+$0x0], $0xffff  }
0x10e: {  	v2 =	vld.idx.msk [tilespmem:v2+s14+$0x0], $0xffff  }
0x10f: {  	v3 =	vld.idx.msk [tilespmem:v3+s14+$0x0], $0xffff  }
0x110: {  	v4 =	vld.idx.msk [tilespmem:v4+s14+$0x0], $0xffff  }
0x111: {  	s29 =	simm.s32 $0x19980;
	v5 =	vld.idx.msk [tilespmem:v5+s14+$0x0], $0xffff  }
0x112: {  	v6 =	vld.idx.msk [tilespmem:v6+s14+$0x0], $0xffff;
	[tilespmem:s29+$0x70] =	vst v0  }
0x113: {  	v7 =	vld.idx.msk [tilespmem:v7+s14+$0x0], $0xffff;
	[tilespmem:s29+$0xFFFFFF90] =	vst v1  }
0x114: {  	v15 =	vld.idx.msk [tilespmem:v15+s14+$0x0], $0xffff;
	[tilespmem:s29+$0xFFFFFFA0] =	vst v2  }
0x115: {  	v8 =	vld.idx.msk [tilespmem:v8+s14+$0x0], $0xffff;
	[tilespmem:s29+$0xFFFFFFB0] =	vst v3  }
0x116: {  	[tilespmem:s29+$0xFFFFFFC0] =	vst v4;
	v0 =	vld.idx.msk [tilespmem:v9+s14+$0x0], $0xffff  }
0x117: {  	[tilespmem:s29+$0xFFFFFFD0] =	vst v5;
	v1 =	vld.idx.msk [tilespmem:v10+s14+$0x0], $0xffff  }
0x118: {  	[tilespmem:s29+$0xFFFFFFE0] =	vst v6;
	v2 =	vld.idx.msk [tilespmem:v11+s14+$0x0], $0xffff  }
0x119: {  	[tilespmem:s29+$0xFFFFFFF0] =	vst v7;
	v3 =	vld.idx.msk [tilespmem:v12+s14+$0x0], $0xffff  }
0x11a: {  	[tilespmem:s29+$0xFFFFFF80] =	vst v15;
	v4 =	vld.idx.msk [tilespmem:v13+s14+$0x0], $0xffff  }
0x11b: {  	s30 =	simm.s32 $0x0;
	s31 =	simm.s32 $0x380;
	[tilespmem:s29+$0x0] =	vst v8;
	v5 =	vld.idx.msk [tilespmem:v14+s14+$0x0], $0xffff  }
.LBB2_6:
0x11c: {  	v6 =	vld [tilespmem:s31+$0x70];
	s30 =	sadd.s32 $0x10, s30;
	[tilespmem:s29+$0x10] =	vst v0  }
0x11d: {  	v0 =	vld [tilespmem:s31+$0xFFFFFF90];
	p0 =	slt.u32 s30, $0x70;
	[tilespmem:s29+$0x20] =	vst v1  }
0x11e: {  	v1 =	vld [tilespmem:s31+$0xFFFFFFA0];
	[tilespmem:s29+$0x30] =	vst v2  }
0x11f: {  	v2 =	vld [tilespmem:s31+$0xFFFFFFB0];
	[tilespmem:s29+$0x40] =	vst v3  }
0x120: {  	v3 =	vld [tilespmem:s31+$0xFFFFFFC0];
	[tilespmem:s29+$0x50] =	vst v4  }
0x121: {  	v4 =	vld [tilespmem:s31+$0xFFFFFFD0];
	[tilespmem:s29+$0x60] =	vst v5  }
0x122: {  	v5 =	vld [tilespmem:s31+$0xFFFFFFE0]  }
0x123: {  	v7 =	vld [tilespmem:s31+$0xFFFFFFF0]  }
0x124: {  	v6 =	vld.idx.msk [tilespmem:v6+s14+$0x0], $0xffff  }
0x125: {  	v8 =	vld [tilespmem:s31+$0x0]  }
0x126: {  	v9 =	vld [tilespmem:s31+$0x10]  }
0x127: {  	v10 =	vld [tilespmem:s31+$0x20]  }
0x128: {  	v11 =	vld [tilespmem:s31+$0x30]  }
0x129: {  	s29 =	sadd.s32 $0x100, s29;
	v12 =	vld [tilespmem:s31+$0x40]  }
0x12a: {  	v13 =	vld [tilespmem:s31+$0x50];
	[tilespmem:s29+$0x70] =	vst v6  }
0x12b: {  	v6 =	vld [tilespmem:s31+$0x60]  }
0x12c: {  	v14 =	vld [tilespmem:s31+$0xFFFFFF80]  }
0x12d: {  	v0 =	vld.idx.msk [tilespmem:v0+s14+$0x0], $0xffff  }
0x12e: {  	v1 =	vld.idx.msk [tilespmem:v1+s14+$0x0], $0xffff  }
0x12f: {  	v2 =	vld.idx.msk [tilespmem:v2+s14+$0x0], $0xffff  }
0x130: {  	v3 =	vld.idx.msk [tilespmem:v3+s14+$0x0], $0xffff  }
0x131: {  	v4 =	vld.idx.msk [tilespmem:v4+s14+$0x0], $0xffff  }
0x132: {  	v5 =	vld.idx.msk [tilespmem:v5+s14+$0x0], $0xffff  }
0x133: {  	[tilespmem:s29+$0xFFFFFF90] =	vst v0;
	v7 =	vld.idx.msk [tilespmem:v7+s14+$0x0], $0xffff  }
0x134: {  	v14 =	vld.idx.msk [tilespmem:v14+s14+$0x0], $0xffff;
	[tilespmem:s29+$0xFFFFFFA0] =	vst v1  }
0x135: {  	[tilespmem:s29+$0xFFFFFFB0] =	vst v2;
	v8 =	vld.idx.msk [tilespmem:v8+s14+$0x0], $0xffff  }
0x136: {  	[tilespmem:s29+$0xFFFFFFC0] =	vst v3;
	v0 =	vld.idx.msk [tilespmem:v9+s14+$0x0], $0xffff  }
.Ltmp2:
0x137: {  	[tilespmem:s29+$0xFFFFFFD0] =	vst v4;
	v1 =	vld.idx.msk [tilespmem:v10+s14+$0x0], $0xffff;
	(pc) =	sbr.rel @p0 .LBB2_6-.Ltmp2, $4  }
0x138: {  	[tilespmem:s29+$0xFFFFFFE0] =	vst v5;
	v2 =	vld.idx.msk [tilespmem:v11+s14+$0x0], $0xffff  }
0x139: {  	[tilespmem:s29+$0xFFFFFFF0] =	vst v7;
	v3 =	vld.idx.msk [tilespmem:v12+s14+$0x0], $0xffff  }
0x13a: {  	[tilespmem:s29+$0xFFFFFF80] =	vst v14;
	v4 =	vld.idx.msk [tilespmem:v13+s14+$0x0], $0xffff  }
0x13b: {  	s31 =	sadd.s32 $0x100, s31;
	[tilespmem:s29+$0x0] =	vst v8;
	v5 =	vld.idx.msk [tilespmem:v6+s14+$0x0], $0xffff  }
0x13c: {  	[tilespmem:s29+$0x10] =	vst v0  }
0x13d: {  	[tilespmem:s29+$0x20] =	vst v1  }
0x13e: {  	[tilespmem:s29+$0x30] =	vst v2  }
0x13f: {  	[tilespmem:s29+$0x40] =	vst v3  }
0x140: {  	[tilespmem:s29+$0x50] =	vst v4  }
0x141: {  	[tilespmem:s29+$0x60] =	vst v5  }
0x142: {  	s29 =	rddreg [dreg:$0xb]  }
0x143: {  	[hbm4b:s29+s12] =	stream.strided.scatter [tilespmem:s24], [sflag:$0x4], $0x800, s13, s12, $0x38;
	[tilespmem:$0x1E900] =	vst v63  }
0x144: {  	_ = 	snop  }
0x145: {  	[tilespmem:s15], [sflag:$0x3] =	stream.linear.gather [hbm4b:s7+s3], $0x800, $0x38;
	[tilespmem:$0x1E900] =	vst v63  }
0x146: {  	_ =	swait.ge [sflag:s23], $0x800  }
0x147: {  	[sflag:s23] =	ssyncset.done $0x0  }
0x148: {  	[sflag:s23] =	ssyncadd.s32 $0xFFFFF800  }
0x149: {  	_ =	swait.ge [sflag:s26], $0x800  }
0x14a: {  	[sflag:s26] =	ssyncset.done $0x0  }
0x14b: {  	s29 =	simm.s32 $0xA80;
	[sflag:s26] =	ssyncadd.s32 $0xFFFFF800  }
0x14c: {  	v0 =	vld [tilespmem:s29+$0x70]  }
0x14d: {  	v1 =	vld [tilespmem:s29+$0xFFFFFF90]  }
0x14e: {  	v2 =	vld [tilespmem:s29+$0xFFFFFFA0]  }
0x14f: {  	v3 =	vld [tilespmem:s29+$0xFFFFFFB0]  }
0x150: {  	v4 =	vld [tilespmem:s29+$0xFFFFFFC0]  }
0x151: {  	v5 =	vld [tilespmem:s29+$0xFFFFFFD0]  }
0x152: {  	v6 =	vld [tilespmem:s29+$0xFFFFFFE0]  }
0x153: {  	v7 =	vld [tilespmem:s29+$0xFFFFFFF0]  }
0x154: {  	v8 =	vld [tilespmem:s29+$0x0]  }
0x155: {  	v9 =	vld [tilespmem:s29+$0x10]  }
0x156: {  	v10 =	vld [tilespmem:s29+$0x20]  }
0x157: {  	v11 =	vld [tilespmem:s29+$0x30]  }
0x158: {  	v12 =	vld [tilespmem:s29+$0x40]  }
0x159: {  	v13 =	vld [tilespmem:s29+$0x50]  }
0x15a: {  	v14 =	vld [tilespmem:s29+$0x60]  }
0x15b: {  	v15 =	vld [tilespmem:s29+$0xFFFFFF80]  }
0x15c: {  	v0 =	vld.idx.msk [tilespmem:v0+s14+$0x0], $0xffff  }
0x15d: {  	v1 =	vld.idx.msk [tilespmem:v1+s14+$0x0], $0xffff  }
0x15e: {  	v2 =	vld.idx.msk [tilespmem:v2+s14+$0x0], $0xffff  }
0x15f: {  	v3 =	vld.idx.msk [tilespmem:v3+s14+$0x0], $0xffff  }
0x160: {  	v4 =	vld.idx.msk [tilespmem:v4+s14+$0x0], $0xffff  }
0x161: {  	s29 =	simm.s32 $0x1A180;
	v5 =	vld.idx.msk [tilespmem:v5+s14+$0x0], $0xffff  }
0x162: {  	v6 =	vld.idx.msk [tilespmem:v6+s14+$0x0], $0xffff;
	[tilespmem:s29+$0x70] =	vst v0  }
0x163: {  	v7 =	vld.idx.msk [tilespmem:v7+s14+$0x0], $0xffff;
	[tilespmem:s29+$0xFFFFFF90] =	vst v1  }
0x164: {  	v15 =	vld.idx.msk [tilespmem:v15+s14+$0x0], $0xffff;
	[tilespmem:s29+$0xFFFFFFA0] =	vst v2  }
0x165: {  	v8 =	vld.idx.msk [tilespmem:v8+s14+$0x0], $0xffff;
	[tilespmem:s29+$0xFFFFFFB0] =	vst v3  }
0x166: {  	[tilespmem:s29+$0xFFFFFFC0] =	vst v4;
	v0 =	vld.idx.msk [tilespmem:v9+s14+$0x0], $0xffff  }
0x167: {  	[tilespmem:s29+$0xFFFFFFD0] =	vst v5;
	v1 =	vld.idx.msk [tilespmem:v10+s14+$0x0], $0xffff  }
0x168: {  	[tilespmem:s29+$0xFFFFFFE0] =	vst v6;
	v2 =	vld.idx.msk [tilespmem:v11+s14+$0x0], $0xffff  }
0x169: {  	[tilespmem:s29+$0xFFFFFFF0] =	vst v7;
	v3 =	vld.idx.msk [tilespmem:v12+s14+$0x0], $0xffff  }
0x16a: {  	[tilespmem:s29+$0xFFFFFF80] =	vst v15;
	v4 =	vld.idx.msk [tilespmem:v13+s14+$0x0], $0xffff  }
0x16b: {  	s30 =	simm.s32 $0x0;
	s31 =	simm.s32 $0xB80;
	[tilespmem:s29+$0x0] =	vst v8;
	v5 =	vld.idx.msk [tilespmem:v14+s14+$0x0], $0xffff  }
.LBB2_8:
0x16c: {  	v6 =	vld [tilespmem:s31+$0x70];
	s30 =	sadd.s32 $0x10, s30;
	[tilespmem:s29+$0x10] =	vst v0  }
0x16d: {  	v0 =	vld [tilespmem:s31+$0xFFFFFF90];
	p0 =	slt.u32 s30, $0x70;
	[tilespmem:s29+$0x20] =	vst v1  }
0x16e: {  	v1 =	vld [tilespmem:s31+$0xFFFFFFA0];
	[tilespmem:s29+$0x30] =	vst v2  }
0x16f: {  	v2 =	vld [tilespmem:s31+$0xFFFFFFB0];
	[tilespmem:s29+$0x40] =	vst v3  }
0x170: {  	v3 =	vld [tilespmem:s31+$0xFFFFFFC0];
	[tilespmem:s29+$0x50] =	vst v4  }
0x171: {  	v4 =	vld [tilespmem:s31+$0xFFFFFFD0];
	[tilespmem:s29+$0x60] =	vst v5  }
0x172: {  	v5 =	vld [tilespmem:s31+$0xFFFFFFE0]  }
0x173: {  	v7 =	vld [tilespmem:s31+$0xFFFFFFF0]  }
0x174: {  	v6 =	vld.idx.msk [tilespmem:v6+s14+$0x0], $0xffff  }
0x175: {  	v8 =	vld [tilespmem:s31+$0x0]  }
0x176: {  	v9 =	vld [tilespmem:s31+$0x10]  }
0x177: {  	v10 =	vld [tilespmem:s31+$0x20]  }
0x178: {  	v11 =	vld [tilespmem:s31+$0x30]  }
0x179: {  	s29 =	sadd.s32 $0x100, s29;
	v12 =	vld [tilespmem:s31+$0x40]  }
0x17a: {  	v13 =	vld [tilespmem:s31+$0x50];
	[tilespmem:s29+$0x70] =	vst v6  }
0x17b: {  	v6 =	vld [tilespmem:s31+$0x60]  }
0x17c: {  	v14 =	vld [tilespmem:s31+$0xFFFFFF80]  }
0x17d: {  	v0 =	vld.idx.msk [tilespmem:v0+s14+$0x0], $0xffff  }
0x17e: {  	v1 =	vld.idx.msk [tilespmem:v1+s14+$0x0], $0xffff  }
0x17f: {  	v2 =	vld.idx.msk [tilespmem:v2+s14+$0x0], $0xffff  }
0x180: {  	v3 =	vld.idx.msk [tilespmem:v3+s14+$0x0], $0xffff  }
0x181: {  	v4 =	vld.idx.msk [tilespmem:v4+s14+$0x0], $0xffff  }
0x182: {  	v5 =	vld.idx.msk [tilespmem:v5+s14+$0x0], $0xffff  }
0x183: {  	[tilespmem:s29+$0xFFFFFF90] =	vst v0;
	v7 =	vld.idx.msk [tilespmem:v7+s14+$0x0], $0xffff  }
0x184: {  	v14 =	vld.idx.msk [tilespmem:v14+s14+$0x0], $0xffff;
	[tilespmem:s29+$0xFFFFFFA0] =	vst v1  }
0x185: {  	[tilespmem:s29+$0xFFFFFFB0] =	vst v2;
	v8 =	vld.idx.msk [tilespmem:v8+s14+$0x0], $0xffff  }
0x186: {  	[tilespmem:s29+$0xFFFFFFC0] =	vst v3;
	v0 =	vld.idx.msk [tilespmem:v9+s14+$0x0], $0xffff  }
.Ltmp3:
0x187: {  	[tilespmem:s29+$0xFFFFFFD0] =	vst v4;
	v1 =	vld.idx.msk [tilespmem:v10+s14+$0x0], $0xffff;
	(pc) =	sbr.rel @p0 .LBB2_8-.Ltmp3, $4  }
0x188: {  	[tilespmem:s29+$0xFFFFFFE0] =	vst v5;
	v2 =	vld.idx.msk [tilespmem:v11+s14+$0x0], $0xffff  }
0x189: {  	[tilespmem:s29+$0xFFFFFFF0] =	vst v7;
	v3 =	vld.idx.msk [tilespmem:v12+s14+$0x0], $0xffff  }
0x18a: {  	[tilespmem:s29+$0xFFFFFF80] =	vst v14;
	v4 =	vld.idx.msk [tilespmem:v13+s14+$0x0], $0xffff  }
0x18b: {  	s31 =	sadd.s32 $0x100, s31;
	[tilespmem:s29+$0x0] =	vst v8;
	v5 =	vld.idx.msk [tilespmem:v6+s14+$0x0], $0xffff  }
0x18c: {  	[tilespmem:s29+$0x10] =	vst v0  }
0x18d: {  	[tilespmem:s29+$0x20] =	vst v1  }
0x18e: {  	[tilespmem:s29+$0x30] =	vst v2  }
0x18f: {  	[tilespmem:s29+$0x40] =	vst v3  }
0x190: {  	[tilespmem:s29+$0x50] =	vst v4  }
0x191: {  	[tilespmem:s29+$0x60] =	vst v5  }
0x192: {  	s29 =	rddreg [dreg:$0xc]  }
0x193: {  	[hbm4b:s29+s12] =	stream.strided.scatter [tilespmem:s25], [sflag:$0x4], $0x800, s13, s12, $0x38;
	[tilespmem:$0x1E900] =	vst v63  }
0x194: {  	_ = 	snop  }
0x195: {  	[tilespmem:s17], [sflag:$0x3] =	stream.linear.gather [hbm4b:s8+s3], $0x800, $0x38;
	[tilespmem:$0x1E900] =	vst v63  }
0x196: {  	_ =	swait.ge [sflag:s23], $0x800  }
0x197: {  	[sflag:s23] =	ssyncset.done $0x0  }
0x198: {  	[sflag:s23] =	ssyncadd.s32 $0xFFFFF800  }
0x199: {  	_ =	swait.ge [sflag:s26], $0x800  }
0x19a: {  	[sflag:s26] =	ssyncset.done $0x0  }
0x19b: {  	s29 =	simm.s32 $0x280;
	[sflag:s26] =	ssyncadd.s32 $0xFFFFF800  }
0x19c: {  	v0 =	vld [tilespmem:s29+$0x70]  }
0x19d: {  	v1 =	vld [tilespmem:s29+$0xFFFFFF90]  }
0x19e: {  	v2 =	vld [tilespmem:s29+$0xFFFFFFA0]  }
0x19f: {  	v3 =	vld [tilespmem:s29+$0xFFFFFFB0]  }
0x1a0: {  	v4 =	vld [tilespmem:s29+$0xFFFFFFC0]  }
0x1a1: {  	v5 =	vld [tilespmem:s29+$0xFFFFFFD0]  }
0x1a2: {  	v6 =	vld [tilespmem:s29+$0xFFFFFFE0]  }
0x1a3: {  	v7 =	vld [tilespmem:s29+$0xFFFFFFF0]  }
0x1a4: {  	v8 =	vld [tilespmem:s29+$0x0]  }
0x1a5: {  	v9 =	vld [tilespmem:s29+$0x10]  }
0x1a6: {  	v10 =	vld [tilespmem:s29+$0x20]  }
0x1a7: {  	v11 =	vld [tilespmem:s29+$0x30]  }
0x1a8: {  	v12 =	vld [tilespmem:s29+$0x40]  }
0x1a9: {  	v13 =	vld [tilespmem:s29+$0x50]  }
0x1aa: {  	v14 =	vld [tilespmem:s29+$0x60]  }
0x1ab: {  	v15 =	vld [tilespmem:s29+$0xFFFFFF80]  }
0x1ac: {  	v0 =	vld.idx.msk [tilespmem:v0+s14+$0x0], $0xffff  }
0x1ad: {  	v1 =	vld.idx.msk [tilespmem:v1+s14+$0x0], $0xffff  }
0x1ae: {  	v2 =	vld.idx.msk [tilespmem:v2+s14+$0x0], $0xffff  }
0x1af: {  	v3 =	vld.idx.msk [tilespmem:v3+s14+$0x0], $0xffff  }
0x1b0: {  	v4 =	vld.idx.msk [tilespmem:v4+s14+$0x0], $0xffff  }
0x1b1: {  	s29 =	simm.s32 $0x19980;
	v5 =	vld.idx.msk [tilespmem:v5+s14+$0x0], $0xffff  }
0x1b2: {  	v6 =	vld.idx.msk [tilespmem:v6+s14+$0x0], $0xffff;
	[tilespmem:s29+$0x70] =	vst v0  }
0x1b3: {  	v7 =	vld.idx.msk [tilespmem:v7+s14+$0x0], $0xffff;
	[tilespmem:s29+$0xFFFFFF90] =	vst v1  }
0x1b4: {  	v15 =	vld.idx.msk [tilespmem:v15+s14+$0x0], $0xffff;
	[tilespmem:s29+$0xFFFFFFA0] =	vst v2  }
0x1b5: {  	v8 =	vld.idx.msk [tilespmem:v8+s14+$0x0], $0xffff;
	[tilespmem:s29+$0xFFFFFFB0] =	vst v3  }
0x1b6: {  	[tilespmem:s29+$0xFFFFFFC0] =	vst v4;
	v0 =	vld.idx.msk [tilespmem:v9+s14+$0x0], $0xffff  }
0x1b7: {  	[tilespmem:s29+$0xFFFFFFD0] =	vst v5;
	v1 =	vld.idx.msk [tilespmem:v10+s14+$0x0], $0xffff  }
0x1b8: {  	[tilespmem:s29+$0xFFFFFFE0] =	vst v6;
	v2 =	vld.idx.msk [tilespmem:v11+s14+$0x0], $0xffff  }
0x1b9: {  	[tilespmem:s29+$0xFFFFFFF0] =	vst v7;
	v3 =	vld.idx.msk [tilespmem:v12+s14+$0x0], $0xffff  }
0x1ba: {  	[tilespmem:s29+$0xFFFFFF80] =	vst v15;
	v4 =	vld.idx.msk [tilespmem:v13+s14+$0x0], $0xffff  }
0x1bb: {  	s30 =	simm.s32 $0x0;
	s31 =	simm.s32 $0x380;
	[tilespmem:s29+$0x0] =	vst v8;
	v5 =	vld.idx.msk [tilespmem:v14+s14+$0x0], $0xffff  }
.LBB2_10:
0x1bc: {  	v6 =	vld [tilespmem:s31+$0x70];
	s30 =	sadd.s32 $0x10, s30;
	[tilespmem:s29+$0x10] =	vst v0  }
0x1bd: {  	v0 =	vld [tilespmem:s31+$0xFFFFFF90];
	p0 =	slt.u32 s30, $0x70;
	[tilespmem:s29+$0x20] =	vst v1  }
0x1be: {  	v1 =	vld [tilespmem:s31+$0xFFFFFFA0];
	[tilespmem:s29+$0x30] =	vst v2  }
0x1bf: {  	v2 =	vld [tilespmem:s31+$0xFFFFFFB0];
	[tilespmem:s29+$0x40] =	vst v3  }
0x1c0: {  	v3 =	vld [tilespmem:s31+$0xFFFFFFC0];
	[tilespmem:s29+$0x50] =	vst v4  }
0x1c1: {  	v4 =	vld [tilespmem:s31+$0xFFFFFFD0];
	[tilespmem:s29+$0x60] =	vst v5  }
0x1c2: {  	v5 =	vld [tilespmem:s31+$0xFFFFFFE0]  }
0x1c3: {  	v7 =	vld [tilespmem:s31+$0xFFFFFFF0]  }
0x1c4: {  	v6 =	vld.idx.msk [tilespmem:v6+s14+$0x0], $0xffff  }
0x1c5: {  	v8 =	vld [tilespmem:s31+$0x0]  }
0x1c6: {  	v9 =	vld [tilespmem:s31+$0x10]  }
0x1c7: {  	v10 =	vld [tilespmem:s31+$0x20]  }
0x1c8: {  	v11 =	vld [tilespmem:s31+$0x30]  }
0x1c9: {  	s29 =	sadd.s32 $0x100, s29;
	v12 =	vld [tilespmem:s31+$0x40]  }
0x1ca: {  	v13 =	vld [tilespmem:s31+$0x50];
	[tilespmem:s29+$0x70] =	vst v6  }
0x1cb: {  	v6 =	vld [tilespmem:s31+$0x60]  }
0x1cc: {  	v14 =	vld [tilespmem:s31+$0xFFFFFF80]  }
0x1cd: {  	v0 =	vld.idx.msk [tilespmem:v0+s14+$0x0], $0xffff  }
0x1ce: {  	v1 =	vld.idx.msk [tilespmem:v1+s14+$0x0], $0xffff  }
0x1cf: {  	v2 =	vld.idx.msk [tilespmem:v2+s14+$0x0], $0xffff  }
0x1d0: {  	v3 =	vld.idx.msk [tilespmem:v3+s14+$0x0], $0xffff  }
0x1d1: {  	v4 =	vld.idx.msk [tilespmem:v4+s14+$0x0], $0xffff  }
0x1d2: {  	v5 =	vld.idx.msk [tilespmem:v5+s14+$0x0], $0xffff  }
0x1d3: {  	[tilespmem:s29+$0xFFFFFF90] =	vst v0;
	v7 =	vld.idx.msk [tilespmem:v7+s14+$0x0], $0xffff  }
0x1d4: {  	v14 =	vld.idx.msk [tilespmem:v14+s14+$0x0], $0xffff;
	[tilespmem:s29+$0xFFFFFFA0] =	vst v1  }
0x1d5: {  	[tilespmem:s29+$0xFFFFFFB0] =	vst v2;
	v8 =	vld.idx.msk [tilespmem:v8+s14+$0x0], $0xffff  }
0x1d6: {  	[tilespmem:s29+$0xFFFFFFC0] =	vst v3;
	v0 =	vld.idx.msk [tilespmem:v9+s14+$0x0], $0xffff  }
.Ltmp4:
0x1d7: {  	[tilespmem:s29+$0xFFFFFFD0] =	vst v4;
	v1 =	vld.idx.msk [tilespmem:v10+s14+$0x0], $0xffff;
	(pc) =	sbr.rel @p0 .LBB2_10-.Ltmp4, $4  }
0x1d8: {  	[tilespmem:s29+$0xFFFFFFE0] =	vst v5;
	v2 =	vld.idx.msk [tilespmem:v11+s14+$0x0], $0xffff  }
0x1d9: {  	[tilespmem:s29+$0xFFFFFFF0] =	vst v7;
	v3 =	vld.idx.msk [tilespmem:v12+s14+$0x0], $0xffff  }
0x1da: {  	[tilespmem:s29+$0xFFFFFF80] =	vst v14;
	v4 =	vld.idx.msk [tilespmem:v13+s14+$0x0], $0xffff  }
0x1db: {  	s31 =	sadd.s32 $0x100, s31;
	[tilespmem:s29+$0x0] =	vst v8;
	v5 =	vld.idx.msk [tilespmem:v6+s14+$0x0], $0xffff  }
0x1dc: {  	[tilespmem:s29+$0x10] =	vst v0  }
0x1dd: {  	[tilespmem:s29+$0x20] =	vst v1  }
0x1de: {  	[tilespmem:s29+$0x30] =	vst v2  }
0x1df: {  	[tilespmem:s29+$0x40] =	vst v3  }
0x1e0: {  	[tilespmem:s29+$0x50] =	vst v4  }
0x1e1: {  	[tilespmem:s29+$0x60] =	vst v5  }
0x1e2: {  	s29 =	rddreg [dreg:$0xd]  }
0x1e3: {  	[hbm4b:s29+s12] =	stream.strided.scatter [tilespmem:s24], [sflag:$0x4], $0x800, s13, s12, $0x38;
	[tilespmem:$0x1E900] =	vst v63  }
0x1e4: {  	_ = 	snop  }
0x1e5: {  	[tilespmem:s15], [sflag:$0x3] =	stream.linear.gather [hbm4b:s9+s3], $0x800, $0x38;
	[tilespmem:$0x1E900] =	vst v63  }
0x1e6: {  	_ =	swait.ge [sflag:s23], $0x800  }
0x1e7: {  	[sflag:s23] =	ssyncset.done $0x0  }
0x1e8: {  	[sflag:s23] =	ssyncadd.s32 $0xFFFFF800  }
0x1e9: {  	_ =	swait.ge [sflag:s26], $0x800  }
0x1ea: {  	[sflag:s26] =	ssyncset.done $0x0  }
0x1eb: {  	s29 =	simm.s32 $0xA80;
	[sflag:s26] =	ssyncadd.s32 $0xFFFFF800  }
0x1ec: {  	v0 =	vld [tilespmem:s29+$0x70]  }
0x1ed: {  	v1 =	vld [tilespmem:s29+$0xFFFFFF90]  }
0x1ee: {  	v2 =	vld [tilespmem:s29+$0xFFFFFFA0]  }
0x1ef: {  	v3 =	vld [tilespmem:s29+$0xFFFFFFB0]  }
0x1f0: {  	v4 =	vld [tilespmem:s29+$0xFFFFFFC0]  }
0x1f1: {  	v5 =	vld [tilespmem:s29+$0xFFFFFFD0]  }
0x1f2: {  	v6 =	vld [tilespmem:s29+$0xFFFFFFE0]  }
0x1f3: {  	v7 =	vld [tilespmem:s29+$0xFFFFFFF0]  }
0x1f4: {  	v8 =	vld [tilespmem:s29+$0x0]  }
0x1f5: {  	v9 =	vld [tilespmem:s29+$0x10]  }
0x1f6: {  	v10 =	vld [tilespmem:s29+$0x20]  }
0x1f7: {  	v11 =	vld [tilespmem:s29+$0x30]  }
0x1f8: {  	v12 =	vld [tilespmem:s29+$0x40]  }
0x1f9: {  	v13 =	vld [tilespmem:s29+$0x50]  }
0x1fa: {  	v14 =	vld [tilespmem:s29+$0x60]  }
0x1fb: {  	v15 =	vld [tilespmem:s29+$0xFFFFFF80]  }
0x1fc: {  	v0 =	vld.idx.msk [tilespmem:v0+s14+$0x0], $0xffff  }
0x1fd: {  	v1 =	vld.idx.msk [tilespmem:v1+s14+$0x0], $0xffff  }
0x1fe: {  	v2 =	vld.idx.msk [tilespmem:v2+s14+$0x0], $0xffff  }
0x1ff: {  	v3 =	vld.idx.msk [tilespmem:v3+s14+$0x0], $0xffff  }
0x200: {  	v4 =	vld.idx.msk [tilespmem:v4+s14+$0x0], $0xffff  }
0x201: {  	s29 =	simm.s32 $0x1A180;
	v5 =	vld.idx.msk [tilespmem:v5+s14+$0x0], $0xffff  }
0x202: {  	v6 =	vld.idx.msk [tilespmem:v6+s14+$0x0], $0xffff;
	[tilespmem:s29+$0x70] =	vst v0  }
0x203: {  	v7 =	vld.idx.msk [tilespmem:v7+s14+$0x0], $0xffff;
	[tilespmem:s29+$0xFFFFFF90] =	vst v1  }
0x204: {  	v15 =	vld.idx.msk [tilespmem:v15+s14+$0x0], $0xffff;
	[tilespmem:s29+$0xFFFFFFA0] =	vst v2  }
0x205: {  	v8 =	vld.idx.msk [tilespmem:v8+s14+$0x0], $0xffff;
	[tilespmem:s29+$0xFFFFFFB0] =	vst v3  }
0x206: {  	[tilespmem:s29+$0xFFFFFFC0] =	vst v4;
	v0 =	vld.idx.msk [tilespmem:v9+s14+$0x0], $0xffff  }
0x207: {  	[tilespmem:s29+$0xFFFFFFD0] =	vst v5;
	v1 =	vld.idx.msk [tilespmem:v10+s14+$0x0], $0xffff  }
0x208: {  	[tilespmem:s29+$0xFFFFFFE0] =	vst v6;
	v2 =	vld.idx.msk [tilespmem:v11+s14+$0x0], $0xffff  }
0x209: {  	[tilespmem:s29+$0xFFFFFFF0] =	vst v7;
	v3 =	vld.idx.msk [tilespmem:v12+s14+$0x0], $0xffff  }
0x20a: {  	[tilespmem:s29+$0xFFFFFF80] =	vst v15;
	v4 =	vld.idx.msk [tilespmem:v13+s14+$0x0], $0xffff  }
0x20b: {  	s30 =	simm.s32 $0x0;
	s31 =	simm.s32 $0xB80;
	[tilespmem:s29+$0x0] =	vst v8;
	v5 =	vld.idx.msk [tilespmem:v14+s14+$0x0], $0xffff  }
.LBB2_12:
0x20c: {  	v6 =	vld [tilespmem:s31+$0x70];
	s30 =	sadd.s32 $0x10, s30;
	[tilespmem:s29+$0x10] =	vst v0  }
0x20d: {  	v0 =	vld [tilespmem:s31+$0xFFFFFF90];
	p0 =	slt.u32 s30, $0x70;
	[tilespmem:s29+$0x20] =	vst v1  }
0x20e: {  	v1 =	vld [tilespmem:s31+$0xFFFFFFA0];
	[tilespmem:s29+$0x30] =	vst v2  }
0x20f: {  	v2 =	vld [tilespmem:s31+$0xFFFFFFB0];
	[tilespmem:s29+$0x40] =	vst v3  }
0x210: {  	v3 =	vld [tilespmem:s31+$0xFFFFFFC0];
	[tilespmem:s29+$0x50] =	vst v4  }
0x211: {  	v4 =	vld [tilespmem:s31+$0xFFFFFFD0];
	[tilespmem:s29+$0x60] =	vst v5  }
0x212: {  	v5 =	vld [tilespmem:s31+$0xFFFFFFE0]  }
0x213: {  	v7 =	vld [tilespmem:s31+$0xFFFFFFF0]  }
0x214: {  	v6 =	vld.idx.msk [tilespmem:v6+s14+$0x0], $0xffff  }
0x215: {  	v8 =	vld [tilespmem:s31+$0x0]  }
0x216: {  	v9 =	vld [tilespmem:s31+$0x10]  }
0x217: {  	v10 =	vld [tilespmem:s31+$0x20]  }
0x218: {  	v11 =	vld [tilespmem:s31+$0x30]  }
0x219: {  	s29 =	sadd.s32 $0x100, s29;
	v12 =	vld [tilespmem:s31+$0x40]  }
0x21a: {  	v13 =	vld [tilespmem:s31+$0x50];
	[tilespmem:s29+$0x70] =	vst v6  }
0x21b: {  	v6 =	vld [tilespmem:s31+$0x60]  }
0x21c: {  	v14 =	vld [tilespmem:s31+$0xFFFFFF80]  }
0x21d: {  	v0 =	vld.idx.msk [tilespmem:v0+s14+$0x0], $0xffff  }
0x21e: {  	v1 =	vld.idx.msk [tilespmem:v1+s14+$0x0], $0xffff  }
0x21f: {  	v2 =	vld.idx.msk [tilespmem:v2+s14+$0x0], $0xffff  }
0x220: {  	v3 =	vld.idx.msk [tilespmem:v3+s14+$0x0], $0xffff  }
0x221: {  	v4 =	vld.idx.msk [tilespmem:v4+s14+$0x0], $0xffff  }
0x222: {  	v5 =	vld.idx.msk [tilespmem:v5+s14+$0x0], $0xffff  }
0x223: {  	[tilespmem:s29+$0xFFFFFF90] =	vst v0;
	v7 =	vld.idx.msk [tilespmem:v7+s14+$0x0], $0xffff  }
0x224: {  	v14 =	vld.idx.msk [tilespmem:v14+s14+$0x0], $0xffff;
	[tilespmem:s29+$0xFFFFFFA0] =	vst v1  }
0x225: {  	[tilespmem:s29+$0xFFFFFFB0] =	vst v2;
	v8 =	vld.idx.msk [tilespmem:v8+s14+$0x0], $0xffff  }
0x226: {  	[tilespmem:s29+$0xFFFFFFC0] =	vst v3;
	v0 =	vld.idx.msk [tilespmem:v9+s14+$0x0], $0xffff  }
.Ltmp5:
0x227: {  	[tilespmem:s29+$0xFFFFFFD0] =	vst v4;
	v1 =	vld.idx.msk [tilespmem:v10+s14+$0x0], $0xffff;
	(pc) =	sbr.rel @p0 .LBB2_12-.Ltmp5, $4  }
0x228: {  	[tilespmem:s29+$0xFFFFFFE0] =	vst v5;
	v2 =	vld.idx.msk [tilespmem:v11+s14+$0x0], $0xffff  }
0x229: {  	[tilespmem:s29+$0xFFFFFFF0] =	vst v7;
	v3 =	vld.idx.msk [tilespmem:v12+s14+$0x0], $0xffff  }
0x22a: {  	[tilespmem:s29+$0xFFFFFF80] =	vst v14;
	v4 =	vld.idx.msk [tilespmem:v13+s14+$0x0], $0xffff  }
0x22b: {  	s31 =	sadd.s32 $0x100, s31;
	[tilespmem:s29+$0x0] =	vst v8;
	v5 =	vld.idx.msk [tilespmem:v6+s14+$0x0], $0xffff  }
0x22c: {  	[tilespmem:s29+$0x10] =	vst v0  }
0x22d: {  	[tilespmem:s29+$0x20] =	vst v1  }
0x22e: {  	[tilespmem:s29+$0x30] =	vst v2  }
0x22f: {  	[tilespmem:s29+$0x40] =	vst v3  }
0x230: {  	[tilespmem:s29+$0x50] =	vst v4  }
0x231: {  	[tilespmem:s29+$0x60] =	vst v5  }
0x232: {  	s29 =	rddreg [dreg:$0xe]  }
0x233: {  	[hbm4b:s29+s12] =	stream.strided.scatter [tilespmem:s25], [sflag:$0x4], $0x800, s13, s12, $0x38;
	[tilespmem:$0x1E900] =	vst v63  }
0x234: {  	_ = 	snop  }
0x235: {  	[tilespmem:s17], [sflag:$0x3] =	stream.linear.gather [hbm4b:s10+s3], $0x800, $0x38;
	[tilespmem:$0x1E900] =	vst v63  }
0x236: {  	_ =	swait.ge [sflag:s23], $0x800  }
0x237: {  	[sflag:s23] =	ssyncset.done $0x0  }
0x238: {  	[sflag:s23] =	ssyncadd.s32 $0xFFFFF800  }
0x239: {  	_ =	swait.ge [sflag:s26], $0x800  }
0x23a: {  	[sflag:s26] =	ssyncset.done $0x0  }
0x23b: {  	s29 =	simm.s32 $0x280;
	[sflag:s26] =	ssyncadd.s32 $0xFFFFF800  }
0x23c: {  	v0 =	vld [tilespmem:s29+$0x70]  }
0x23d: {  	v1 =	vld [tilespmem:s29+$0xFFFFFF90]  }
0x23e: {  	v2 =	vld [tilespmem:s29+$0xFFFFFFA0]  }
0x23f: {  	v3 =	vld [tilespmem:s29+$0xFFFFFFB0]  }
0x240: {  	v4 =	vld [tilespmem:s29+$0xFFFFFFC0]  }
0x241: {  	v5 =	vld [tilespmem:s29+$0xFFFFFFD0]  }
0x242: {  	v6 =	vld [tilespmem:s29+$0xFFFFFFE0]  }
0x243: {  	v7 =	vld [tilespmem:s29+$0xFFFFFFF0]  }
0x244: {  	v8 =	vld [tilespmem:s29+$0x0]  }
0x245: {  	v9 =	vld [tilespmem:s29+$0x10]  }
0x246: {  	v10 =	vld [tilespmem:s29+$0x20]  }
0x247: {  	v11 =	vld [tilespmem:s29+$0x30]  }
0x248: {  	v12 =	vld [tilespmem:s29+$0x40]  }
0x249: {  	v13 =	vld [tilespmem:s29+$0x50]  }
0x24a: {  	v14 =	vld [tilespmem:s29+$0x60]  }
0x24b: {  	v15 =	vld [tilespmem:s29+$0xFFFFFF80]  }
0x24c: {  	v0 =	vld.idx.msk [tilespmem:v0+s14+$0x0], $0xffff  }
0x24d: {  	v1 =	vld.idx.msk [tilespmem:v1+s14+$0x0], $0xffff  }
0x24e: {  	v2 =	vld.idx.msk [tilespmem:v2+s14+$0x0], $0xffff  }
0x24f: {  	v3 =	vld.idx.msk [tilespmem:v3+s14+$0x0], $0xffff  }
0x250: {  	v4 =	vld.idx.msk [tilespmem:v4+s14+$0x0], $0xffff  }
0x251: {  	s29 =	simm.s32 $0x19980;
	v5 =	vld.idx.msk [tilespmem:v5+s14+$0x0], $0xffff  }
0x252: {  	v6 =	vld.idx.msk [tilespmem:v6+s14+$0x0], $0xffff;
	[tilespmem:s29+$0x70] =	vst v0  }
0x253: {  	v7 =	vld.idx.msk [tilespmem:v7+s14+$0x0], $0xffff;
	[tilespmem:s29+$0xFFFFFF90] =	vst v1  }
0x254: {  	v15 =	vld.idx.msk [tilespmem:v15+s14+$0x0], $0xffff;
	[tilespmem:s29+$0xFFFFFFA0] =	vst v2  }
0x255: {  	v8 =	vld.idx.msk [tilespmem:v8+s14+$0x0], $0xffff;
	[tilespmem:s29+$0xFFFFFFB0] =	vst v3  }
0x256: {  	[tilespmem:s29+$0xFFFFFFC0] =	vst v4;
	v0 =	vld.idx.msk [tilespmem:v9+s14+$0x0], $0xffff  }
0x257: {  	[tilespmem:s29+$0xFFFFFFD0] =	vst v5;
	v1 =	vld.idx.msk [tilespmem:v10+s14+$0x0], $0xffff  }
0x258: {  	[tilespmem:s29+$0xFFFFFFE0] =	vst v6;
	v2 =	vld.idx.msk [tilespmem:v11+s14+$0x0], $0xffff  }
0x259: {  	[tilespmem:s29+$0xFFFFFFF0] =	vst v7;
	v3 =	vld.idx.msk [tilespmem:v12+s14+$0x0], $0xffff  }
0x25a: {  	[tilespmem:s29+$0xFFFFFF80] =	vst v15;
	v4 =	vld.idx.msk [tilespmem:v13+s14+$0x0], $0xffff  }
0x25b: {  	s30 =	simm.s32 $0x0;
	s31 =	simm.s32 $0x380;
	[tilespmem:s29+$0x0] =	vst v8;
	v5 =	vld.idx.msk [tilespmem:v14+s14+$0x0], $0xffff  }
.LBB2_14:
0x25c: {  	v6 =	vld [tilespmem:s31+$0x70];
	s30 =	sadd.s32 $0x10, s30;
	[tilespmem:s29+$0x10] =	vst v0  }
0x25d: {  	v0 =	vld [tilespmem:s31+$0xFFFFFF90];
	p0 =	slt.u32 s30, $0x70;
	[tilespmem:s29+$0x20] =	vst v1  }
0x25e: {  	v1 =	vld [tilespmem:s31+$0xFFFFFFA0];
	[tilespmem:s29+$0x30] =	vst v2  }
0x25f: {  	v2 =	vld [tilespmem:s31+$0xFFFFFFB0];
	[tilespmem:s29+$0x40] =	vst v3  }
0x260: {  	v3 =	vld [tilespmem:s31+$0xFFFFFFC0];
	[tilespmem:s29+$0x50] =	vst v4  }
0x261: {  	v4 =	vld [tilespmem:s31+$0xFFFFFFD0];
	[tilespmem:s29+$0x60] =	vst v5  }
0x262: {  	v5 =	vld [tilespmem:s31+$0xFFFFFFE0]  }
0x263: {  	v7 =	vld [tilespmem:s31+$0xFFFFFFF0]  }
0x264: {  	v6 =	vld.idx.msk [tilespmem:v6+s14+$0x0], $0xffff  }
0x265: {  	v8 =	vld [tilespmem:s31+$0x0]  }
0x266: {  	v9 =	vld [tilespmem:s31+$0x10]  }
0x267: {  	v10 =	vld [tilespmem:s31+$0x20]  }
0x268: {  	v11 =	vld [tilespmem:s31+$0x30]  }
0x269: {  	s29 =	sadd.s32 $0x100, s29;
	v12 =	vld [tilespmem:s31+$0x40]  }
0x26a: {  	v13 =	vld [tilespmem:s31+$0x50];
	[tilespmem:s29+$0x70] =	vst v6  }
0x26b: {  	v6 =	vld [tilespmem:s31+$0x60]  }
0x26c: {  	v14 =	vld [tilespmem:s31+$0xFFFFFF80]  }
0x26d: {  	v0 =	vld.idx.msk [tilespmem:v0+s14+$0x0], $0xffff  }
0x26e: {  	v1 =	vld.idx.msk [tilespmem:v1+s14+$0x0], $0xffff  }
0x26f: {  	v2 =	vld.idx.msk [tilespmem:v2+s14+$0x0], $0xffff  }
0x270: {  	v3 =	vld.idx.msk [tilespmem:v3+s14+$0x0], $0xffff  }
0x271: {  	v4 =	vld.idx.msk [tilespmem:v4+s14+$0x0], $0xffff  }
0x272: {  	v5 =	vld.idx.msk [tilespmem:v5+s14+$0x0], $0xffff  }
0x273: {  	[tilespmem:s29+$0xFFFFFF90] =	vst v0;
	v7 =	vld.idx.msk [tilespmem:v7+s14+$0x0], $0xffff  }
0x274: {  	v14 =	vld.idx.msk [tilespmem:v14+s14+$0x0], $0xffff;
	[tilespmem:s29+$0xFFFFFFA0] =	vst v1  }
0x275: {  	[tilespmem:s29+$0xFFFFFFB0] =	vst v2;
	v8 =	vld.idx.msk [tilespmem:v8+s14+$0x0], $0xffff  }
0x276: {  	[tilespmem:s29+$0xFFFFFFC0] =	vst v3;
	v0 =	vld.idx.msk [tilespmem:v9+s14+$0x0], $0xffff  }
.Ltmp6:
0x277: {  	[tilespmem:s29+$0xFFFFFFD0] =	vst v4;
	v1 =	vld.idx.msk [tilespmem:v10+s14+$0x0], $0xffff;
	(pc) =	sbr.rel @p0 .LBB2_14-.Ltmp6, $4  }
0x278: {  	[tilespmem:s29+$0xFFFFFFE0] =	vst v5;
	v2 =	vld.idx.msk [tilespmem:v11+s14+$0x0], $0xffff  }
0x279: {  	[tilespmem:s29+$0xFFFFFFF0] =	vst v7;
	v3 =	vld.idx.msk [tilespmem:v12+s14+$0x0], $0xffff  }
0x27a: {  	[tilespmem:s29+$0xFFFFFF80] =	vst v14;
	v4 =	vld.idx.msk [tilespmem:v13+s14+$0x0], $0xffff  }
0x27b: {  	s31 =	sadd.s32 $0x100, s31;
	[tilespmem:s29+$0x0] =	vst v8;
	v5 =	vld.idx.msk [tilespmem:v6+s14+$0x0], $0xffff  }
0x27c: {  	[tilespmem:s29+$0x10] =	vst v0  }
0x27d: {  	[tilespmem:s29+$0x20] =	vst v1  }
0x27e: {  	[tilespmem:s29+$0x30] =	vst v2  }
0x27f: {  	[tilespmem:s29+$0x40] =	vst v3  }
0x280: {  	[tilespmem:s29+$0x50] =	vst v4  }
0x281: {  	[tilespmem:s29+$0x60] =	vst v5  }
0x282: {  	s29 =	rddreg [dreg:$0xf]  }
0x283: {  	[hbm4b:s29+s12] =	stream.strided.scatter [tilespmem:s24], [sflag:$0x4], $0x800, s13, s12, $0x38;
	[tilespmem:$0x1E900] =	vst v63  }
0x284: {  	_ = 	snop  }
0x285: {  	[tilespmem:s15], [sflag:$0x3] =	stream.linear.gather [hbm4b:s1+s3], $0x800, $0x38;
	[tilespmem:$0x1E900] =	vst v63  }
0x286: {  	_ =	swait.ge [sflag:s23], $0x800  }
0x287: {  	[sflag:s23] =	ssyncset.done $0x0  }
0x288: {  	[sflag:s23] =	ssyncadd.s32 $0xFFFFF800  }
0x289: {  	_ =	swait.ge [sflag:s26], $0x800  }
0x28a: {  	[sflag:s26] =	ssyncset.done $0x0  }
0x28b: {  	s29 =	simm.s32 $0xA80;
	[sflag:s26] =	ssyncadd.s32 $0xFFFFF800  }
0x28c: {  	v0 =	vld [tilespmem:s29+$0x70]  }
0x28d: {  	v1 =	vld [tilespmem:s29+$0xFFFFFF90]  }
0x28e: {  	v2 =	vld [tilespmem:s29+$0xFFFFFFA0]  }
0x28f: {  	v3 =	vld [tilespmem:s29+$0xFFFFFFB0]  }
0x290: {  	v4 =	vld [tilespmem:s29+$0xFFFFFFC0]  }
0x291: {  	v5 =	vld [tilespmem:s29+$0xFFFFFFD0]  }
0x292: {  	v6 =	vld [tilespmem:s29+$0xFFFFFFE0]  }
0x293: {  	v7 =	vld [tilespmem:s29+$0xFFFFFFF0]  }
0x294: {  	v8 =	vld [tilespmem:s29+$0x0]  }
0x295: {  	v9 =	vld [tilespmem:s29+$0x10]  }
0x296: {  	v10 =	vld [tilespmem:s29+$0x20]  }
0x297: {  	v11 =	vld [tilespmem:s29+$0x30]  }
0x298: {  	v12 =	vld [tilespmem:s29+$0x40]  }
0x299: {  	v13 =	vld [tilespmem:s29+$0x50]  }
0x29a: {  	v14 =	vld [tilespmem:s29+$0x60]  }
0x29b: {  	v15 =	vld [tilespmem:s29+$0xFFFFFF80]  }
0x29c: {  	v0 =	vld.idx.msk [tilespmem:v0+s14+$0x0], $0xffff  }
0x29d: {  	v1 =	vld.idx.msk [tilespmem:v1+s14+$0x0], $0xffff  }
0x29e: {  	v2 =	vld.idx.msk [tilespmem:v2+s14+$0x0], $0xffff  }
0x29f: {  	v3 =	vld.idx.msk [tilespmem:v3+s14+$0x0], $0xffff  }
0x2a0: {  	v4 =	vld.idx.msk [tilespmem:v4+s14+$0x0], $0xffff  }
0x2a1: {  	s29 =	simm.s32 $0x1A180;
	v5 =	vld.idx.msk [tilespmem:v5+s14+$0x0], $0xffff  }
0x2a2: {  	v6 =	vld.idx.msk [tilespmem:v6+s14+$0x0], $0xffff;
	[tilespmem:s29+$0x70] =	vst v0  }
0x2a3: {  	v7 =	vld.idx.msk [tilespmem:v7+s14+$0x0], $0xffff;
	[tilespmem:s29+$0xFFFFFF90] =	vst v1  }
0x2a4: {  	v15 =	vld.idx.msk [tilespmem:v15+s14+$0x0], $0xffff;
	[tilespmem:s29+$0xFFFFFFA0] =	vst v2  }
0x2a5: {  	v8 =	vld.idx.msk [tilespmem:v8+s14+$0x0], $0xffff;
	[tilespmem:s29+$0xFFFFFFB0] =	vst v3  }
0x2a6: {  	[tilespmem:s29+$0xFFFFFFC0] =	vst v4;
	v0 =	vld.idx.msk [tilespmem:v9+s14+$0x0], $0xffff  }
0x2a7: {  	[tilespmem:s29+$0xFFFFFFD0] =	vst v5;
	v1 =	vld.idx.msk [tilespmem:v10+s14+$0x0], $0xffff  }
0x2a8: {  	[tilespmem:s29+$0xFFFFFFE0] =	vst v6;
	v2 =	vld.idx.msk [tilespmem:v11+s14+$0x0], $0xffff  }
0x2a9: {  	[tilespmem:s29+$0xFFFFFFF0] =	vst v7;
	v3 =	vld.idx.msk [tilespmem:v12+s14+$0x0], $0xffff  }
0x2aa: {  	[tilespmem:s29+$0xFFFFFF80] =	vst v15;
	v4 =	vld.idx.msk [tilespmem:v13+s14+$0x0], $0xffff  }
0x2ab: {  	s30 =	simm.s32 $0x0;
	s31 =	simm.s32 $0xB80;
	[tilespmem:s29+$0x0] =	vst v8;
	v5 =	vld.idx.msk [tilespmem:v14+s14+$0x0], $0xffff  }
.LBB2_16:
0x2ac: {  	v6 =	vld [tilespmem:s31+$0x70];
	s30 =	sadd.s32 $0x10, s30;
	[tilespmem:s29+$0x10] =	vst v0  }
0x2ad: {  	v0 =	vld [tilespmem:s31+$0xFFFFFF90];
	p0 =	slt.u32 s30, $0x70;
	[tilespmem:s29+$0x20] =	vst v1  }
0x2ae: {  	v1 =	vld [tilespmem:s31+$0xFFFFFFA0];
	[tilespmem:s29+$0x30] =	vst v2  }
0x2af: {  	v2 =	vld [tilespmem:s31+$0xFFFFFFB0];
	[tilespmem:s29+$0x40] =	vst v3  }
0x2b0: {  	v3 =	vld [tilespmem:s31+$0xFFFFFFC0];
	[tilespmem:s29+$0x50] =	vst v4  }
0x2b1: {  	v4 =	vld [tilespmem:s31+$0xFFFFFFD0];
	[tilespmem:s29+$0x60] =	vst v5  }
0x2b2: {  	v5 =	vld [tilespmem:s31+$0xFFFFFFE0]  }
0x2b3: {  	v7 =	vld [tilespmem:s31+$0xFFFFFFF0]  }
0x2b4: {  	v6 =	vld.idx.msk [tilespmem:v6+s14+$0x0], $0xffff  }
0x2b5: {  	v8 =	vld [tilespmem:s31+$0x0]  }
0x2b6: {  	v9 =	vld [tilespmem:s31+$0x10]  }
0x2b7: {  	v10 =	vld [tilespmem:s31+$0x20]  }
0x2b8: {  	v11 =	vld [tilespmem:s31+$0x30]  }
0x2b9: {  	s29 =	sadd.s32 $0x100, s29;
	v12 =	vld [tilespmem:s31+$0x40]  }
0x2ba: {  	v13 =	vld [tilespmem:s31+$0x50];
	[tilespmem:s29+$0x70] =	vst v6  }
0x2bb: {  	v6 =	vld [tilespmem:s31+$0x60]  }
0x2bc: {  	v14 =	vld [tilespmem:s31+$0xFFFFFF80]  }
0x2bd: {  	v0 =	vld.idx.msk [tilespmem:v0+s14+$0x0], $0xffff  }
0x2be: {  	v1 =	vld.idx.msk [tilespmem:v1+s14+$0x0], $0xffff  }
0x2bf: {  	v2 =	vld.idx.msk [tilespmem:v2+s14+$0x0], $0xffff  }
0x2c0: {  	v3 =	vld.idx.msk [tilespmem:v3+s14+$0x0], $0xffff  }
0x2c1: {  	v4 =	vld.idx.msk [tilespmem:v4+s14+$0x0], $0xffff  }
0x2c2: {  	v5 =	vld.idx.msk [tilespmem:v5+s14+$0x0], $0xffff  }
0x2c3: {  	[tilespmem:s29+$0xFFFFFF90] =	vst v0;
	v7 =	vld.idx.msk [tilespmem:v7+s14+$0x0], $0xffff  }
0x2c4: {  	v14 =	vld.idx.msk [tilespmem:v14+s14+$0x0], $0xffff;
	[tilespmem:s29+$0xFFFFFFA0] =	vst v1  }
0x2c5: {  	[tilespmem:s29+$0xFFFFFFB0] =	vst v2;
	v8 =	vld.idx.msk [tilespmem:v8+s14+$0x0], $0xffff  }
0x2c6: {  	[tilespmem:s29+$0xFFFFFFC0] =	vst v3;
	v0 =	vld.idx.msk [tilespmem:v9+s14+$0x0], $0xffff  }
.Ltmp7:
0x2c7: {  	[tilespmem:s29+$0xFFFFFFD0] =	vst v4;
	v1 =	vld.idx.msk [tilespmem:v10+s14+$0x0], $0xffff;
	(pc) =	sbr.rel @p0 .LBB2_16-.Ltmp7, $4  }
0x2c8: {  	[tilespmem:s29+$0xFFFFFFE0] =	vst v5;
	v2 =	vld.idx.msk [tilespmem:v11+s14+$0x0], $0xffff  }
0x2c9: {  	[tilespmem:s29+$0xFFFFFFF0] =	vst v7;
	v3 =	vld.idx.msk [tilespmem:v12+s14+$0x0], $0xffff  }
0x2ca: {  	[tilespmem:s29+$0xFFFFFF80] =	vst v14;
	v4 =	vld.idx.msk [tilespmem:v13+s14+$0x0], $0xffff  }
0x2cb: {  	s31 =	sadd.s32 $0x100, s31;
	[tilespmem:s29+$0x0] =	vst v8;
	v5 =	vld.idx.msk [tilespmem:v6+s14+$0x0], $0xffff  }
0x2cc: {  	[tilespmem:s29+$0x10] =	vst v0  }
0x2cd: {  	[tilespmem:s29+$0x20] =	vst v1  }
0x2ce: {  	[tilespmem:s29+$0x30] =	vst v2  }
0x2cf: {  	[tilespmem:s29+$0x40] =	vst v3  }
0x2d0: {  	[tilespmem:s29+$0x50] =	vst v4  }
0x2d1: {  	[tilespmem:s29+$0x60] =	vst v5  }
0x2d2: {  	s29 =	rddreg [dreg:$0x11]  }
0x2d3: {  	[hbm4b:s29+s12] =	stream.strided.scatter [tilespmem:s25], [sflag:$0x4], $0x800, s13, s12, $0x38;
	[tilespmem:$0x1E900] =	vst v63  }
0x2d4: {  	_ = 	snop  }
0x2d5: {  	[tilespmem:s17], [sflag:$0x3] =	stream.linear.gather [hbm4b:s4+s3], $0x800, $0x38;
	[tilespmem:$0x1E900] =	vst v63  }
0x2d6: {  	s29 =	rddreg [dreg:$0x10]  }
0x2d7: {  	[tilespmem:s14], [sflag:$0x2] =	stream.strided.gather [hbm4b:s29+s12], $0x18700, s13, s12, $0x38;
	[tilespmem:$0x1E900] =	vst v63  }
0x2d8: {  	_ =	swait.ge [sflag:s21], $0x2000  }
0x2d9: {  	[sflag:s21] =	ssyncset.done $0x0  }
0x2da: {  	s29 =	rddreg [dreg:$0x1e];
	[sflag:s21] =	ssyncadd.s32 $0xFFFFE000  }
0x2db: {  	[hbm4b:s29+s3] =	stream.linear.scatter [tilespmem:s19], [sflag:$0x5], $0x2000, $0x38;
	[tilespmem:$0x1E900] =	vst v63  }
0x2dc: {  	_ =	swait.ge [sflag:s11], $0x2000  }
0x2dd: {  	[sflag:s11] =	ssyncset.done $0x0  }
0x2de: {  	s29 =	simm.s32 $0x180;
	[sflag:s11] =	ssyncadd.s32 $0xFFFFE000  }
0x2df: {  	[tilespmem:s19], [sflag:$0x1] =	stream.indirect.gather [hbm4b:s2+s18], $0x80, s29, s18, $0xb8;
	[tilespmem:$0x1E900] =	vst v63  }
0x2e0: {  	_ =	swait.ge [sflag:s21], $0x2000  }
0x2e1: {  	[sflag:s21] =	ssyncset.done $0x0  }
0x2e2: {  	s29 =	rddreg [dreg:$0x1f];
	[sflag:s21] =	ssyncadd.s32 $0xFFFFE000  }
0x2e3: {  	[hbm4b:s29+s3] =	stream.linear.scatter [tilespmem:s20], [sflag:$0x5], $0x2000, $0x38;
	[tilespmem:$0x1E900] =	vst v63  }
0x2e4: {  	_ =	swait.ge [sflag:s11], $0x2000  }
0x2e5: {  	[sflag:s11] =	ssyncset.done $0x0  }
0x2e6: {  	s29 =	simm.s32 $0x1C0;
	[sflag:s11] =	ssyncadd.s32 $0xFFFFE000  }
0x2e7: {  	[tilespmem:s20], [sflag:$0x1] =	stream.indirect.gather [hbm4b:s2+s18], $0x80, s29, s18, $0xb8;
	[tilespmem:$0x1E900] =	vst v63  }
0x2e8: {  	_ =	swait.ge [sflag:s21], $0x2000  }
0x2e9: {  	s29 =	sld [smem:$0x7FD]  }
0x2ea: {  	[sflag:s21] =	ssyncset.done $0x0  }
0x2eb: {  	[sflag:s21] =	ssyncadd.s32 $0xFFFFE000  }
0x2ec: {  	[hbm4b:s29+s3] =	stream.linear.scatter [tilespmem:s19], [sflag:$0x5], $0x2000, $0x38;
	[tilespmem:$0x1E900] =	vst v63  }
0x2ed: {  	_ =	swait.ge [sflag:s11], $0x2000  }
0x2ee: {  	[sflag:s11] =	ssyncset.done $0x0  }
0x2ef: {  	[sflag:s11] =	ssyncadd.s32 $0xFFFFE000  }
0x2f0: {  	_ =	swait.ge [sflag:s21], $0x2000  }
0x2f1: {  	[sflag:s21] =	ssyncset.done $0x0  }
0x2f2: {  	[sflag:s21] =	ssyncadd.s32 $0xFFFFE000  }
0x2f3: {  	[hbm4b:s16+s3] =	stream.linear.scatter [tilespmem:s20], [sflag:$0x5], $0x2000, $0x38;
	[tilespmem:$0x1E900] =	vst v63  }
0x2f4: {  	_ =	swait.ge [sflag:s11], $0x2000  }
0x2f5: {  	[sflag:s11] =	ssyncset.done $0x0  }
0x2f6: {  	[sflag:s11] =	ssyncadd.s32 $0xFFFFE000  }
0x2f7: {  	_ =	swait.ge [sflag:s22], $0x18700  }
0x2f8: {  	[sflag:s22] =	ssyncset.done $0x0  }
0x2f9: {  	[sflag:s22] =	ssyncadd.s32 $0xFFFE7900  }
0x2fa: {  	_ =	swait.ge [sflag:s23], $0x800  }
0x2fb: {  	[sflag:s23] =	ssyncset.done $0x0  }
0x2fc: {  	[sflag:s23] =	ssyncadd.s32 $0xFFFFF800  }
0x2fd: {  	_ =	swait.ge [sflag:s26], $0x800  }
0x2fe: {  	[sflag:s26] =	ssyncset.done $0x0  }
0x2ff: {  	s29 =	simm.s32 $0x280;
	[sflag:s26] =	ssyncadd.s32 $0xFFFFF800  }
0x300: {  	v0 =	vld [tilespmem:s29+$0x70]  }
0x301: {  	v1 =	vld [tilespmem:s29+$0xFFFFFF90]  }
0x302: {  	v2 =	vld [tilespmem:s29+$0xFFFFFFA0]  }
0x303: {  	v3 =	vld [tilespmem:s29+$0xFFFFFFB0]  }
0x304: {  	v4 =	vld [tilespmem:s29+$0xFFFFFFC0]  }
0x305: {  	v5 =	vld [tilespmem:s29+$0xFFFFFFD0]  }
0x306: {  	v6 =	vld [tilespmem:s29+$0xFFFFFFE0]  }
0x307: {  	v7 =	vld [tilespmem:s29+$0xFFFFFFF0]  }
0x308: {  	v8 =	vld [tilespmem:s29+$0x0]  }
0x309: {  	v9 =	vld [tilespmem:s29+$0x10]  }
0x30a: {  	v10 =	vld [tilespmem:s29+$0x20]  }
0x30b: {  	v11 =	vld [tilespmem:s29+$0x30]  }
0x30c: {  	v12 =	vld [tilespmem:s29+$0x40]  }
0x30d: {  	v13 =	vld [tilespmem:s29+$0x50]  }
0x30e: {  	v14 =	vld [tilespmem:s29+$0x60]  }
0x30f: {  	v15 =	vld [tilespmem:s29+$0xFFFFFF80]  }
0x310: {  	v0 =	vld.idx.msk [tilespmem:v0+s14+$0x0], $0xffff  }
0x311: {  	v1 =	vld.idx.msk [tilespmem:v1+s14+$0x0], $0xffff  }
0x312: {  	v2 =	vld.idx.msk [tilespmem:v2+s14+$0x0], $0xffff  }
0x313: {  	v3 =	vld.idx.msk [tilespmem:v3+s14+$0x0], $0xffff  }
0x314: {  	v4 =	vld.idx.msk [tilespmem:v4+s14+$0x0], $0xffff  }
0x315: {  	s29 =	simm.s32 $0x19980;
	v5 =	vld.idx.msk [tilespmem:v5+s14+$0x0], $0xffff  }
0x316: {  	v6 =	vld.idx.msk [tilespmem:v6+s14+$0x0], $0xffff;
	[tilespmem:s29+$0x70] =	vst v0  }
0x317: {  	v7 =	vld.idx.msk [tilespmem:v7+s14+$0x0], $0xffff;
	[tilespmem:s29+$0xFFFFFF90] =	vst v1  }
0x318: {  	v15 =	vld.idx.msk [tilespmem:v15+s14+$0x0], $0xffff;
	[tilespmem:s29+$0xFFFFFFA0] =	vst v2  }
0x319: {  	v8 =	vld.idx.msk [tilespmem:v8+s14+$0x0], $0xffff;
	[tilespmem:s29+$0xFFFFFFB0] =	vst v3  }
0x31a: {  	[tilespmem:s29+$0xFFFFFFC0] =	vst v4;
	v0 =	vld.idx.msk [tilespmem:v9+s14+$0x0], $0xffff  }
0x31b: {  	[tilespmem:s29+$0xFFFFFFD0] =	vst v5;
	v1 =	vld.idx.msk [tilespmem:v10+s14+$0x0], $0xffff  }
0x31c: {  	[tilespmem:s29+$0xFFFFFFE0] =	vst v6;
	v2 =	vld.idx.msk [tilespmem:v11+s14+$0x0], $0xffff  }
0x31d: {  	[tilespmem:s29+$0xFFFFFFF0] =	vst v7;
	v3 =	vld.idx.msk [tilespmem:v12+s14+$0x0], $0xffff  }
0x31e: {  	[tilespmem:s29+$0xFFFFFF80] =	vst v15;
	v4 =	vld.idx.msk [tilespmem:v13+s14+$0x0], $0xffff  }
0x31f: {  	s30 =	simm.s32 $0x0;
	s31 =	simm.s32 $0x380;
	[tilespmem:s29+$0x0] =	vst v8;
	v5 =	vld.idx.msk [tilespmem:v14+s14+$0x0], $0xffff  }
.LBB2_18:
0x320: {  	v6 =	vld [tilespmem:s31+$0x70];
	s30 =	sadd.s32 $0x10, s30;
	[tilespmem:s29+$0x10] =	vst v0  }
0x321: {  	v0 =	vld [tilespmem:s31+$0xFFFFFF90];
	p0 =	slt.u32 s30, $0x70;
	[tilespmem:s29+$0x20] =	vst v1  }
0x322: {  	v1 =	vld [tilespmem:s31+$0xFFFFFFA0];
	[tilespmem:s29+$0x30] =	vst v2  }
0x323: {  	v2 =	vld [tilespmem:s31+$0xFFFFFFB0];
	[tilespmem:s29+$0x40] =	vst v3  }
0x324: {  	v3 =	vld [tilespmem:s31+$0xFFFFFFC0];
	[tilespmem:s29+$0x50] =	vst v4  }
0x325: {  	v4 =	vld [tilespmem:s31+$0xFFFFFFD0];
	[tilespmem:s29+$0x60] =	vst v5  }
0x326: {  	v5 =	vld [tilespmem:s31+$0xFFFFFFE0]  }
0x327: {  	v7 =	vld [tilespmem:s31+$0xFFFFFFF0]  }
0x328: {  	v6 =	vld.idx.msk [tilespmem:v6+s14+$0x0], $0xffff  }
0x329: {  	v8 =	vld [tilespmem:s31+$0x0]  }
0x32a: {  	v9 =	vld [tilespmem:s31+$0x10]  }
0x32b: {  	v10 =	vld [tilespmem:s31+$0x20]  }
0x32c: {  	v11 =	vld [tilespmem:s31+$0x30]  }
0x32d: {  	s29 =	sadd.s32 $0x100, s29;
	v12 =	vld [tilespmem:s31+$0x40]  }
0x32e: {  	v13 =	vld [tilespmem:s31+$0x50];
	[tilespmem:s29+$0x70] =	vst v6  }
0x32f: {  	v6 =	vld [tilespmem:s31+$0x60]  }
0x330: {  	v14 =	vld [tilespmem:s31+$0xFFFFFF80]  }
0x331: {  	v0 =	vld.idx.msk [tilespmem:v0+s14+$0x0], $0xffff  }
0x332: {  	v1 =	vld.idx.msk [tilespmem:v1+s14+$0x0], $0xffff  }
0x333: {  	v2 =	vld.idx.msk [tilespmem:v2+s14+$0x0], $0xffff  }
0x334: {  	v3 =	vld.idx.msk [tilespmem:v3+s14+$0x0], $0xffff  }
0x335: {  	v4 =	vld.idx.msk [tilespmem:v4+s14+$0x0], $0xffff  }
0x336: {  	v5 =	vld.idx.msk [tilespmem:v5+s14+$0x0], $0xffff  }
0x337: {  	[tilespmem:s29+$0xFFFFFF90] =	vst v0;
	v7 =	vld.idx.msk [tilespmem:v7+s14+$0x0], $0xffff  }
0x338: {  	v14 =	vld.idx.msk [tilespmem:v14+s14+$0x0], $0xffff;
	[tilespmem:s29+$0xFFFFFFA0] =	vst v1  }
0x339: {  	[tilespmem:s29+$0xFFFFFFB0] =	vst v2;
	v8 =	vld.idx.msk [tilespmem:v8+s14+$0x0], $0xffff  }
0x33a: {  	[tilespmem:s29+$0xFFFFFFC0] =	vst v3;
	v0 =	vld.idx.msk [tilespmem:v9+s14+$0x0], $0xffff  }
.Ltmp8:
0x33b: {  	[tilespmem:s29+$0xFFFFFFD0] =	vst v4;
	v1 =	vld.idx.msk [tilespmem:v10+s14+$0x0], $0xffff;
	(pc) =	sbr.rel @p0 .LBB2_18-.Ltmp8, $4  }
0x33c: {  	[tilespmem:s29+$0xFFFFFFE0] =	vst v5;
	v2 =	vld.idx.msk [tilespmem:v11+s14+$0x0], $0xffff  }
0x33d: {  	[tilespmem:s29+$0xFFFFFFF0] =	vst v7;
	v3 =	vld.idx.msk [tilespmem:v12+s14+$0x0], $0xffff  }
0x33e: {  	[tilespmem:s29+$0xFFFFFF80] =	vst v14;
	v4 =	vld.idx.msk [tilespmem:v13+s14+$0x0], $0xffff  }
0x33f: {  	s31 =	sadd.s32 $0x100, s31;
	[tilespmem:s29+$0x0] =	vst v8;
	v5 =	vld.idx.msk [tilespmem:v6+s14+$0x0], $0xffff  }
0x340: {  	[tilespmem:s29+$0x10] =	vst v0  }
0x341: {  	[tilespmem:s29+$0x20] =	vst v1  }
0x342: {  	[tilespmem:s29+$0x30] =	vst v2  }
0x343: {  	[tilespmem:s29+$0x40] =	vst v3  }
0x344: {  	[tilespmem:s29+$0x50] =	vst v4  }
0x345: {  	[tilespmem:s29+$0x60] =	vst v5  }
0x346: {  	s29 =	rddreg [dreg:$0x12]  }
0x347: {  	[hbm4b:s29+s12] =	stream.strided.scatter [tilespmem:s24], [sflag:$0x4], $0x800, s13, s12, $0x38;
	[tilespmem:$0x1E900] =	vst v63  }
0x348: {  	_ = 	snop  }
0x349: {  	[tilespmem:s15], [sflag:$0x3] =	stream.linear.gather [hbm4b:s5+s3], $0x800, $0x38;
	[tilespmem:$0x1E900] =	vst v63  }
0x34a: {  	_ =	swait.ge [sflag:s23], $0x800  }
0x34b: {  	[sflag:s23] =	ssyncset.done $0x0  }
0x34c: {  	[sflag:s23] =	ssyncadd.s32 $0xFFFFF800  }
0x34d: {  	_ =	swait.ge [sflag:s26], $0x800  }
0x34e: {  	[sflag:s26] =	ssyncset.done $0x0  }
0x34f: {  	s29 =	simm.s32 $0xA80;
	[sflag:s26] =	ssyncadd.s32 $0xFFFFF800  }
0x350: {  	v0 =	vld [tilespmem:s29+$0x70]  }
0x351: {  	v1 =	vld [tilespmem:s29+$0xFFFFFF90]  }
0x352: {  	v2 =	vld [tilespmem:s29+$0xFFFFFFA0]  }
0x353: {  	v3 =	vld [tilespmem:s29+$0xFFFFFFB0]  }
0x354: {  	v4 =	vld [tilespmem:s29+$0xFFFFFFC0]  }
0x355: {  	v5 =	vld [tilespmem:s29+$0xFFFFFFD0]  }
0x356: {  	v6 =	vld [tilespmem:s29+$0xFFFFFFE0]  }
0x357: {  	v7 =	vld [tilespmem:s29+$0xFFFFFFF0]  }
0x358: {  	v8 =	vld [tilespmem:s29+$0x0]  }
0x359: {  	v9 =	vld [tilespmem:s29+$0x10]  }
0x35a: {  	v10 =	vld [tilespmem:s29+$0x20]  }
0x35b: {  	v11 =	vld [tilespmem:s29+$0x30]  }
0x35c: {  	v12 =	vld [tilespmem:s29+$0x40]  }
0x35d: {  	v13 =	vld [tilespmem:s29+$0x50]  }
0x35e: {  	v14 =	vld [tilespmem:s29+$0x60]  }
0x35f: {  	v15 =	vld [tilespmem:s29+$0xFFFFFF80]  }
0x360: {  	v0 =	vld.idx.msk [tilespmem:v0+s14+$0x0], $0xffff  }
0x361: {  	v1 =	vld.idx.msk [tilespmem:v1+s14+$0x0], $0xffff  }
0x362: {  	v2 =	vld.idx.msk [tilespmem:v2+s14+$0x0], $0xffff  }
0x363: {  	v3 =	vld.idx.msk [tilespmem:v3+s14+$0x0], $0xffff  }
0x364: {  	v4 =	vld.idx.msk [tilespmem:v4+s14+$0x0], $0xffff  }
0x365: {  	s29 =	simm.s32 $0x1A180;
	v5 =	vld.idx.msk [tilespmem:v5+s14+$0x0], $0xffff  }
0x366: {  	v6 =	vld.idx.msk [tilespmem:v6+s14+$0x0], $0xffff;
	[tilespmem:s29+$0x70] =	vst v0  }
0x367: {  	v7 =	vld.idx.msk [tilespmem:v7+s14+$0x0], $0xffff;
	[tilespmem:s29+$0xFFFFFF90] =	vst v1  }
0x368: {  	v15 =	vld.idx.msk [tilespmem:v15+s14+$0x0], $0xffff;
	[tilespmem:s29+$0xFFFFFFA0] =	vst v2  }
0x369: {  	v8 =	vld.idx.msk [tilespmem:v8+s14+$0x0], $0xffff;
	[tilespmem:s29+$0xFFFFFFB0] =	vst v3  }
0x36a: {  	[tilespmem:s29+$0xFFFFFFC0] =	vst v4;
	v0 =	vld.idx.msk [tilespmem:v9+s14+$0x0], $0xffff  }
0x36b: {  	[tilespmem:s29+$0xFFFFFFD0] =	vst v5;
	v1 =	vld.idx.msk [tilespmem:v10+s14+$0x0], $0xffff  }
0x36c: {  	[tilespmem:s29+$0xFFFFFFE0] =	vst v6;
	v2 =	vld.idx.msk [tilespmem:v11+s14+$0x0], $0xffff  }
0x36d: {  	[tilespmem:s29+$0xFFFFFFF0] =	vst v7;
	v3 =	vld.idx.msk [tilespmem:v12+s14+$0x0], $0xffff  }
0x36e: {  	[tilespmem:s29+$0xFFFFFF80] =	vst v15;
	v4 =	vld.idx.msk [tilespmem:v13+s14+$0x0], $0xffff  }
0x36f: {  	s30 =	simm.s32 $0x0;
	s31 =	simm.s32 $0xB80;
	[tilespmem:s29+$0x0] =	vst v8;
	v5 =	vld.idx.msk [tilespmem:v14+s14+$0x0], $0xffff  }
.LBB2_20:
0x370: {  	v6 =	vld [tilespmem:s31+$0x70];
	s30 =	sadd.s32 $0x10, s30;
	[tilespmem:s29+$0x10] =	vst v0  }
0x371: {  	v0 =	vld [tilespmem:s31+$0xFFFFFF90];
	p0 =	slt.u32 s30, $0x70;
	[tilespmem:s29+$0x20] =	vst v1  }
0x372: {  	v1 =	vld [tilespmem:s31+$0xFFFFFFA0];
	[tilespmem:s29+$0x30] =	vst v2  }
0x373: {  	v2 =	vld [tilespmem:s31+$0xFFFFFFB0];
	[tilespmem:s29+$0x40] =	vst v3  }
0x374: {  	v3 =	vld [tilespmem:s31+$0xFFFFFFC0];
	[tilespmem:s29+$0x50] =	vst v4  }
0x375: {  	v4 =	vld [tilespmem:s31+$0xFFFFFFD0];
	[tilespmem:s29+$0x60] =	vst v5  }
0x376: {  	v5 =	vld [tilespmem:s31+$0xFFFFFFE0]  }
0x377: {  	v7 =	vld [tilespmem:s31+$0xFFFFFFF0]  }
0x378: {  	v6 =	vld.idx.msk [tilespmem:v6+s14+$0x0], $0xffff  }
0x379: {  	v8 =	vld [tilespmem:s31+$0x0]  }
0x37a: {  	v9 =	vld [tilespmem:s31+$0x10]  }
0x37b: {  	v10 =	vld [tilespmem:s31+$0x20]  }
0x37c: {  	v11 =	vld [tilespmem:s31+$0x30]  }
0x37d: {  	s29 =	sadd.s32 $0x100, s29;
	v12 =	vld [tilespmem:s31+$0x40]  }
0x37e: {  	v13 =	vld [tilespmem:s31+$0x50];
	[tilespmem:s29+$0x70] =	vst v6  }
0x37f: {  	v6 =	vld [tilespmem:s31+$0x60]  }
0x380: {  	v14 =	vld [tilespmem:s31+$0xFFFFFF80]  }
0x381: {  	v0 =	vld.idx.msk [tilespmem:v0+s14+$0x0], $0xffff  }
0x382: {  	v1 =	vld.idx.msk [tilespmem:v1+s14+$0x0], $0xffff  }
0x383: {  	v2 =	vld.idx.msk [tilespmem:v2+s14+$0x0], $0xffff  }
0x384: {  	v3 =	vld.idx.msk [tilespmem:v3+s14+$0x0], $0xffff  }
0x385: {  	v4 =	vld.idx.msk [tilespmem:v4+s14+$0x0], $0xffff  }
0x386: {  	v5 =	vld.idx.msk [tilespmem:v5+s14+$0x0], $0xffff  }
0x387: {  	[tilespmem:s29+$0xFFFFFF90] =	vst v0;
	v7 =	vld.idx.msk [tilespmem:v7+s14+$0x0], $0xffff  }
0x388: {  	v14 =	vld.idx.msk [tilespmem:v14+s14+$0x0], $0xffff;
	[tilespmem:s29+$0xFFFFFFA0] =	vst v1  }
0x389: {  	[tilespmem:s29+$0xFFFFFFB0] =	vst v2;
	v8 =	vld.idx.msk [tilespmem:v8+s14+$0x0], $0xffff  }
0x38a: {  	[tilespmem:s29+$0xFFFFFFC0] =	vst v3;
	v0 =	vld.idx.msk [tilespmem:v9+s14+$0x0], $0xffff  }
.Ltmp9:
0x38b: {  	[tilespmem:s29+$0xFFFFFFD0] =	vst v4;
	v1 =	vld.idx.msk [tilespmem:v10+s14+$0x0], $0xffff;
	(pc) =	sbr.rel @p0 .LBB2_20-.Ltmp9, $4  }
0x38c: {  	[tilespmem:s29+$0xFFFFFFE0] =	vst v5;
	v2 =	vld.idx.msk [tilespmem:v11+s14+$0x0], $0xffff  }
0x38d: {  	[tilespmem:s29+$0xFFFFFFF0] =	vst v7;
	v3 =	vld.idx.msk [tilespmem:v12+s14+$0x0], $0xffff  }
0x38e: {  	[tilespmem:s29+$0xFFFFFF80] =	vst v14;
	v4 =	vld.idx.msk [tilespmem:v13+s14+$0x0], $0xffff  }
0x38f: {  	s31 =	sadd.s32 $0x100, s31;
	[tilespmem:s29+$0x0] =	vst v8;
	v5 =	vld.idx.msk [tilespmem:v6+s14+$0x0], $0xffff  }
0x390: {  	[tilespmem:s29+$0x10] =	vst v0  }
0x391: {  	[tilespmem:s29+$0x20] =	vst v1  }
0x392: {  	[tilespmem:s29+$0x30] =	vst v2  }
0x393: {  	[tilespmem:s29+$0x40] =	vst v3  }
0x394: {  	[tilespmem:s29+$0x50] =	vst v4  }
0x395: {  	[tilespmem:s29+$0x60] =	vst v5  }
0x396: {  	s29 =	rddreg [dreg:$0x13]  }
0x397: {  	[hbm4b:s29+s12] =	stream.strided.scatter [tilespmem:s25], [sflag:$0x4], $0x800, s13, s12, $0x38;
	[tilespmem:$0x1E900] =	vst v63  }
0x398: {  	_ = 	snop  }
0x399: {  	[tilespmem:s17], [sflag:$0x3] =	stream.linear.gather [hbm4b:s6+s3], $0x800, $0x38;
	[tilespmem:$0x1E900] =	vst v63  }
0x39a: {  	_ =	swait.ge [sflag:s23], $0x800  }
0x39b: {  	[sflag:s23] =	ssyncset.done $0x0  }
0x39c: {  	[sflag:s23] =	ssyncadd.s32 $0xFFFFF800  }
0x39d: {  	_ =	swait.ge [sflag:s26], $0x800  }
0x39e: {  	[sflag:s26] =	ssyncset.done $0x0  }
0x39f: {  	s29 =	simm.s32 $0x280;
	[sflag:s26] =	ssyncadd.s32 $0xFFFFF800  }
0x3a0: {  	v0 =	vld [tilespmem:s29+$0x70]  }
0x3a1: {  	v1 =	vld [tilespmem:s29+$0xFFFFFF90]  }
0x3a2: {  	v2 =	vld [tilespmem:s29+$0xFFFFFFA0]  }
0x3a3: {  	v3 =	vld [tilespmem:s29+$0xFFFFFFB0]  }
0x3a4: {  	v4 =	vld [tilespmem:s29+$0xFFFFFFC0]  }
0x3a5: {  	v5 =	vld [tilespmem:s29+$0xFFFFFFD0]  }
0x3a6: {  	v6 =	vld [tilespmem:s29+$0xFFFFFFE0]  }
0x3a7: {  	v7 =	vld [tilespmem:s29+$0xFFFFFFF0]  }
0x3a8: {  	v8 =	vld [tilespmem:s29+$0x0]  }
0x3a9: {  	v9 =	vld [tilespmem:s29+$0x10]  }
0x3aa: {  	v10 =	vld [tilespmem:s29+$0x20]  }
0x3ab: {  	v11 =	vld [tilespmem:s29+$0x30]  }
0x3ac: {  	v12 =	vld [tilespmem:s29+$0x40]  }
0x3ad: {  	v13 =	vld [tilespmem:s29+$0x50]  }
0x3ae: {  	v14 =	vld [tilespmem:s29+$0x60]  }
0x3af: {  	v15 =	vld [tilespmem:s29+$0xFFFFFF80]  }
0x3b0: {  	v0 =	vld.idx.msk [tilespmem:v0+s14+$0x0], $0xffff  }
0x3b1: {  	v1 =	vld.idx.msk [tilespmem:v1+s14+$0x0], $0xffff  }
0x3b2: {  	v2 =	vld.idx.msk [tilespmem:v2+s14+$0x0], $0xffff  }
0x3b3: {  	v3 =	vld.idx.msk [tilespmem:v3+s14+$0x0], $0xffff  }
0x3b4: {  	v4 =	vld.idx.msk [tilespmem:v4+s14+$0x0], $0xffff  }
0x3b5: {  	s29 =	simm.s32 $0x19980;
	v5 =	vld.idx.msk [tilespmem:v5+s14+$0x0], $0xffff  }
0x3b6: {  	v6 =	vld.idx.msk [tilespmem:v6+s14+$0x0], $0xffff;
	[tilespmem:s29+$0x70] =	vst v0  }
0x3b7: {  	v7 =	vld.idx.msk [tilespmem:v7+s14+$0x0], $0xffff;
	[tilespmem:s29+$0xFFFFFF90] =	vst v1  }
0x3b8: {  	v15 =	vld.idx.msk [tilespmem:v15+s14+$0x0], $0xffff;
	[tilespmem:s29+$0xFFFFFFA0] =	vst v2  }
0x3b9: {  	v8 =	vld.idx.msk [tilespmem:v8+s14+$0x0], $0xffff;
	[tilespmem:s29+$0xFFFFFFB0] =	vst v3  }
0x3ba: {  	[tilespmem:s29+$0xFFFFFFC0] =	vst v4;
	v0 =	vld.idx.msk [tilespmem:v9+s14+$0x0], $0xffff  }
0x3bb: {  	[tilespmem:s29+$0xFFFFFFD0] =	vst v5;
	v1 =	vld.idx.msk [tilespmem:v10+s14+$0x0], $0xffff  }
0x3bc: {  	[tilespmem:s29+$0xFFFFFFE0] =	vst v6;
	v2 =	vld.idx.msk [tilespmem:v11+s14+$0x0], $0xffff  }
0x3bd: {  	[tilespmem:s29+$0xFFFFFFF0] =	vst v7;
	v3 =	vld.idx.msk [tilespmem:v12+s14+$0x0], $0xffff  }
0x3be: {  	[tilespmem:s29+$0xFFFFFF80] =	vst v15;
	v4 =	vld.idx.msk [tilespmem:v13+s14+$0x0], $0xffff  }
0x3bf: {  	s30 =	simm.s32 $0x0;
	s31 =	simm.s32 $0x380;
	[tilespmem:s29+$0x0] =	vst v8;
	v5 =	vld.idx.msk [tilespmem:v14+s14+$0x0], $0xffff  }
.LBB2_22:
0x3c0: {  	v6 =	vld [tilespmem:s31+$0x70];
	s30 =	sadd.s32 $0x10, s30;
	[tilespmem:s29+$0x10] =	vst v0  }
0x3c1: {  	v0 =	vld [tilespmem:s31+$0xFFFFFF90];
	p0 =	slt.u32 s30, $0x70;
	[tilespmem:s29+$0x20] =	vst v1  }
0x3c2: {  	v1 =	vld [tilespmem:s31+$0xFFFFFFA0];
	[tilespmem:s29+$0x30] =	vst v2  }
0x3c3: {  	v2 =	vld [tilespmem:s31+$0xFFFFFFB0];
	[tilespmem:s29+$0x40] =	vst v3  }
0x3c4: {  	v3 =	vld [tilespmem:s31+$0xFFFFFFC0];
	[tilespmem:s29+$0x50] =	vst v4  }
0x3c5: {  	v4 =	vld [tilespmem:s31+$0xFFFFFFD0];
	[tilespmem:s29+$0x60] =	vst v5  }
0x3c6: {  	v5 =	vld [tilespmem:s31+$0xFFFFFFE0]  }
0x3c7: {  	v7 =	vld [tilespmem:s31+$0xFFFFFFF0]  }
0x3c8: {  	v6 =	vld.idx.msk [tilespmem:v6+s14+$0x0], $0xffff  }
0x3c9: {  	v8 =	vld [tilespmem:s31+$0x0]  }
0x3ca: {  	v9 =	vld [tilespmem:s31+$0x10]  }
0x3cb: {  	v10 =	vld [tilespmem:s31+$0x20]  }
0x3cc: {  	v11 =	vld [tilespmem:s31+$0x30]  }
0x3cd: {  	s29 =	sadd.s32 $0x100, s29;
	v12 =	vld [tilespmem:s31+$0x40]  }
0x3ce: {  	v13 =	vld [tilespmem:s31+$0x50];
	[tilespmem:s29+$0x70] =	vst v6  }
0x3cf: {  	v6 =	vld [tilespmem:s31+$0x60]  }
0x3d0: {  	v14 =	vld [tilespmem:s31+$0xFFFFFF80]  }
0x3d1: {  	v0 =	vld.idx.msk [tilespmem:v0+s14+$0x0], $0xffff  }
0x3d2: {  	v1 =	vld.idx.msk [tilespmem:v1+s14+$0x0], $0xffff  }
0x3d3: {  	v2 =	vld.idx.msk [tilespmem:v2+s14+$0x0], $0xffff  }
0x3d4: {  	v3 =	vld.idx.msk [tilespmem:v3+s14+$0x0], $0xffff  }
0x3d5: {  	v4 =	vld.idx.msk [tilespmem:v4+s14+$0x0], $0xffff  }
0x3d6: {  	v5 =	vld.idx.msk [tilespmem:v5+s14+$0x0], $0xffff  }
0x3d7: {  	[tilespmem:s29+$0xFFFFFF90] =	vst v0;
	v7 =	vld.idx.msk [tilespmem:v7+s14+$0x0], $0xffff  }
0x3d8: {  	v14 =	vld.idx.msk [tilespmem:v14+s14+$0x0], $0xffff;
	[tilespmem:s29+$0xFFFFFFA0] =	vst v1  }
0x3d9: {  	[tilespmem:s29+$0xFFFFFFB0] =	vst v2;
	v8 =	vld.idx.msk [tilespmem:v8+s14+$0x0], $0xffff  }
0x3da: {  	[tilespmem:s29+$0xFFFFFFC0] =	vst v3;
	v0 =	vld.idx.msk [tilespmem:v9+s14+$0x0], $0xffff  }
.Ltmp10:
0x3db: {  	[tilespmem:s29+$0xFFFFFFD0] =	vst v4;
	v1 =	vld.idx.msk [tilespmem:v10+s14+$0x0], $0xffff;
	(pc) =	sbr.rel @p0 .LBB2_22-.Ltmp10, $4  }
0x3dc: {  	[tilespmem:s29+$0xFFFFFFE0] =	vst v5;
	v2 =	vld.idx.msk [tilespmem:v11+s14+$0x0], $0xffff  }
0x3dd: {  	[tilespmem:s29+$0xFFFFFFF0] =	vst v7;
	v3 =	vld.idx.msk [tilespmem:v12+s14+$0x0], $0xffff  }
0x3de: {  	[tilespmem:s29+$0xFFFFFF80] =	vst v14;
	v4 =	vld.idx.msk [tilespmem:v13+s14+$0x0], $0xffff  }
0x3df: {  	s31 =	sadd.s32 $0x100, s31;
	[tilespmem:s29+$0x0] =	vst v8;
	v5 =	vld.idx.msk [tilespmem:v6+s14+$0x0], $0xffff  }
0x3e0: {  	[tilespmem:s29+$0x10] =	vst v0  }
0x3e1: {  	[tilespmem:s29+$0x20] =	vst v1  }
0x3e2: {  	[tilespmem:s29+$0x30] =	vst v2  }
0x3e3: {  	[tilespmem:s29+$0x40] =	vst v3  }
0x3e4: {  	[tilespmem:s29+$0x50] =	vst v4  }
0x3e5: {  	[tilespmem:s29+$0x60] =	vst v5  }
0x3e6: {  	s29 =	rddreg [dreg:$0x14]  }
0x3e7: {  	[hbm4b:s29+s12] =	stream.strided.scatter [tilespmem:s24], [sflag:$0x4], $0x800, s13, s12, $0x38;
	[tilespmem:$0x1E900] =	vst v63  }
0x3e8: {  	_ = 	snop  }
0x3e9: {  	[tilespmem:s15], [sflag:$0x3] =	stream.linear.gather [hbm4b:s7+s3], $0x800, $0x38;
	[tilespmem:$0x1E900] =	vst v63  }
0x3ea: {  	_ =	swait.ge [sflag:s23], $0x800  }
0x3eb: {  	[sflag:s23] =	ssyncset.done $0x0  }
0x3ec: {  	[sflag:s23] =	ssyncadd.s32 $0xFFFFF800  }
0x3ed: {  	_ =	swait.ge [sflag:s26], $0x800  }
0x3ee: {  	[sflag:s26] =	ssyncset.done $0x0  }
0x3ef: {  	s29 =	simm.s32 $0xA80;
	[sflag:s26] =	ssyncadd.s32 $0xFFFFF800  }
0x3f0: {  	v0 =	vld [tilespmem:s29+$0x70]  }
0x3f1: {  	v1 =	vld [tilespmem:s29+$0xFFFFFF90]  }
0x3f2: {  	v2 =	vld [tilespmem:s29+$0xFFFFFFA0]  }
0x3f3: {  	v3 =	vld [tilespmem:s29+$0xFFFFFFB0]  }
0x3f4: {  	v4 =	vld [tilespmem:s29+$0xFFFFFFC0]  }
0x3f5: {  	v5 =	vld [tilespmem:s29+$0xFFFFFFD0]  }
0x3f6: {  	v6 =	vld [tilespmem:s29+$0xFFFFFFE0]  }
0x3f7: {  	v7 =	vld [tilespmem:s29+$0xFFFFFFF0]  }
0x3f8: {  	v8 =	vld [tilespmem:s29+$0x0]  }
0x3f9: {  	v9 =	vld [tilespmem:s29+$0x10]  }
0x3fa: {  	v10 =	vld [tilespmem:s29+$0x20]  }
0x3fb: {  	v11 =	vld [tilespmem:s29+$0x30]  }
0x3fc: {  	v12 =	vld [tilespmem:s29+$0x40]  }
0x3fd: {  	v13 =	vld [tilespmem:s29+$0x50]  }
0x3fe: {  	v14 =	vld [tilespmem:s29+$0x60]  }
0x3ff: {  	v15 =	vld [tilespmem:s29+$0xFFFFFF80]  }
0x400: {  	v0 =	vld.idx.msk [tilespmem:v0+s14+$0x0], $0xffff  }
0x401: {  	v1 =	vld.idx.msk [tilespmem:v1+s14+$0x0], $0xffff  }
0x402: {  	v2 =	vld.idx.msk [tilespmem:v2+s14+$0x0], $0xffff  }
0x403: {  	v3 =	vld.idx.msk [tilespmem:v3+s14+$0x0], $0xffff  }
0x404: {  	v4 =	vld.idx.msk [tilespmem:v4+s14+$0x0], $0xffff  }
0x405: {  	s29 =	simm.s32 $0x1A180;
	v5 =	vld.idx.msk [tilespmem:v5+s14+$0x0], $0xffff  }
0x406: {  	v6 =	vld.idx.msk [tilespmem:v6+s14+$0x0], $0xffff;
	[tilespmem:s29+$0x70] =	vst v0  }
0x407: {  	v7 =	vld.idx.msk [tilespmem:v7+s14+$0x0], $0xffff;
	[tilespmem:s29+$0xFFFFFF90] =	vst v1  }
0x408: {  	v15 =	vld.idx.msk [tilespmem:v15+s14+$0x0], $0xffff;
	[tilespmem:s29+$0xFFFFFFA0] =	vst v2  }
0x409: {  	v8 =	vld.idx.msk [tilespmem:v8+s14+$0x0], $0xffff;
	[tilespmem:s29+$0xFFFFFFB0] =	vst v3  }
0x40a: {  	[tilespmem:s29+$0xFFFFFFC0] =	vst v4;
	v0 =	vld.idx.msk [tilespmem:v9+s14+$0x0], $0xffff  }
0x40b: {  	[tilespmem:s29+$0xFFFFFFD0] =	vst v5;
	v1 =	vld.idx.msk [tilespmem:v10+s14+$0x0], $0xffff  }
0x40c: {  	[tilespmem:s29+$0xFFFFFFE0] =	vst v6;
	v2 =	vld.idx.msk [tilespmem:v11+s14+$0x0], $0xffff  }
0x40d: {  	[tilespmem:s29+$0xFFFFFFF0] =	vst v7;
	v3 =	vld.idx.msk [tilespmem:v12+s14+$0x0], $0xffff  }
0x40e: {  	[tilespmem:s29+$0xFFFFFF80] =	vst v15;
	v4 =	vld.idx.msk [tilespmem:v13+s14+$0x0], $0xffff  }
0x40f: {  	s30 =	simm.s32 $0x0;
	s31 =	simm.s32 $0xB80;
	[tilespmem:s29+$0x0] =	vst v8;
	v5 =	vld.idx.msk [tilespmem:v14+s14+$0x0], $0xffff  }
.LBB2_24:
0x410: {  	v6 =	vld [tilespmem:s31+$0x70];
	s30 =	sadd.s32 $0x10, s30;
	[tilespmem:s29+$0x10] =	vst v0  }
0x411: {  	v0 =	vld [tilespmem:s31+$0xFFFFFF90];
	p0 =	slt.u32 s30, $0x70;
	[tilespmem:s29+$0x20] =	vst v1  }
0x412: {  	v1 =	vld [tilespmem:s31+$0xFFFFFFA0];
	[tilespmem:s29+$0x30] =	vst v2  }
0x413: {  	v2 =	vld [tilespmem:s31+$0xFFFFFFB0];
	[tilespmem:s29+$0x40] =	vst v3  }
0x414: {  	v3 =	vld [tilespmem:s31+$0xFFFFFFC0];
	[tilespmem:s29+$0x50] =	vst v4  }
0x415: {  	v4 =	vld [tilespmem:s31+$0xFFFFFFD0];
	[tilespmem:s29+$0x60] =	vst v5  }
0x416: {  	v5 =	vld [tilespmem:s31+$0xFFFFFFE0]  }
0x417: {  	v7 =	vld [tilespmem:s31+$0xFFFFFFF0]  }
0x418: {  	v6 =	vld.idx.msk [tilespmem:v6+s14+$0x0], $0xffff  }
0x419: {  	v8 =	vld [tilespmem:s31+$0x0]  }
0x41a: {  	v9 =	vld [tilespmem:s31+$0x10]  }
0x41b: {  	v10 =	vld [tilespmem:s31+$0x20]  }
0x41c: {  	v11 =	vld [tilespmem:s31+$0x30]  }
0x41d: {  	s29 =	sadd.s32 $0x100, s29;
	v12 =	vld [tilespmem:s31+$0x40]  }
0x41e: {  	v13 =	vld [tilespmem:s31+$0x50];
	[tilespmem:s29+$0x70] =	vst v6  }
0x41f: {  	v6 =	vld [tilespmem:s31+$0x60]  }
0x420: {  	v14 =	vld [tilespmem:s31+$0xFFFFFF80]  }
0x421: {  	v0 =	vld.idx.msk [tilespmem:v0+s14+$0x0], $0xffff  }
0x422: {  	v1 =	vld.idx.msk [tilespmem:v1+s14+$0x0], $0xffff  }
0x423: {  	v2 =	vld.idx.msk [tilespmem:v2+s14+$0x0], $0xffff  }
0x424: {  	v3 =	vld.idx.msk [tilespmem:v3+s14+$0x0], $0xffff  }
0x425: {  	v4 =	vld.idx.msk [tilespmem:v4+s14+$0x0], $0xffff  }
0x426: {  	v5 =	vld.idx.msk [tilespmem:v5+s14+$0x0], $0xffff  }
0x427: {  	[tilespmem:s29+$0xFFFFFF90] =	vst v0;
	v7 =	vld.idx.msk [tilespmem:v7+s14+$0x0], $0xffff  }
0x428: {  	v14 =	vld.idx.msk [tilespmem:v14+s14+$0x0], $0xffff;
	[tilespmem:s29+$0xFFFFFFA0] =	vst v1  }
0x429: {  	[tilespmem:s29+$0xFFFFFFB0] =	vst v2;
	v8 =	vld.idx.msk [tilespmem:v8+s14+$0x0], $0xffff  }
0x42a: {  	[tilespmem:s29+$0xFFFFFFC0] =	vst v3;
	v0 =	vld.idx.msk [tilespmem:v9+s14+$0x0], $0xffff  }
.Ltmp11:
0x42b: {  	[tilespmem:s29+$0xFFFFFFD0] =	vst v4;
	v1 =	vld.idx.msk [tilespmem:v10+s14+$0x0], $0xffff;
	(pc) =	sbr.rel @p0 .LBB2_24-.Ltmp11, $4  }
0x42c: {  	[tilespmem:s29+$0xFFFFFFE0] =	vst v5;
	v2 =	vld.idx.msk [tilespmem:v11+s14+$0x0], $0xffff  }
0x42d: {  	[tilespmem:s29+$0xFFFFFFF0] =	vst v7;
	v3 =	vld.idx.msk [tilespmem:v12+s14+$0x0], $0xffff  }
0x42e: {  	[tilespmem:s29+$0xFFFFFF80] =	vst v14;
	v4 =	vld.idx.msk [tilespmem:v13+s14+$0x0], $0xffff  }
0x42f: {  	s31 =	sadd.s32 $0x100, s31;
	[tilespmem:s29+$0x0] =	vst v8;
	v5 =	vld.idx.msk [tilespmem:v6+s14+$0x0], $0xffff  }
0x430: {  	[tilespmem:s29+$0x10] =	vst v0  }
0x431: {  	[tilespmem:s29+$0x20] =	vst v1  }
0x432: {  	[tilespmem:s29+$0x30] =	vst v2  }
0x433: {  	[tilespmem:s29+$0x40] =	vst v3  }
0x434: {  	[tilespmem:s29+$0x50] =	vst v4  }
0x435: {  	[tilespmem:s29+$0x60] =	vst v5  }
0x436: {  	s29 =	rddreg [dreg:$0x15]  }
0x437: {  	[hbm4b:s29+s12] =	stream.strided.scatter [tilespmem:s25], [sflag:$0x4], $0x800, s13, s12, $0x38;
	[tilespmem:$0x1E900] =	vst v63  }
0x438: {  	_ = 	snop  }
0x439: {  	[tilespmem:s17], [sflag:$0x3] =	stream.linear.gather [hbm4b:s8+s3], $0x800, $0x38;
	[tilespmem:$0x1E900] =	vst v63  }
0x43a: {  	_ =	swait.ge [sflag:s23], $0x800  }
0x43b: {  	[sflag:s23] =	ssyncset.done $0x0  }
0x43c: {  	[sflag:s23] =	ssyncadd.s32 $0xFFFFF800  }
0x43d: {  	_ =	swait.ge [sflag:s26], $0x800  }
0x43e: {  	[sflag:s26] =	ssyncset.done $0x0  }
0x43f: {  	s29 =	simm.s32 $0x280;
	[sflag:s26] =	ssyncadd.s32 $0xFFFFF800  }
0x440: {  	v0 =	vld [tilespmem:s29+$0x70]  }
0x441: {  	v1 =	vld [tilespmem:s29+$0xFFFFFF90]  }
0x442: {  	v2 =	vld [tilespmem:s29+$0xFFFFFFA0]  }
0x443: {  	v3 =	vld [tilespmem:s29+$0xFFFFFFB0]  }
0x444: {  	v4 =	vld [tilespmem:s29+$0xFFFFFFC0]  }
0x445: {  	v5 =	vld [tilespmem:s29+$0xFFFFFFD0]  }
0x446: {  	v6 =	vld [tilespmem:s29+$0xFFFFFFE0]  }
0x447: {  	v7 =	vld [tilespmem:s29+$0xFFFFFFF0]  }
0x448: {  	v8 =	vld [tilespmem:s29+$0x0]  }
0x449: {  	v9 =	vld [tilespmem:s29+$0x10]  }
0x44a: {  	v10 =	vld [tilespmem:s29+$0x20]  }
0x44b: {  	v11 =	vld [tilespmem:s29+$0x30]  }
0x44c: {  	v12 =	vld [tilespmem:s29+$0x40]  }
0x44d: {  	v13 =	vld [tilespmem:s29+$0x50]  }
0x44e: {  	v14 =	vld [tilespmem:s29+$0x60]  }
0x44f: {  	v15 =	vld [tilespmem:s29+$0xFFFFFF80]  }
0x450: {  	v0 =	vld.idx.msk [tilespmem:v0+s14+$0x0], $0xffff  }
0x451: {  	v1 =	vld.idx.msk [tilespmem:v1+s14+$0x0], $0xffff  }
0x452: {  	v2 =	vld.idx.msk [tilespmem:v2+s14+$0x0], $0xffff  }
0x453: {  	v3 =	vld.idx.msk [tilespmem:v3+s14+$0x0], $0xffff  }
0x454: {  	v4 =	vld.idx.msk [tilespmem:v4+s14+$0x0], $0xffff  }
0x455: {  	s29 =	simm.s32 $0x19980;
	v5 =	vld.idx.msk [tilespmem:v5+s14+$0x0], $0xffff  }
0x456: {  	v6 =	vld.idx.msk [tilespmem:v6+s14+$0x0], $0xffff;
	[tilespmem:s29+$0x70] =	vst v0  }
0x457: {  	v7 =	vld.idx.msk [tilespmem:v7+s14+$0x0], $0xffff;
	[tilespmem:s29+$0xFFFFFF90] =	vst v1  }
0x458: {  	v15 =	vld.idx.msk [tilespmem:v15+s14+$0x0], $0xffff;
	[tilespmem:s29+$0xFFFFFFA0] =	vst v2  }
0x459: {  	v8 =	vld.idx.msk [tilespmem:v8+s14+$0x0], $0xffff;
	[tilespmem:s29+$0xFFFFFFB0] =	vst v3  }
0x45a: {  	[tilespmem:s29+$0xFFFFFFC0] =	vst v4;
	v0 =	vld.idx.msk [tilespmem:v9+s14+$0x0], $0xffff  }
0x45b: {  	[tilespmem:s29+$0xFFFFFFD0] =	vst v5;
	v1 =	vld.idx.msk [tilespmem:v10+s14+$0x0], $0xffff  }
0x45c: {  	[tilespmem:s29+$0xFFFFFFE0] =	vst v6;
	v2 =	vld.idx.msk [tilespmem:v11+s14+$0x0], $0xffff  }
0x45d: {  	[tilespmem:s29+$0xFFFFFFF0] =	vst v7;
	v3 =	vld.idx.msk [tilespmem:v12+s14+$0x0], $0xffff  }
0x45e: {  	[tilespmem:s29+$0xFFFFFF80] =	vst v15;
	v4 =	vld.idx.msk [tilespmem:v13+s14+$0x0], $0xffff  }
0x45f: {  	s30 =	simm.s32 $0x0;
	s31 =	simm.s32 $0x380;
	[tilespmem:s29+$0x0] =	vst v8;
	v5 =	vld.idx.msk [tilespmem:v14+s14+$0x0], $0xffff  }
.LBB2_26:
0x460: {  	v6 =	vld [tilespmem:s31+$0x70];
	s30 =	sadd.s32 $0x10, s30;
	[tilespmem:s29+$0x10] =	vst v0  }
0x461: {  	v0 =	vld [tilespmem:s31+$0xFFFFFF90];
	p0 =	slt.u32 s30, $0x70;
	[tilespmem:s29+$0x20] =	vst v1  }
0x462: {  	v1 =	vld [tilespmem:s31+$0xFFFFFFA0];
	[tilespmem:s29+$0x30] =	vst v2  }
0x463: {  	v2 =	vld [tilespmem:s31+$0xFFFFFFB0];
	[tilespmem:s29+$0x40] =	vst v3  }
0x464: {  	v3 =	vld [tilespmem:s31+$0xFFFFFFC0];
	[tilespmem:s29+$0x50] =	vst v4  }
0x465: {  	v4 =	vld [tilespmem:s31+$0xFFFFFFD0];
	[tilespmem:s29+$0x60] =	vst v5  }
0x466: {  	v5 =	vld [tilespmem:s31+$0xFFFFFFE0]  }
0x467: {  	v7 =	vld [tilespmem:s31+$0xFFFFFFF0]  }
0x468: {  	v6 =	vld.idx.msk [tilespmem:v6+s14+$0x0], $0xffff  }
0x469: {  	v8 =	vld [tilespmem:s31+$0x0]  }
0x46a: {  	v9 =	vld [tilespmem:s31+$0x10]  }
0x46b: {  	v10 =	vld [tilespmem:s31+$0x20]  }
0x46c: {  	v11 =	vld [tilespmem:s31+$0x30]  }
0x46d: {  	s29 =	sadd.s32 $0x100, s29;
	v12 =	vld [tilespmem:s31+$0x40]  }
0x46e: {  	v13 =	vld [tilespmem:s31+$0x50];
	[tilespmem:s29+$0x70] =	vst v6  }
0x46f: {  	v6 =	vld [tilespmem:s31+$0x60]  }
0x470: {  	v14 =	vld [tilespmem:s31+$0xFFFFFF80]  }
0x471: {  	v0 =	vld.idx.msk [tilespmem:v0+s14+$0x0], $0xffff  }
0x472: {  	v1 =	vld.idx.msk [tilespmem:v1+s14+$0x0], $0xffff  }
0x473: {  	v2 =	vld.idx.msk [tilespmem:v2+s14+$0x0], $0xffff  }
0x474: {  	v3 =	vld.idx.msk [tilespmem:v3+s14+$0x0], $0xffff  }
0x475: {  	v4 =	vld.idx.msk [tilespmem:v4+s14+$0x0], $0xffff  }
0x476: {  	v5 =	vld.idx.msk [tilespmem:v5+s14+$0x0], $0xffff  }
0x477: {  	[tilespmem:s29+$0xFFFFFF90] =	vst v0;
	v7 =	vld.idx.msk [tilespmem:v7+s14+$0x0], $0xffff  }
0x478: {  	v14 =	vld.idx.msk [tilespmem:v14+s14+$0x0], $0xffff;
	[tilespmem:s29+$0xFFFFFFA0] =	vst v1  }
0x479: {  	[tilespmem:s29+$0xFFFFFFB0] =	vst v2;
	v8 =	vld.idx.msk [tilespmem:v8+s14+$0x0], $0xffff  }
0x47a: {  	[tilespmem:s29+$0xFFFFFFC0] =	vst v3;
	v0 =	vld.idx.msk [tilespmem:v9+s14+$0x0], $0xffff  }
.Ltmp12:
0x47b: {  	[tilespmem:s29+$0xFFFFFFD0] =	vst v4;
	v1 =	vld.idx.msk [tilespmem:v10+s14+$0x0], $0xffff;
	(pc) =	sbr.rel @p0 .LBB2_26-.Ltmp12, $4  }
0x47c: {  	[tilespmem:s29+$0xFFFFFFE0] =	vst v5;
	v2 =	vld.idx.msk [tilespmem:v11+s14+$0x0], $0xffff  }
0x47d: {  	[tilespmem:s29+$0xFFFFFFF0] =	vst v7;
	v3 =	vld.idx.msk [tilespmem:v12+s14+$0x0], $0xffff  }
0x47e: {  	[tilespmem:s29+$0xFFFFFF80] =	vst v14;
	v4 =	vld.idx.msk [tilespmem:v13+s14+$0x0], $0xffff  }
0x47f: {  	s31 =	sadd.s32 $0x100, s31;
	[tilespmem:s29+$0x0] =	vst v8;
	v5 =	vld.idx.msk [tilespmem:v6+s14+$0x0], $0xffff  }
0x480: {  	[tilespmem:s29+$0x10] =	vst v0  }
0x481: {  	[tilespmem:s29+$0x20] =	vst v1  }
0x482: {  	[tilespmem:s29+$0x30] =	vst v2  }
0x483: {  	[tilespmem:s29+$0x40] =	vst v3  }
0x484: {  	[tilespmem:s29+$0x50] =	vst v4  }
0x485: {  	[tilespmem:s29+$0x60] =	vst v5  }
0x486: {  	s29 =	rddreg [dreg:$0x16]  }
0x487: {  	[hbm4b:s29+s12] =	stream.strided.scatter [tilespmem:s24], [sflag:$0x4], $0x800, s13, s12, $0x38;
	[tilespmem:$0x1E900] =	vst v63  }
0x488: {  	_ = 	snop  }
0x489: {  	[tilespmem:s15], [sflag:$0x3] =	stream.linear.gather [hbm4b:s9+s3], $0x800, $0x38;
	[tilespmem:$0x1E900] =	vst v63  }
0x48a: {  	_ =	swait.ge [sflag:s23], $0x800  }
0x48b: {  	[sflag:s23] =	ssyncset.done $0x0  }
0x48c: {  	[sflag:s23] =	ssyncadd.s32 $0xFFFFF800  }
0x48d: {  	_ =	swait.ge [sflag:s26], $0x800  }
0x48e: {  	[sflag:s26] =	ssyncset.done $0x0  }
0x48f: {  	s29 =	simm.s32 $0xA80;
	[sflag:s26] =	ssyncadd.s32 $0xFFFFF800  }
0x490: {  	v0 =	vld [tilespmem:s29+$0x70]  }
0x491: {  	v1 =	vld [tilespmem:s29+$0xFFFFFF90]  }
0x492: {  	v2 =	vld [tilespmem:s29+$0xFFFFFFA0]  }
0x493: {  	v3 =	vld [tilespmem:s29+$0xFFFFFFB0]  }
0x494: {  	v4 =	vld [tilespmem:s29+$0xFFFFFFC0]  }
0x495: {  	v5 =	vld [tilespmem:s29+$0xFFFFFFD0]  }
0x496: {  	v6 =	vld [tilespmem:s29+$0xFFFFFFE0]  }
0x497: {  	v7 =	vld [tilespmem:s29+$0xFFFFFFF0]  }
0x498: {  	v8 =	vld [tilespmem:s29+$0x0]  }
0x499: {  	v9 =	vld [tilespmem:s29+$0x10]  }
0x49a: {  	v10 =	vld [tilespmem:s29+$0x20]  }
0x49b: {  	v11 =	vld [tilespmem:s29+$0x30]  }
0x49c: {  	v12 =	vld [tilespmem:s29+$0x40]  }
0x49d: {  	v13 =	vld [tilespmem:s29+$0x50]  }
0x49e: {  	v14 =	vld [tilespmem:s29+$0x60]  }
0x49f: {  	v15 =	vld [tilespmem:s29+$0xFFFFFF80]  }
0x4a0: {  	v0 =	vld.idx.msk [tilespmem:v0+s14+$0x0], $0xffff  }
0x4a1: {  	v1 =	vld.idx.msk [tilespmem:v1+s14+$0x0], $0xffff  }
0x4a2: {  	v2 =	vld.idx.msk [tilespmem:v2+s14+$0x0], $0xffff  }
0x4a3: {  	v3 =	vld.idx.msk [tilespmem:v3+s14+$0x0], $0xffff  }
0x4a4: {  	v4 =	vld.idx.msk [tilespmem:v4+s14+$0x0], $0xffff  }
0x4a5: {  	s29 =	simm.s32 $0x1A180;
	v5 =	vld.idx.msk [tilespmem:v5+s14+$0x0], $0xffff  }
0x4a6: {  	v6 =	vld.idx.msk [tilespmem:v6+s14+$0x0], $0xffff;
	[tilespmem:s29+$0x70] =	vst v0  }
0x4a7: {  	v7 =	vld.idx.msk [tilespmem:v7+s14+$0x0], $0xffff;
	[tilespmem:s29+$0xFFFFFF90] =	vst v1  }
0x4a8: {  	v15 =	vld.idx.msk [tilespmem:v15+s14+$0x0], $0xffff;
	[tilespmem:s29+$0xFFFFFFA0] =	vst v2  }
0x4a9: {  	v8 =	vld.idx.msk [tilespmem:v8+s14+$0x0], $0xffff;
	[tilespmem:s29+$0xFFFFFFB0] =	vst v3  }
0x4aa: {  	[tilespmem:s29+$0xFFFFFFC0] =	vst v4;
	v0 =	vld.idx.msk [tilespmem:v9+s14+$0x0], $0xffff  }
0x4ab: {  	[tilespmem:s29+$0xFFFFFFD0] =	vst v5;
	v1 =	vld.idx.msk [tilespmem:v10+s14+$0x0], $0xffff  }
0x4ac: {  	[tilespmem:s29+$0xFFFFFFE0] =	vst v6;
	v2 =	vld.idx.msk [tilespmem:v11+s14+$0x0], $0xffff  }
0x4ad: {  	[tilespmem:s29+$0xFFFFFFF0] =	vst v7;
	v3 =	vld.idx.msk [tilespmem:v12+s14+$0x0], $0xffff  }
0x4ae: {  	[tilespmem:s29+$0xFFFFFF80] =	vst v15;
	v4 =	vld.idx.msk [tilespmem:v13+s14+$0x0], $0xffff  }
0x4af: {  	s30 =	simm.s32 $0x0;
	s31 =	simm.s32 $0xB80;
	[tilespmem:s29+$0x0] =	vst v8;
	v5 =	vld.idx.msk [tilespmem:v14+s14+$0x0], $0xffff  }
.LBB2_28:
0x4b0: {  	v6 =	vld [tilespmem:s31+$0x70];
	s30 =	sadd.s32 $0x10, s30;
	[tilespmem:s29+$0x10] =	vst v0  }
0x4b1: {  	v0 =	vld [tilespmem:s31+$0xFFFFFF90];
	p0 =	slt.u32 s30, $0x70;
	[tilespmem:s29+$0x20] =	vst v1  }
0x4b2: {  	v1 =	vld [tilespmem:s31+$0xFFFFFFA0];
	[tilespmem:s29+$0x30] =	vst v2  }
0x4b3: {  	v2 =	vld [tilespmem:s31+$0xFFFFFFB0];
	[tilespmem:s29+$0x40] =	vst v3  }
0x4b4: {  	v3 =	vld [tilespmem:s31+$0xFFFFFFC0];
	[tilespmem:s29+$0x50] =	vst v4  }
0x4b5: {  	v4 =	vld [tilespmem:s31+$0xFFFFFFD0];
	[tilespmem:s29+$0x60] =	vst v5  }
0x4b6: {  	v5 =	vld [tilespmem:s31+$0xFFFFFFE0]  }
0x4b7: {  	v7 =	vld [tilespmem:s31+$0xFFFFFFF0]  }
0x4b8: {  	v6 =	vld.idx.msk [tilespmem:v6+s14+$0x0], $0xffff  }
0x4b9: {  	v8 =	vld [tilespmem:s31+$0x0]  }
0x4ba: {  	v9 =	vld [tilespmem:s31+$0x10]  }
0x4bb: {  	v10 =	vld [tilespmem:s31+$0x20]  }
0x4bc: {  	v11 =	vld [tilespmem:s31+$0x30]  }
0x4bd: {  	s29 =	sadd.s32 $0x100, s29;
	v12 =	vld [tilespmem:s31+$0x40]  }
0x4be: {  	v13 =	vld [tilespmem:s31+$0x50];
	[tilespmem:s29+$0x70] =	vst v6  }
0x4bf: {  	v6 =	vld [tilespmem:s31+$0x60]  }
0x4c0: {  	v14 =	vld [tilespmem:s31+$0xFFFFFF80]  }
0x4c1: {  	v0 =	vld.idx.msk [tilespmem:v0+s14+$0x0], $0xffff  }
0x4c2: {  	v1 =	vld.idx.msk [tilespmem:v1+s14+$0x0], $0xffff  }
0x4c3: {  	v2 =	vld.idx.msk [tilespmem:v2+s14+$0x0], $0xffff  }
0x4c4: {  	v3 =	vld.idx.msk [tilespmem:v3+s14+$0x0], $0xffff  }
0x4c5: {  	v4 =	vld.idx.msk [tilespmem:v4+s14+$0x0], $0xffff  }
0x4c6: {  	v5 =	vld.idx.msk [tilespmem:v5+s14+$0x0], $0xffff  }
0x4c7: {  	[tilespmem:s29+$0xFFFFFF90] =	vst v0;
	v7 =	vld.idx.msk [tilespmem:v7+s14+$0x0], $0xffff  }
0x4c8: {  	v14 =	vld.idx.msk [tilespmem:v14+s14+$0x0], $0xffff;
	[tilespmem:s29+$0xFFFFFFA0] =	vst v1  }
0x4c9: {  	[tilespmem:s29+$0xFFFFFFB0] =	vst v2;
	v8 =	vld.idx.msk [tilespmem:v8+s14+$0x0], $0xffff  }
0x4ca: {  	[tilespmem:s29+$0xFFFFFFC0] =	vst v3;
	v0 =	vld.idx.msk [tilespmem:v9+s14+$0x0], $0xffff  }
.Ltmp13:
0x4cb: {  	[tilespmem:s29+$0xFFFFFFD0] =	vst v4;
	v1 =	vld.idx.msk [tilespmem:v10+s14+$0x0], $0xffff;
	(pc) =	sbr.rel @p0 .LBB2_28-.Ltmp13, $4  }
0x4cc: {  	[tilespmem:s29+$0xFFFFFFE0] =	vst v5;
	v2 =	vld.idx.msk [tilespmem:v11+s14+$0x0], $0xffff  }
0x4cd: {  	[tilespmem:s29+$0xFFFFFFF0] =	vst v7;
	v3 =	vld.idx.msk [tilespmem:v12+s14+$0x0], $0xffff  }
0x4ce: {  	[tilespmem:s29+$0xFFFFFF80] =	vst v14;
	v4 =	vld.idx.msk [tilespmem:v13+s14+$0x0], $0xffff  }
0x4cf: {  	s31 =	sadd.s32 $0x100, s31;
	[tilespmem:s29+$0x0] =	vst v8;
	v5 =	vld.idx.msk [tilespmem:v6+s14+$0x0], $0xffff  }
0x4d0: {  	[tilespmem:s29+$0x10] =	vst v0  }
0x4d1: {  	[tilespmem:s29+$0x20] =	vst v1  }
0x4d2: {  	[tilespmem:s29+$0x30] =	vst v2  }
0x4d3: {  	[tilespmem:s29+$0x40] =	vst v3  }
0x4d4: {  	[tilespmem:s29+$0x50] =	vst v4  }
0x4d5: {  	[tilespmem:s29+$0x60] =	vst v5  }
0x4d6: {  	s29 =	rddreg [dreg:$0x17]  }
0x4d7: {  	[hbm4b:s29+s12] =	stream.strided.scatter [tilespmem:s25], [sflag:$0x4], $0x800, s13, s12, $0x38;
	[tilespmem:$0x1E900] =	vst v63  }
0x4d8: {  	_ = 	snop  }
0x4d9: {  	[tilespmem:s17], [sflag:$0x3] =	stream.linear.gather [hbm4b:s10+s3], $0x800, $0x38;
	[tilespmem:$0x1E900] =	vst v63  }
0x4da: {  	_ =	swait.ge [sflag:s23], $0x800  }
0x4db: {  	[sflag:s23] =	ssyncset.done $0x0  }
0x4dc: {  	[sflag:s23] =	ssyncadd.s32 $0xFFFFF800  }
0x4dd: {  	_ =	swait.ge [sflag:s26], $0x800  }
0x4de: {  	[sflag:s26] =	ssyncset.done $0x0  }
0x4df: {  	s29 =	simm.s32 $0x280;
	[sflag:s26] =	ssyncadd.s32 $0xFFFFF800  }
0x4e0: {  	v0 =	vld [tilespmem:s29+$0x70]  }
0x4e1: {  	v1 =	vld [tilespmem:s29+$0xFFFFFF90]  }
0x4e2: {  	v2 =	vld [tilespmem:s29+$0xFFFFFFA0]  }
0x4e3: {  	v3 =	vld [tilespmem:s29+$0xFFFFFFB0]  }
0x4e4: {  	v4 =	vld [tilespmem:s29+$0xFFFFFFC0]  }
0x4e5: {  	v5 =	vld [tilespmem:s29+$0xFFFFFFD0]  }
0x4e6: {  	v6 =	vld [tilespmem:s29+$0xFFFFFFE0]  }
0x4e7: {  	v7 =	vld [tilespmem:s29+$0xFFFFFFF0]  }
0x4e8: {  	v8 =	vld [tilespmem:s29+$0x0]  }
0x4e9: {  	v9 =	vld [tilespmem:s29+$0x10]  }
0x4ea: {  	v10 =	vld [tilespmem:s29+$0x20]  }
0x4eb: {  	v11 =	vld [tilespmem:s29+$0x30]  }
0x4ec: {  	v12 =	vld [tilespmem:s29+$0x40]  }
0x4ed: {  	v13 =	vld [tilespmem:s29+$0x50]  }
0x4ee: {  	v14 =	vld [tilespmem:s29+$0x60]  }
0x4ef: {  	v15 =	vld [tilespmem:s29+$0xFFFFFF80]  }
0x4f0: {  	v0 =	vld.idx.msk [tilespmem:v0+s14+$0x0], $0xffff  }
0x4f1: {  	v1 =	vld.idx.msk [tilespmem:v1+s14+$0x0], $0xffff  }
0x4f2: {  	v2 =	vld.idx.msk [tilespmem:v2+s14+$0x0], $0xffff  }
0x4f3: {  	v3 =	vld.idx.msk [tilespmem:v3+s14+$0x0], $0xffff  }
0x4f4: {  	v4 =	vld.idx.msk [tilespmem:v4+s14+$0x0], $0xffff  }
0x4f5: {  	s29 =	simm.s32 $0x19980;
	v5 =	vld.idx.msk [tilespmem:v5+s14+$0x0], $0xffff  }
0x4f6: {  	v6 =	vld.idx.msk [tilespmem:v6+s14+$0x0], $0xffff;
	[tilespmem:s29+$0x70] =	vst v0  }
0x4f7: {  	v7 =	vld.idx.msk [tilespmem:v7+s14+$0x0], $0xffff;
	[tilespmem:s29+$0xFFFFFF90] =	vst v1  }
0x4f8: {  	v15 =	vld.idx.msk [tilespmem:v15+s14+$0x0], $0xffff;
	[tilespmem:s29+$0xFFFFFFA0] =	vst v2  }
0x4f9: {  	v8 =	vld.idx.msk [tilespmem:v8+s14+$0x0], $0xffff;
	[tilespmem:s29+$0xFFFFFFB0] =	vst v3  }
0x4fa: {  	[tilespmem:s29+$0xFFFFFFC0] =	vst v4;
	v0 =	vld.idx.msk [tilespmem:v9+s14+$0x0], $0xffff  }
0x4fb: {  	[tilespmem:s29+$0xFFFFFFD0] =	vst v5;
	v1 =	vld.idx.msk [tilespmem:v10+s14+$0x0], $0xffff  }
0x4fc: {  	[tilespmem:s29+$0xFFFFFFE0] =	vst v6;
	v2 =	vld.idx.msk [tilespmem:v11+s14+$0x0], $0xffff  }
0x4fd: {  	[tilespmem:s29+$0xFFFFFFF0] =	vst v7;
	v3 =	vld.idx.msk [tilespmem:v12+s14+$0x0], $0xffff  }
0x4fe: {  	[tilespmem:s29+$0xFFFFFF80] =	vst v15;
	v4 =	vld.idx.msk [tilespmem:v13+s14+$0x0], $0xffff  }
0x4ff: {  	s30 =	simm.s32 $0x0;
	s31 =	simm.s32 $0x380;
	[tilespmem:s29+$0x0] =	vst v8;
	v5 =	vld.idx.msk [tilespmem:v14+s14+$0x0], $0xffff  }
.LBB2_30:
0x500: {  	v6 =	vld [tilespmem:s31+$0x70];
	s30 =	sadd.s32 $0x10, s30;
	[tilespmem:s29+$0x10] =	vst v0  }
0x501: {  	v0 =	vld [tilespmem:s31+$0xFFFFFF90];
	p0 =	slt.u32 s30, $0x70;
	[tilespmem:s29+$0x20] =	vst v1  }
0x502: {  	v1 =	vld [tilespmem:s31+$0xFFFFFFA0];
	[tilespmem:s29+$0x30] =	vst v2  }
0x503: {  	v2 =	vld [tilespmem:s31+$0xFFFFFFB0];
	[tilespmem:s29+$0x40] =	vst v3  }
0x504: {  	v3 =	vld [tilespmem:s31+$0xFFFFFFC0];
	[tilespmem:s29+$0x50] =	vst v4  }
0x505: {  	v4 =	vld [tilespmem:s31+$0xFFFFFFD0];
	[tilespmem:s29+$0x60] =	vst v5  }
0x506: {  	v5 =	vld [tilespmem:s31+$0xFFFFFFE0]  }
0x507: {  	v7 =	vld [tilespmem:s31+$0xFFFFFFF0]  }
0x508: {  	v6 =	vld.idx.msk [tilespmem:v6+s14+$0x0], $0xffff  }
0x509: {  	v8 =	vld [tilespmem:s31+$0x0]  }
0x50a: {  	v9 =	vld [tilespmem:s31+$0x10]  }
0x50b: {  	v10 =	vld [tilespmem:s31+$0x20]  }
0x50c: {  	v11 =	vld [tilespmem:s31+$0x30]  }
0x50d: {  	s29 =	sadd.s32 $0x100, s29;
	v12 =	vld [tilespmem:s31+$0x40]  }
0x50e: {  	v13 =	vld [tilespmem:s31+$0x50];
	[tilespmem:s29+$0x70] =	vst v6  }
0x50f: {  	v6 =	vld [tilespmem:s31+$0x60]  }
0x510: {  	v14 =	vld [tilespmem:s31+$0xFFFFFF80]  }
0x511: {  	v0 =	vld.idx.msk [tilespmem:v0+s14+$0x0], $0xffff  }
0x512: {  	v1 =	vld.idx.msk [tilespmem:v1+s14+$0x0], $0xffff  }
0x513: {  	v2 =	vld.idx.msk [tilespmem:v2+s14+$0x0], $0xffff  }
0x514: {  	v3 =	vld.idx.msk [tilespmem:v3+s14+$0x0], $0xffff  }
0x515: {  	v4 =	vld.idx.msk [tilespmem:v4+s14+$0x0], $0xffff  }
0x516: {  	v5 =	vld.idx.msk [tilespmem:v5+s14+$0x0], $0xffff  }
0x517: {  	[tilespmem:s29+$0xFFFFFF90] =	vst v0;
	v7 =	vld.idx.msk [tilespmem:v7+s14+$0x0], $0xffff  }
0x518: {  	v14 =	vld.idx.msk [tilespmem:v14+s14+$0x0], $0xffff;
	[tilespmem:s29+$0xFFFFFFA0] =	vst v1  }
0x519: {  	[tilespmem:s29+$0xFFFFFFB0] =	vst v2;
	v8 =	vld.idx.msk [tilespmem:v8+s14+$0x0], $0xffff  }
0x51a: {  	[tilespmem:s29+$0xFFFFFFC0] =	vst v3;
	v0 =	vld.idx.msk [tilespmem:v9+s14+$0x0], $0xffff  }
.Ltmp14:
0x51b: {  	[tilespmem:s29+$0xFFFFFFD0] =	vst v4;
	v1 =	vld.idx.msk [tilespmem:v10+s14+$0x0], $0xffff;
	(pc) =	sbr.rel @p0 .LBB2_30-.Ltmp14, $4  }
0x51c: {  	[tilespmem:s29+$0xFFFFFFE0] =	vst v5;
	v2 =	vld.idx.msk [tilespmem:v11+s14+$0x0], $0xffff  }
0x51d: {  	[tilespmem:s29+$0xFFFFFFF0] =	vst v7;
	v3 =	vld.idx.msk [tilespmem:v12+s14+$0x0], $0xffff  }
0x51e: {  	[tilespmem:s29+$0xFFFFFF80] =	vst v14;
	v4 =	vld.idx.msk [tilespmem:v13+s14+$0x0], $0xffff  }
0x51f: {  	s31 =	sadd.s32 $0x100, s31;
	[tilespmem:s29+$0x0] =	vst v8;
	v5 =	vld.idx.msk [tilespmem:v6+s14+$0x0], $0xffff  }
0x520: {  	[tilespmem:s29+$0x10] =	vst v0  }
0x521: {  	[tilespmem:s29+$0x20] =	vst v1  }
0x522: {  	[tilespmem:s29+$0x30] =	vst v2  }
0x523: {  	[tilespmem:s29+$0x40] =	vst v3  }
0x524: {  	[tilespmem:s29+$0x50] =	vst v4  }
0x525: {  	[tilespmem:s29+$0x60] =	vst v5  }
0x526: {  	s29 =	rddreg [dreg:$0x18]  }
0x527: {  	[hbm4b:s29+s12] =	stream.strided.scatter [tilespmem:s24], [sflag:$0x4], $0x800, s13, s12, $0x38;
	[tilespmem:$0x1E900] =	vst v63  }
0x528: {  	_ =	swait.ge [sflag:s23], $0x800  }
0x529: {  	[sflag:s23] =	ssyncset.done $0x0  }
0x52a: {  	[sflag:s23] =	ssyncadd.s32 $0xFFFFF800  }
0x52b: {  	_ =	swait.ge [sflag:s26], $0x800  }
0x52c: {  	[sflag:s26] =	ssyncset.done $0x0  }
0x52d: {  	s29 =	simm.s32 $0xA80;
	[sflag:s26] =	ssyncadd.s32 $0xFFFFF800  }
0x52e: {  	v0 =	vld [tilespmem:s29+$0x70]  }
0x52f: {  	v1 =	vld [tilespmem:s29+$0xFFFFFF90]  }
0x530: {  	v2 =	vld [tilespmem:s29+$0xFFFFFFA0]  }
0x531: {  	v3 =	vld [tilespmem:s29+$0xFFFFFFB0]  }
0x532: {  	v4 =	vld [tilespmem:s29+$0xFFFFFFC0]  }
0x533: {  	v5 =	vld [tilespmem:s29+$0xFFFFFFD0]  }
0x534: {  	v6 =	vld [tilespmem:s29+$0xFFFFFFE0]  }
0x535: {  	v7 =	vld [tilespmem:s29+$0xFFFFFFF0]  }
0x536: {  	v8 =	vld [tilespmem:s29+$0x0]  }
0x537: {  	v9 =	vld [tilespmem:s29+$0x10]  }
0x538: {  	v10 =	vld [tilespmem:s29+$0x20]  }
0x539: {  	v11 =	vld [tilespmem:s29+$0x30]  }
0x53a: {  	v12 =	vld [tilespmem:s29+$0x40]  }
0x53b: {  	v13 =	vld [tilespmem:s29+$0x50]  }
0x53c: {  	v14 =	vld [tilespmem:s29+$0x60]  }
0x53d: {  	v15 =	vld [tilespmem:s29+$0xFFFFFF80]  }
0x53e: {  	v0 =	vld.idx.msk [tilespmem:v0+s14+$0x0], $0xffff  }
0x53f: {  	v1 =	vld.idx.msk [tilespmem:v1+s14+$0x0], $0xffff  }
0x540: {  	v2 =	vld.idx.msk [tilespmem:v2+s14+$0x0], $0xffff  }
0x541: {  	v3 =	vld.idx.msk [tilespmem:v3+s14+$0x0], $0xffff  }
0x542: {  	v4 =	vld.idx.msk [tilespmem:v4+s14+$0x0], $0xffff  }
0x543: {  	s29 =	simm.s32 $0x1A180;
	v5 =	vld.idx.msk [tilespmem:v5+s14+$0x0], $0xffff  }
0x544: {  	v6 =	vld.idx.msk [tilespmem:v6+s14+$0x0], $0xffff;
	[tilespmem:s29+$0x70] =	vst v0  }
0x545: {  	v7 =	vld.idx.msk [tilespmem:v7+s14+$0x0], $0xffff;
	[tilespmem:s29+$0xFFFFFF90] =	vst v1  }
0x546: {  	v15 =	vld.idx.msk [tilespmem:v15+s14+$0x0], $0xffff;
	[tilespmem:s29+$0xFFFFFFA0] =	vst v2  }
0x547: {  	v8 =	vld.idx.msk [tilespmem:v8+s14+$0x0], $0xffff;
	[tilespmem:s29+$0xFFFFFFB0] =	vst v3  }
0x548: {  	[tilespmem:s29+$0xFFFFFFC0] =	vst v4;
	v0 =	vld.idx.msk [tilespmem:v9+s14+$0x0], $0xffff  }
0x549: {  	[tilespmem:s29+$0xFFFFFFD0] =	vst v5;
	v1 =	vld.idx.msk [tilespmem:v10+s14+$0x0], $0xffff  }
0x54a: {  	[tilespmem:s29+$0xFFFFFFE0] =	vst v6;
	v2 =	vld.idx.msk [tilespmem:v11+s14+$0x0], $0xffff  }
0x54b: {  	[tilespmem:s29+$0xFFFFFFF0] =	vst v7;
	v3 =	vld.idx.msk [tilespmem:v12+s14+$0x0], $0xffff  }
0x54c: {  	[tilespmem:s29+$0xFFFFFF80] =	vst v15;
	v4 =	vld.idx.msk [tilespmem:v13+s14+$0x0], $0xffff  }
0x54d: {  	s30 =	simm.s32 $0x0;
	s31 =	simm.s32 $0xB80;
	[tilespmem:s29+$0x0] =	vst v8;
	v5 =	vld.idx.msk [tilespmem:v14+s14+$0x0], $0xffff  }
.LBB2_32:
0x54e: {  	v6 =	vld [tilespmem:s31+$0x70];
	s30 =	sadd.s32 $0x10, s30;
	[tilespmem:s29+$0x10] =	vst v0  }
0x54f: {  	v0 =	vld [tilespmem:s31+$0xFFFFFF90];
	p0 =	slt.u32 s30, $0x70;
	[tilespmem:s29+$0x20] =	vst v1  }
0x550: {  	v1 =	vld [tilespmem:s31+$0xFFFFFFA0];
	[tilespmem:s29+$0x30] =	vst v2  }
0x551: {  	v2 =	vld [tilespmem:s31+$0xFFFFFFB0];
	[tilespmem:s29+$0x40] =	vst v3  }
0x552: {  	v3 =	vld [tilespmem:s31+$0xFFFFFFC0];
	[tilespmem:s29+$0x50] =	vst v4  }
0x553: {  	v4 =	vld [tilespmem:s31+$0xFFFFFFD0];
	[tilespmem:s29+$0x60] =	vst v5  }
0x554: {  	v5 =	vld [tilespmem:s31+$0xFFFFFFE0]  }
0x555: {  	v7 =	vld [tilespmem:s31+$0xFFFFFFF0]  }
0x556: {  	v6 =	vld.idx.msk [tilespmem:v6+s14+$0x0], $0xffff  }
0x557: {  	v8 =	vld [tilespmem:s31+$0x0]  }
0x558: {  	v9 =	vld [tilespmem:s31+$0x10]  }
0x559: {  	v10 =	vld [tilespmem:s31+$0x20]  }
0x55a: {  	v11 =	vld [tilespmem:s31+$0x30]  }
0x55b: {  	s29 =	sadd.s32 $0x100, s29;
	v12 =	vld [tilespmem:s31+$0x40]  }
0x55c: {  	v13 =	vld [tilespmem:s31+$0x50];
	[tilespmem:s29+$0x70] =	vst v6  }
0x55d: {  	v6 =	vld [tilespmem:s31+$0x60]  }
0x55e: {  	v14 =	vld [tilespmem:s31+$0xFFFFFF80]  }
0x55f: {  	v0 =	vld.idx.msk [tilespmem:v0+s14+$0x0], $0xffff  }
0x560: {  	v1 =	vld.idx.msk [tilespmem:v1+s14+$0x0], $0xffff  }
0x561: {  	v2 =	vld.idx.msk [tilespmem:v2+s14+$0x0], $0xffff  }
0x562: {  	v3 =	vld.idx.msk [tilespmem:v3+s14+$0x0], $0xffff  }
0x563: {  	v4 =	vld.idx.msk [tilespmem:v4+s14+$0x0], $0xffff  }
0x564: {  	v5 =	vld.idx.msk [tilespmem:v5+s14+$0x0], $0xffff  }
0x565: {  	[tilespmem:s29+$0xFFFFFF90] =	vst v0;
	v7 =	vld.idx.msk [tilespmem:v7+s14+$0x0], $0xffff  }
0x566: {  	v14 =	vld.idx.msk [tilespmem:v14+s14+$0x0], $0xffff;
	[tilespmem:s29+$0xFFFFFFA0] =	vst v1  }
0x567: {  	[tilespmem:s29+$0xFFFFFFB0] =	vst v2;
	v8 =	vld.idx.msk [tilespmem:v8+s14+$0x0], $0xffff  }
0x568: {  	[tilespmem:s29+$0xFFFFFFC0] =	vst v3;
	v0 =	vld.idx.msk [tilespmem:v9+s14+$0x0], $0xffff  }
.Ltmp15:
0x569: {  	[tilespmem:s29+$0xFFFFFFD0] =	vst v4;
	v1 =	vld.idx.msk [tilespmem:v10+s14+$0x0], $0xffff;
	(pc) =	sbr.rel @p0 .LBB2_32-.Ltmp15, $4  }
0x56a: {  	[tilespmem:s29+$0xFFFFFFE0] =	vst v5;
	v2 =	vld.idx.msk [tilespmem:v11+s14+$0x0], $0xffff  }
0x56b: {  	[tilespmem:s29+$0xFFFFFFF0] =	vst v7;
	v3 =	vld.idx.msk [tilespmem:v12+s14+$0x0], $0xffff  }
0x56c: {  	[tilespmem:s29+$0xFFFFFF80] =	vst v14;
	v4 =	vld.idx.msk [tilespmem:v13+s14+$0x0], $0xffff  }
0x56d: {  	s31 =	sadd.s32 $0x100, s31;
	[tilespmem:s29+$0x0] =	vst v8;
	v5 =	vld.idx.msk [tilespmem:v6+s14+$0x0], $0xffff  }
0x56e: {  	[tilespmem:s29+$0x10] =	vst v0  }
0x56f: {  	[tilespmem:s29+$0x20] =	vst v1  }
0x570: {  	[tilespmem:s29+$0x30] =	vst v2  }
0x571: {  	[tilespmem:s29+$0x40] =	vst v3  }
0x572: {  	[tilespmem:s29+$0x50] =	vst v4  }
0x573: {  	[tilespmem:s29+$0x60] =	vst v5  }
0x574: {  	s28 =	sadd.s32 $0x1, s28;
	s29 =	rddreg [dreg:$0x19]  }
0x575: {  	[hbm4b:s29+s12] =	stream.strided.scatter [tilespmem:s25], [sflag:$0x4], $0x800, s13, s12, $0x38;
	[tilespmem:$0x1E900] =	vst v63  }
0x576: {  	p0 =	sne.s32 s28, s0;
	_ =	swait.ge [sflag:s26], $0x800  }
.Ltmp16:
0x577: {  	[sflag:s26] =	ssyncset.done $0x0;
	(pc) =	sbr.rel @p0 .LBB2_1-.Ltmp16, $4  }
0x578: {  	[sflag:s26] =	ssyncadd.s32 $0xFFFFF800  }
0x579: {  	_ =	swait.ge [sflag:s26], $0x800  }
0x57a: {  	[sflag:s26] =	ssyncset.done $0x0  }
0x57b: {  	[sflag:s26] =	ssyncadd.s32 $0xFFFFF800  }
0x57c: {  	_ =	sfence.sel $0x180000  }
0x57d: {  	[bflag:$0x0] =	sbarrier.arrive $0xFFFF  }
0x57e: {  	_ =	strace $0x90000047  }
0x57f: {  	s0 =	stileid.u32;
	[bflag:$0x2] =	sbarrier.arrive $0xFFFF  }
0x580: {  	p0 =	sne.s32 s0, $0x0;
	s0 =	rddreg [dreg:$0x6]  }
0x581: {  	s0 =	sadd.s32 @!p0 $0x100000, s0  }
0x582: {  	[sflag:s0] =	ssyncadd.tile.s32 @!p0 $0x1;
	_ =	shalt  }
.Lfunc_end2:
_tile_overlayer_lowered:
.L_overlay_start_2:
0x583: {  	(tag) =	ssettag $0x2  }
0x584: {  	s0 =	rddreg [dreg:$0x0];
	s2 =	stileid.u32  }
0x585: {  	s1 =	rddreg [dreg:$0x1];
	p0 =	sne.s32 s2, $0x0  }
0x586: {  	s3 =	rddreg [dreg:$0x2];
	[bflag:$0x3] =	sbarrier.arrive $0xFFFF;
	s2 =	simm.s32 @!p0 $0x1C05  }
0x587: {  	[timem:s3], [sflag:s2] =	dma.local @!p0 [hbm:s0], s1  }
0x588: {  	s0 =	simm.s32 @!p0 $0x5  }
0x589: {  	_ =	swait.ge @!p0 [sflag:s0], s1  }
0x58a: {  	s1 =	ssub.s32 @!p0 $0x0, s1;
	[sflag:s0] =	ssyncset.done @!p0 $0x0  }
0x58b: {  	[sflag:s0] =	ssyncadd.s32 @!p0 s1  }
0x58c: {  	[bflag:$0x3] =	sbarrier.arrive $0xFFFF  }
0x58d: {  	_ =	shalt  }

</sc_bundles>
